<compile_context>
chip_gen: v7x
topology: tpu7x:2x2x1
jax: 0.10.2.dev20260603
libtpu: 0.0.44.dev20260713+nightly
codegen_flags: <defaults>
</compile_context>

<pallas_src>
import jax
import jax.numpy as jnp
from jax import lax
from jax.experimental import pallas as pl
from jax.experimental.pallas import tpu as pltpu
from jax.experimental.pallas import tpu_sc as plsc

V = 10000
E = 320000
D = 128
VPAD = 10112
NSUB = 16
NCORE = 2
CHUNK = 128
KB = 40
NBLK = 4
PER_SUB = CHUNK * KB * NBLK
EPAD = PER_SUB * NSUB
RPS = VPAD // NSUB


def _matmuls(verts_pad, Wst, bst):
    def body(v_ref, w_ref, b_ref, o_ref):
        o_ref[0] = (
            jnp.dot(v_ref[...], w_ref[0], preferred_element_type=jnp.float32)
            + b_ref[0]
        )

    BR = 2528
    return pl.pallas_call(
        body,
        grid=(3, VPAD // BR),
        in_specs=[
            pl.BlockSpec((BR, D), lambda j, i: (i, 0)),
            pl.BlockSpec((1, D, D), lambda j, i: (j, 0, 0)),
            pl.BlockSpec((1, 1, D), lambda j, i: (j, 0, 0)),
        ],
        out_specs=pl.BlockSpec((1, BR, D), lambda j, i: (j, i, 0)),
        out_shape=jax.ShapeDtypeStruct((3, VPAD, D), jnp.float32),
    )(verts_pad, Wst, bst)


def _sc_body(of_hbm, ia_hbm, ib_hbm, out_hbm,
             acc, ia_v, ib_v, rows0, rows1, sem0, sem1, sem2, sem3):
    c = lax.axis_index("c")
    s = lax.axis_index("s")
    pltpu.sync_copy(of_hbm.at[pl.ds(c * VPAD + s * RPS, RPS)],
                    acc.at[pl.ds(s * RPS, RPS)])
    plsc.subcore_barrier()

    rows = (rows0, rows1)
    gsems = (sem0, sem1)
    ssems = (sem2, sem3)

    def blk(kb, carry):
        pltpu.sync_copy(ia_hbm.at[c, s, pl.ds(kb * KB, KB)], ia_v)
        pltpu.sync_copy(ib_hbm.at[c, s, pl.ds(kb * KB, KB)], ib_v)
        dg = {0: pltpu.async_copy(of_hbm.at[ib_v.at[0]], rows0, sem0)}
        ds = {}
        for j in range(KB):
            if j + 1 < KB:
                if j >= 1:
                    ds[j - 1].wait()
                dg[j + 1] = pltpu.async_copy(
                    of_hbm.at[ib_v.at[j + 1]], rows[(j + 1) % 2],
                    gsems[(j + 1) % 2])
            dg[j].wait()
            ds[j] = pltpu.async_copy(rows[j % 2], acc.at[ia_v.at[j]],
                                     ssems[j % 2], add=True)
        ds[KB - 2].wait()
        ds[KB - 1].wait()
        return carry

    lax.fori_loop(0, NBLK, blk, 0)
    plsc.subcore_barrier()
    pltpu.sync_copy(acc.at[pl.ds(s * RPS, RPS)],
                    out_hbm.at[c, pl.ds(s * RPS, RPS)])


def _sc_scatter(of, ia3, ib3):
    mesh = plsc.VectorSubcoreMesh(core_axis_name="c", subcore_axis_name="s")
    f = pl.kernel(
        _sc_body,
        out_type=jax.ShapeDtypeStruct((NCORE, VPAD, D), jnp.float32),
        mesh=mesh,
        scratch_types=[
            pltpu.VMEM_SHARED((VPAD, D), jnp.float32),
            pltpu.VMEM((KB, CHUNK), jnp.int32),
            pltpu.VMEM((KB, CHUNK), jnp.int32),
            pltpu.VMEM((CHUNK, D), jnp.float32),
            pltpu.VMEM((CHUNK, D), jnp.float32),
            pltpu.SemaphoreType.DMA,
            pltpu.SemaphoreType.DMA,
            pltpu.SemaphoreType.DMA,
            pltpu.SemaphoreType.DMA,
        ],
    )
    return f(of, ia3, ib3)


def _add(a, b):
    def body(a_ref, b_ref, o_ref):
        o_ref[...] = a_ref[...] + b_ref[...]

    BR = 2000
    return pl.pallas_call(
        body,
        grid=(V // BR,),
        in_specs=[
            pl.BlockSpec((BR, D), lambda i: (i, 0)),
            pl.BlockSpec((BR, D), lambda i: (i, 0)),
        ],
        out_specs=pl.BlockSpec((BR, D), lambda i: (i, 0)),
        out_shape=jax.ShapeDtypeStruct((V, D), jnp.float32),
    )(a, b)


def kernel(verts, edges, W0, b0, W1, b1):
    verts_pad = jnp.zeros((VPAD, D), jnp.float32).at[:V].set(verts)
    Wst = jnp.stack([W0, jnp.zeros_like(W0), W1])
    bst = jnp.stack([b0, jnp.zeros_like(b0), b1]).reshape(3, 1, D)
    Of = _matmuls(verts_pad, Wst, bst).reshape(3 * VPAD, D)

    e = edges.astype(jnp.int32)
    pad = jnp.full((EPAD - E,), V, jnp.int32)
    ia3 = jnp.stack([
        jnp.concatenate([e[:, 0], pad]),
        jnp.concatenate([e[:, 1], pad]),
    ]).reshape(NCORE, NSUB, KB * NBLK, CHUNK)
    ib3 = jnp.stack([
        jnp.concatenate([e[:, 1], pad]),
        jnp.concatenate([e[:, 0], pad]),
    ]).reshape(NCORE, NSUB, KB * NBLK, CHUNK) + 2 * VPAD

    partials = _sc_scatter(Of, ia3, ib3)
    return _add(partials[0, :V], partials[1, :V])

# --- scband reference (transcript-rebuilt; emitter-appended) ---
"""Pipeline reference for scband-graph-conv-90426241450592 (READ-ONLY COPY).

The authoritative reference and input builder live on the scoring server;
editing this copy changes nothing except your own understanding.
"""

import jax, jax.numpy as jnp
import numpy as np

N_VERTS = 10000
N_EDGES = 320000
IN_DIM = 128
OUT_DIM = 128
DIRECTED = False


def setup_inputs(seed: int = 0) -> dict:
    key = jax.random.key(seed)
    k_verts, k_edges, k_w0, k_w1 = jax.random.split(key, 4)
    verts = jax.random.normal(k_verts, (N_VERTS, IN_DIM), dtype=jnp.float32)
    edges = jax.random.randint(k_edges, (N_EDGES, 2), 0, N_VERTS, dtype=jnp.int64)
    # Dense kernels initialized with RandomNormal(mean=0, stddev=0.01), zero bias
    W0 = 0.01 * jax.random.normal(k_w0, (IN_DIM, OUT_DIM), dtype=jnp.float32)
    b0 = jnp.zeros((OUT_DIM,), dtype=jnp.float32)
    W1 = 0.01 * jax.random.normal(k_w1, (IN_DIM, OUT_DIM), dtype=jnp.float32)
    b1 = jnp.zeros((OUT_DIM,), dtype=jnp.float32)
    return {"verts": verts, "edges": edges, "W0": W0, "b0": b0, "W1": W1, "b1": b1}


def gather_scatter(verts, edges, directed=False):
    output = jnp.zeros_like(verts)
    gather_0 = jnp.take(verts, edges[:, 0], axis=0)
    gather_1 = jnp.take(verts, edges[:, 1], axis=0)
    output = output.at[edges[:, 0]].add(gather_1)
    if not directed:
        output = output.at[edges[:, 1]].add(gather_0)
    return output


def reference(verts, edges, W0, b0, W1, b1):
    verts_w0 = verts @ W0 + b0
    verts_w1 = verts @ W1 + b1
    neighbor_sums = gather_scatter(verts_w1, edges, DIRECTED)
    out = verts_w0 + neighbor_sums
    return out

if __name__ == "__main__":
    import jax
    _d = setup_inputs()
    print(jax.jit(kernel)(*tuple(_d.values())))

</pallas_src>

<mosaic_0001>
#map = affine_map<(d0, d1) -> (0, 0)>
#map1 = affine_map<(d0, d1) -> (0, 0, 0, 0)>
#map2 = affine_map<(d0, d1) -> (0, 0, 0)>
module attributes {stable_mosaic.version = 14 : i64} {
  func.func @_sc_body(%arg0: i32, %arg1: i32, %arg2: memref<30336x128xf32, #tpu.memory_space<hbm>>, %arg3: memref<2x16x160x128xi32, #tpu.memory_space<hbm>>, %arg4: memref<2x16x160x128xi32, #tpu.memory_space<hbm>>, %arg5: memref<2x10112x128xf32, #tpu.memory_space<hbm>>, %arg6: memref<10112x128xf32, #tpu.memory_space<vmem_shared>>, %arg7: memref<40x128xi32, #tpu.memory_space<vmem>>, %arg8: memref<40x128xi32, #tpu.memory_space<vmem>>, %arg9: memref<128x128xf32, #tpu.memory_space<vmem>>, %arg10: memref<128x128xf32, #tpu.memory_space<vmem>>, %arg11: memref<!tpu.dma_semaphore, #tpu.memory_space<semaphore_mem>>, %arg12: memref<!tpu.dma_semaphore, #tpu.memory_space<semaphore_mem>>, %arg13: memref<!tpu.dma_semaphore, #tpu.memory_space<semaphore_mem>>, %arg14: memref<!tpu.dma_semaphore, #tpu.memory_space<semaphore_mem>>) attributes {dimension_semantics = [#tpu.dimension_semantics<core_parallel>, #tpu.dimension_semantics<subcore_parallel>], iteration_bounds = array<i64: 2, 16>, scalar_prefetch = 0 : i64, scratch_operands = 9 : i64, tpu.core_type = #tpu.core_type<sc_vector_subcore>, window_params = [{transform_indices = #map}, {transform_indices = #map1}, {transform_indices = #map1}, {transform_indices = #map2}]} {
    %mul3A = arith.constant 10112 : i32
    %mul3A_0 = arith.muli %arg0, %mul3A : i32
    %mul3A_1 = arith.constant 632 : i32
    %mul3A_2 = arith.muli %arg1, %mul3A_1 : i32
    %add3A = arith.addi %mul3A_0, %mul3A_2 : i32
    %mul3A_3 = arith.constant 632 : i32
    %mul3A_4 = arith.muli %arg1, %mul3A_3 : i32
    "tpu.region"() ({
      %run_scoped3A = tpu.sem_alloc : memref<!tpu.dma_semaphore, #tpu.memory_space<semaphore_mem>>
      %dma_start3A = arith.constant 0 : i32
      %dma_start3A_15 = tpu.memref_slice %arg6[%mul3A_4, %dma_start3A] : memref<10112x128xf32, #tpu.memory_space<vmem_shared>> -> memref<632x128xf32, #tpu.memory_space<vmem_shared>>
      %dma_start3A_16 = arith.constant 0 : i32
      %dma_start3A_17 = tpu.memref_slice %arg2[%add3A, %dma_start3A_16] : memref<30336x128xf32, #tpu.memory_space<hbm>> -> memref<632x128xf32, #tpu.memory_space<hbm>>
      tpu.enqueue_dma source(%dma_start3A_17 : memref<632x128xf32, #tpu.memory_space<hbm>>) target(%dma_start3A_15 : memref<632x128xf32, #tpu.memory_space<vmem_shared>>) target_semaphore(%run_scoped3A : memref<!tpu.dma_semaphore, #tpu.memory_space<semaphore_mem>>)
      %dma_wait3A = arith.constant 0 : i32
      %dma_wait3A_18 = tpu.memref_slice %arg6[%mul3A_4, %dma_wait3A] : memref<10112x128xf32, #tpu.memory_space<vmem_shared>> -> memref<632x128xf32, #tpu.memory_space<vmem_shared>>
      %dma_wait3A_19 = arith.constant 0 : i32
      %dma_wait3A_20 = tpu.memref_slice %arg2[%add3A, %dma_wait3A_19] : memref<30336x128xf32, #tpu.memory_space<hbm>> -> memref<632x128xf32, #tpu.memory_space<hbm>>
      tpu.wait_dma2 semaphore(%run_scoped3A : memref<!tpu.dma_semaphore, #tpu.memory_space<semaphore_mem>>) src(%dma_wait3A_20 : memref<632x128xf32, #tpu.memory_space<hbm>>) dst(%dma_wait3A_18 : memref<632x128xf32, #tpu.memory_space<vmem_shared>>)
      tpu.yield
    }) : () -> ()
    %barrier3A = arith.constant 0 : index
    tpu.barrier barrier_id(%barrier3A)
    %scan3A = arith.constant 0 : i32
    %scan3A_5 = arith.constant 0 : i32
    %scan3A_6 = arith.constant 4 : i32
    %scan3A_7 = arith.addi %scan3A_5, %scan3A_6 : i32
    %scan3A_8 = arith.constant 1 : i32
    scf.for %scan3A_15 = %scan3A_5 to %scan3A_7 step %scan3A_8  : i32 {
      %mul3A_16 = arith.constant 40 : i32
      %mul3A_17 = arith.muli %scan3A_15, %mul3A_16 : i32
      "tpu.region"() ({
        %run_scoped3A = tpu.sem_alloc : memref<!tpu.dma_semaphore, #tpu.memory_space<semaphore_mem>>
        %dma_start3A_1138 = arith.constant 0 : i32
        %dma_start3A_1139 = tpu.memref_slice %arg3[%arg0, %arg1, %mul3A_17, %dma_start3A_1138] : memref<2x16x160x128xi32, #tpu.memory_space<hbm>> -> memref<1x1x40x128xi32, #tpu.memory_space<hbm>>
        %dma_start3A_1140 = tpu.memref_squeeze %dma_start3A_1139 : memref<1x1x40x128xi32, #tpu.memory_space<hbm>> -> memref<40x128xi32, #tpu.memory_space<hbm>>
        %dma_start3A_1141 = arith.constant 0 : i32
        %dma_start3A_1142 = tpu.memref_slice %arg3[%arg0, %arg1, %mul3A_17, %dma_start3A_1141] : memref<2x16x160x128xi32, #tpu.memory_space<hbm>> -> memref<1x1x40x128xi32, #tpu.memory_space<hbm>>
        %dma_start3A_1143 = tpu.memref_squeeze %dma_start3A_1142 : memref<1x1x40x128xi32, #tpu.memory_space<hbm>> -> memref<40x128xi32, #tpu.memory_space<hbm>>
        tpu.enqueue_dma source(%dma_start3A_1143 : memref<40x128xi32, #tpu.memory_space<hbm>>) target(%arg7 : memref<40x128xi32, #tpu.memory_space<vmem>>) target_semaphore(%run_scoped3A : memref<!tpu.dma_semaphore, #tpu.memory_space<semaphore_mem>>)
        %dma_wait3A_1144 = arith.constant 0 : i32
        %dma_wait3A_1145 = tpu.memref_slice %arg3[%arg0, %arg1, %mul3A_17, %dma_wait3A_1144] : memref<2x16x160x128xi32, #tpu.memory_space<hbm>> -> memref<1x1x40x128xi32, #tpu.memory_space<hbm>>
        %dma_wait3A_1146 = tpu.memref_squeeze %dma_wait3A_1145 : memref<1x1x40x128xi32, #tpu.memory_space<hbm>> -> memref<40x128xi32, #tpu.memory_space<hbm>>
        %dma_wait3A_1147 = arith.constant 0 : i32
        %dma_wait3A_1148 = tpu.memref_slice %arg3[%arg0, %arg1, %mul3A_17, %dma_wait3A_1147] : memref<2x16x160x128xi32, #tpu.memory_space<hbm>> -> memref<1x1x40x128xi32, #tpu.memory_space<hbm>>
        %dma_wait3A_1149 = tpu.memref_squeeze %dma_wait3A_1148 : memref<1x1x40x128xi32, #tpu.memory_space<hbm>> -> memref<40x128xi32, #tpu.memory_space<hbm>>
        tpu.wait_dma2 semaphore(%run_scoped3A : memref<!tpu.dma_semaphore, #tpu.memory_space<semaphore_mem>>) src(%dma_wait3A_1149 : memref<40x128xi32, #tpu.memory_space<hbm>>) dst(%arg7 : memref<40x128xi32, #tpu.memory_space<vmem>>)
        tpu.yield
      }) : () -> ()
      %mul3A_18 = arith.constant 40 : i32
      %mul3A_19 = arith.muli %scan3A_15, %mul3A_18 : i32
      "tpu.region"() ({
        %run_scoped3A = tpu.sem_alloc : memref<!tpu.dma_semaphore, #tpu.memory_space<semaphore_mem>>
        %dma_start3A_1138 = arith.constant 0 : i32
        %dma_start3A_1139 = tpu.memref_slice %arg4[%arg0, %arg1, %mul3A_19, %dma_start3A_1138] : memref<2x16x160x128xi32, #tpu.memory_space<hbm>> -> memref<1x1x40x128xi32, #tpu.memory_space<hbm>>
        %dma_start3A_1140 = tpu.memref_squeeze %dma_start3A_1139 : memref<1x1x40x128xi32, #tpu.memory_space<hbm>> -> memref<40x128xi32, #tpu.memory_space<hbm>>
        %dma_start3A_1141 = arith.constant 0 : i32
        %dma_start3A_1142 = tpu.memref_slice %arg4[%arg0, %arg1, %mul3A_19, %dma_start3A_1141] : memref<2x16x160x128xi32, #tpu.memory_space<hbm>> -> memref<1x1x40x128xi32, #tpu.memory_space<hbm>>
        %dma_start3A_1143 = tpu.memref_squeeze %dma_start3A_1142 : memref<1x1x40x128xi32, #tpu.memory_space<hbm>> -> memref<40x128xi32, #tpu.memory_space<hbm>>
        tpu.enqueue_dma source(%dma_start3A_1143 : memref<40x128xi32, #tpu.memory_space<hbm>>) target(%arg8 : memref<40x128xi32, #tpu.memory_space<vmem>>) target_semaphore(%run_scoped3A : memref<!tpu.dma_semaphore, #tpu.memory_space<semaphore_mem>>)
        %dma_wait3A_1144 = arith.constant 0 : i32
        %dma_wait3A_1145 = tpu.memref_slice %arg4[%arg0, %arg1, %mul3A_19, %dma_wait3A_1144] : memref<2x16x160x128xi32, #tpu.memory_space<hbm>> -> memref<1x1x40x128xi32, #tpu.memory_space<hbm>>
        %dma_wait3A_1146 = tpu.memref_squeeze %dma_wait3A_1145 : memref<1x1x40x128xi32, #tpu.memory_space<hbm>> -> memref<40x128xi32, #tpu.memory_space<hbm>>
        %dma_wait3A_1147 = arith.constant 0 : i32
        %dma_wait3A_1148 = tpu.memref_slice %arg4[%arg0, %arg1, %mul3A_19, %dma_wait3A_1147] : memref<2x16x160x128xi32, #tpu.memory_space<hbm>> -> memref<1x1x40x128xi32, #tpu.memory_space<hbm>>
        %dma_wait3A_1149 = tpu.memref_squeeze %dma_wait3A_1148 : memref<1x1x40x128xi32, #tpu.memory_space<hbm>> -> memref<40x128xi32, #tpu.memory_space<hbm>>
        tpu.wait_dma2 semaphore(%run_scoped3A : memref<!tpu.dma_semaphore, #tpu.memory_space<semaphore_mem>>) src(%dma_wait3A_1149 : memref<40x128xi32, #tpu.memory_space<hbm>>) dst(%arg8 : memref<40x128xi32, #tpu.memory_space<vmem>>)
        tpu.yield
      }) : () -> ()
      %dma_start3A = arith.constant 0 : i32
      %dma_start3A_20 = arith.constant 0 : i32
      %dma_start3A_21 = tpu.memref_slice %arg8[%dma_start3A, %dma_start3A_20] : memref<40x128xi32, #tpu.memory_space<vmem>> -> memref<1x128xi32, #tpu.memory_space<vmem>>
      %dma_start3A_22 = tpu.memref_squeeze %dma_start3A_21 : memref<1x128xi32, #tpu.memory_space<vmem>> -> memref<128xi32, #tpu.memory_space<vmem>>
      %dma_start3A_23 = arith.constant 0 : i32
      %dma_start3A_24 = arith.constant 0 : i32
      %dma_start3A_25 = tpu.memref_slice %arg2[%dma_start3A_23, %dma_start3A_24] : memref<30336x128xf32, #tpu.memory_space<hbm>> -> memref<30336x128xf32, #tpu.memory_space<hbm>>
      tpu.enqueue_indirect_dma source(%dma_start3A_25 : memref<30336x128xf32, #tpu.memory_space<hbm>>) target(%arg9 : memref<128x128xf32, #tpu.memory_space<vmem>>) offsets(%dma_start3A_22 : memref<128xi32, #tpu.memory_space<vmem>>) semaphore(%arg11 : memref<!tpu.dma_semaphore, #tpu.memory_space<semaphore_mem>>)
      %dma_start3A_26 = arith.constant 1 : i32
      %dma_start3A_27 = arith.constant 0 : i32
      %dma_start3A_28 = tpu.memref_slice %arg8[%dma_start3A_26, %dma_start3A_27] : memref<40x128xi32, #tpu.memory_space<vmem>> -> memref<1x128xi32, #tpu.memory_space<vmem>>
      %dma_start3A_29 = tpu.memref_squeeze %dma_start3A_28 : memref<1x128xi32, #tpu.memory_space<vmem>> -> memref<128xi32, #tpu.memory_space<vmem>>
      %dma_start3A_30 = arith.constant 0 : i32
      %dma_start3A_31 = arith.constant 0 : i32
      %dma_start3A_32 = tpu.memref_slice %arg2[%dma_start3A_30, %dma_start3A_31] : memref<30336x128xf32, #tpu.memory_space<hbm>> -> memref<30336x128xf32, #tpu.memory_space<hbm>>
      tpu.enqueue_indirect_dma source(%dma_start3A_32 : memref<30336x128xf32, #tpu.memory_space<hbm>>) target(%arg10 : memref<128x128xf32, #tpu.memory_space<vmem>>) offsets(%dma_start3A_29 : memref<128xi32, #tpu.memory_space<vmem>>) semaphore(%arg12 : memref<!tpu.dma_semaphore, #tpu.memory_space<semaphore_mem>>)
      %dma_wait3A = arith.constant 0 : i32
      %dma_wait3A_33 = arith.constant 0 : i32
      %dma_wait3A_34 = tpu.memref_slice %arg8[%dma_wait3A, %dma_wait3A_33] : memref<40x128xi32, #tpu.memory_space<vmem>> -> memref<1x128xi32, #tpu.memory_space<vmem>>
      %dma_wait3A_35 = tpu.memref_squeeze %dma_wait3A_34 : memref<1x128xi32, #tpu.memory_space<vmem>> -> memref<128xi32, #tpu.memory_space<vmem>>
      %dma_wait3A_36 = arith.constant 0 : i32
      %dma_wait3A_37 = arith.constant 0 : i32
      %dma_wait3A_38 = tpu.memref_slice %arg2[%dma_wait3A_36, %dma_wait3A_37] : memref<30336x128xf32, #tpu.memory_space<hbm>> -> memref<30336x128xf32, #tpu.memory_space<hbm>>
      tpu.wait_indirect_dma semaphore(%arg11 : memref<!tpu.dma_semaphore, #tpu.memory_space<semaphore_mem>>) src(%dma_wait3A_38 : memref<30336x128xf32, #tpu.memory_space<hbm>>) dst(%arg9 : memref<128x128xf32, #tpu.memory_space<vmem>>)
      %dma_start3A_39 = arith.constant 0 : i32
      %dma_start3A_40 = arith.constant 0 : i32
      %dma_start3A_41 = tpu.memref_slice %arg7[%dma_start3A_39, %dma_start3A_40] : memref<40x128xi32, #tpu.memory_space<vmem>> -> memref<1x128xi32, #tpu.memory_space<vmem>>
      %dma_start3A_42 = tpu.memref_squeeze %dma_start3A_41 : memref<1x128xi32, #tpu.memory_space<vmem>> -> memref<128xi32, #tpu.memory_space<vmem>>
      %dma_start3A_43 = arith.constant 0 : i32
      %dma_start3A_44 = arith.constant 0 : i32
      %dma_start3A_45 = tpu.memref_slice %arg6[%dma_start3A_43, %dma_start3A_44] : memref<10112x128xf32, #tpu.memory_space<vmem_shared>> -> memref<10112x128xf32, #tpu.memory_space<vmem_shared>>
      tpu.enqueue_indirect_dma source(%arg9 : memref<128x128xf32, #tpu.memory_space<vmem>>) target(%dma_start3A_45 : memref<10112x128xf32, #tpu.memory_space<vmem_shared>>) offsets(%dma_start3A_42 : memref<128xi32, #tpu.memory_space<vmem>>) semaphore(%arg13 : memref<!tpu.dma_semaphore, #tpu.memory_space<semaphore_mem>>) {add = true}
      %dma_wait3A_46 = arith.constant 0 : i32
      %dma_wait3A_47 = arith.constant 0 : i32
      %dma_wait3A_48 = tpu.memref_slice %arg7[%dma_wait3A_46, %dma_wait3A_47] : memref<40x128xi32, #tpu.memory_space<vmem>> -> memref<1x128xi32, #tpu.memory_space<vmem>>
      %dma_wait3A_49 = tpu.memref_squeeze %dma_wait3A_48 : memref<1x128xi32, #tpu.memory_space<vmem>> -> memref<128xi32, #tpu.memory_space<vmem>>
      %dma_wait3A_50 = arith.constant 0 : i32
      %dma_wait3A_51 = arith.constant 0 : i32
      %dma_wait3A_52 = tpu.memref_slice %arg6[%dma_wait3A_50, %dma_wait3A_51] : memref<10112x128xf32, #tpu.memory_space<vmem_shared>> -> memref<10112x128xf32, #tpu.memory_space<vmem_shared>>
      tpu.wait_indirect_dma semaphore(%arg13 : memref<!tpu.dma_semaphore, #tpu.memory_space<semaphore_mem>>) src(%arg9 : memref<128x128xf32, #tpu.memory_space<vmem>>) dst(%dma_wait3A_52 : memref<10112x128xf32, #tpu.memory_space<vmem_shared>>)
      %dma_start3A_53 = arith.constant 2 : i32
      %dma_start3A_54 = arith.constant 0 : i32
      %dma_start3A_55 = tpu.memref_slice %arg8[%dma_start3A_53, %dma_start3A_54] : memref<40x128xi32, #tpu.memory_space<vmem>> -> memref<1x128xi32, #tpu.memory_space<vmem>>
      %dma_start3A_56 = tpu.memref_squeeze %dma_start3A_55 : memref<1x128xi32, #tpu.memory_space<vmem>> -> memref<128xi32, #tpu.memory_space<vmem>>
      %dma_start3A_57 = arith.constant 0 : i32
      %dma_start3A_58 = arith.constant 0 : i32
      %dma_start3A_59 = tpu.memref_slice %arg2[%dma_start3A_57, %dma_start3A_58] : memref<30336x128xf32, #tpu.memory_space<hbm>> -> memref<30336x128xf32, #tpu.memory_space<hbm>>
      tpu.enqueue_indirect_dma source(%dma_start3A_59 : memref<30336x128xf32, #tpu.memory_space<hbm>>) target(%arg9 : memref<128x128xf32, #tpu.memory_space<vmem>>) offsets(%dma_start3A_56 : memref<128xi32, #tpu.memory_space<vmem>>) semaphore(%arg11 : memref<!tpu.dma_semaphore, #tpu.memory_space<semaphore_mem>>)
      %dma_wait3A_60 = arith.constant 1 : i32
      %dma_wait3A_61 = arith.constant 0 : i32
      %dma_wait3A_62 = tpu.memref_slice %arg8[%dma_wait3A_60, %dma_wait3A_61] : memref<40x128xi32, #tpu.memory_space<vmem>> -> memref<1x128xi32, #tpu.memory_space<vmem>>
      %dma_wait3A_63 = tpu.memref_squeeze %dma_wait3A_62 : memref<1x128xi32, #tpu.memory_space<vmem>> -> memref<128xi32, #tpu.memory_space<vmem>>
      %dma_wait3A_64 = arith.constant 0 : i32
      %dma_wait3A_65 = arith.constant 0 : i32
      %dma_wait3A_66 = tpu.memref_slice %arg2[%dma_wait3A_64, %dma_wait3A_65] : memref<30336x128xf32, #tpu.memory_space<hbm>> -> memref<30336x128xf32, #tpu.memory_space<hbm>>
      tpu.wait_indirect_dma semaphore(%arg12 : memref<!tpu.dma_semaphore, #tpu.memory_space<semaphore_mem>>) src(%dma_wait3A_66 : memref<30336x128xf32, #tpu.memory_space<hbm>>) dst(%arg10 : memref<128x128xf32, #tpu.memory_space<vmem>>)
      %dma_start3A_67 = arith.constant 1 : i32
      %dma_start3A_68 = arith.constant 0 : i32
      %dma_start3A_69 = tpu.memref_slice %arg7[%dma_start3A_67, %dma_start3A_68] : memref<40x128xi32, #tpu.memory_space<vmem>> -> memref<1x128xi32, #tpu.memory_space<vmem>>
      %dma_start3A_70 = tpu.memref_squeeze %dma_start3A_69 : memref<1x128xi32, #tpu.memory_space<vmem>> -> memref<128xi32, #tpu.memory_space<vmem>>
      %dma_start3A_71 = arith.constant 0 : i32
      %dma_start3A_72 = arith.constant 0 : i32
      %dma_start3A_73 = tpu.memref_slice %arg6[%dma_start3A_71, %dma_start3A_72] : memref<10112x128xf32, #tpu.memory_space<vmem_shared>> -> memref<10112x128xf32, #tpu.memory_space<vmem_shared>>
      tpu.enqueue_indirect_dma source(%arg10 : memref<128x128xf32, #tpu.memory_space<vmem>>) target(%dma_start3A_73 : memref<10112x128xf32, #tpu.memory_space<vmem_shared>>) offsets(%dma_start3A_70 : memref<128xi32, #tpu.memory_space<vmem>>) semaphore(%arg14 : memref<!tpu.dma_semaphore, #tpu.memory_space<semaphore_mem>>) {add = true}
      %dma_wait3A_74 = arith.constant 1 : i32
      %dma_wait3A_75 = arith.constant 0 : i32
      %dma_wait3A_76 = tpu.memref_slice %arg7[%dma_wait3A_74, %dma_wait3A_75] : memref<40x128xi32, #tpu.memory_space<vmem>> -> memref<1x128xi32, #tpu.memory_space<vmem>>
      %dma_wait3A_77 = tpu.memref_squeeze %dma_wait3A_76 : memref<1x128xi32, #tpu.memory_space<vmem>> -> memref<128xi32, #tpu.memory_space<vmem>>
      %dma_wait3A_78 = arith.constant 0 : i32
      %dma_wait3A_79 = arith.constant 0 : i32
      %dma_wait3A_80 = tpu.memref_slice %arg6[%dma_wait3A_78, %dma_wait3A_79] : memref<10112x128xf32, #tpu.memory_space<vmem_shared>> -> memref<10112x128xf32, #tpu.memory_space<vmem_shared>>
      tpu.wait_indirect_dma semaphore(%arg14 : memref<!tpu.dma_semaphore, #tpu.memory_space<semaphore_mem>>) src(%arg10 : memref<128x128xf32, #tpu.memory_space<vmem>>) dst(%dma_wait3A_80 : memref<10112x128xf32, #tpu.memory_space<vmem_shared>>)
      %dma_start3A_81 = arith.constant 3 : i32
      %dma_start3A_82 = arith.constant 0 : i32
      %dma_start3A_83 = tpu.memref_slice %arg8[%dma_start3A_81, %dma_start3A_82] : memref<40x128xi32, #tpu.memory_space<vmem>> -> memref<1x128xi32, #tpu.memory_space<vmem>>
      %dma_start3A_84 = tpu.memref_squeeze %dma_start3A_83 : memref<1x128xi32, #tpu.memory_space<vmem>> -> memref<128xi32, #tpu.memory_space<vmem>>
      %dma_start3A_85 = arith.constant 0 : i32
      %dma_start3A_86 = arith.constant 0 : i32
      %dma_start3A_87 = tpu.memref_slice %arg2[%dma_start3A_85, %dma_start3A_86] : memref<30336x128xf32, #tpu.memory_space<hbm>> -> memref<30336x128xf32, #tpu.memory_space<hbm>>
      tpu.enqueue_indirect_dma source(%dma_start3A_87 : memref<30336x128xf32, #tpu.memory_space<hbm>>) target(%arg10 : memref<128x128xf32, #tpu.memory_space<vmem>>) offsets(%dma_start3A_84 : memref<128xi32, #tpu.memory_space<vmem>>) semaphore(%arg12 : memref<!tpu.dma_semaphore, #tpu.memory_space<semaphore_mem>>)
      %dma_wait3A_88 = arith.constant 2 : i32
      %dma_wait3A_89 = arith.constant 0 : i32
      %dma_wait3A_90 = tpu.memref_slice %arg8[%dma_wait3A_88, %dma_wait3A_89] : memref<40x128xi32, #tpu.memory_space<vmem>> -> memref<1x128xi32, #tpu.memory_space<vmem>>
      %dma_wait3A_91 = tpu.memref_squeeze %dma_wait3A_90 : memref<1x128xi32, #tpu.memory_space<vmem>> -> memref<128xi32, #tpu.memory_space<vmem>>
      %dma_wait3A_92 = arith.constant 0 : i32
      %dma_wait3A_93 = arith.constant 0 : i32
      %dma_wait3A_94 = tpu.memref_slice %arg2[%dma_wait3A_92, %dma_wait3A_93] : memref<30336x128xf32, #tpu.memory_space<hbm>> -> memref<30336x128xf32, #tpu.memory_space<hbm>>
      tpu.wait_indirect_dma semaphore(%arg11 : memref<!tpu.dma_semaphore, #tpu.memory_space<semaphore_mem>>) src(%dma_wait3A_94 : memref<30336x128xf32, #tpu.memory_space<hbm>>) dst(%arg9 : memref<128x128xf32, #tpu.memory_space<vmem>>)
      %dma_start3A_95 = arith.constant 2 : i32
      %dma_start3A_96 = arith.constant 0 : i32
      %dma_start3A_97 = tpu.memref_slice %arg7[%dma_start3A_95, %dma_start3A_96] : memref<40x128xi32, #tpu.memory_space<vmem>> -> memref<1x128xi32, #tpu.memory_space<vmem>>
      %dma_start3A_98 = tpu.memref_squeeze %dma_start3A_97 : memref<1x128xi32, #tpu.memory_space<vmem>> -> memref<128xi32, #tpu.memory_space<vmem>>
      %dma_start3A_99 = arith.constant 0 : i32
      %dma_start3A_100 = arith.constant 0 : i32
      %dma_start3A_101 = tpu.memref_slice %arg6[%dma_start3A_99, %dma_start3A_100] : memref<10112x128xf32, #tpu.memory_space<vmem_shared>> -> memref<10112x128xf32, #tpu.memory_space<vmem_shared>>
      tpu.enqueue_indirect_dma source(%arg9 : memref<128x128xf32, #tpu.memory_space<vmem>>) target(%dma_start3A_101 : memref<10112x128xf32, #tpu.memory_space<vmem_shared>>) offsets(%dma_start3A_98 : memref<128xi32, #tpu.memory_space<vmem>>) semaphore(%arg13 : memref<!tpu.dma_semaphore, #tpu.memory_space<semaphore_mem>>) {add = true}
      %dma_wait3A_102 = arith.constant 2 : i32
      %dma_wait3A_103 = arith.constant 0 : i32
      %dma_wait3A_104 = tpu.memref_slice %arg7[%dma_wait3A_102, %dma_wait3A_103] : memref<40x128xi32, #tpu.memory_space<vmem>> -> memref<1x128xi32, #tpu.memory_space<vmem>>
      %dma_wait3A_105 = tpu.memref_squeeze %dma_wait3A_104 : memref<1x128xi32, #tpu.memory_space<vmem>> -> memref<128xi32, #tpu.memory_space<vmem>>
      %dma_wait3A_106 = arith.constant 0 : i32
      %dma_wait3A_107 = arith.constant 0 : i32
      %dma_wait3A_108 = tpu.memref_slice %arg6[%dma_wait3A_106, %dma_wait3A_107] : memref<10112x128xf32, #tpu.memory_space<vmem_shared>> -> memref<10112x128xf32, #tpu.memory_space<vmem_shared>>
      tpu.wait_indirect_dma semaphore(%arg13 : memref<!tpu.dma_semaphore, #tpu.memory_space<semaphore_mem>>) src(%arg9 : memref<128x128xf32, #tpu.memory_space<vmem>>) dst(%dma_wait3A_108 : memref<10112x128xf32, #tpu.memory_space<vmem_shared>>)
      %dma_start3A_109 = arith.constant 4 : i32
      %dma_start3A_110 = arith.constant 0 : i32
      %dma_start3A_111 = tpu.memref_slice %arg8[%dma_start3A_109, %dma_start3A_110] : memref<40x128xi32, #tpu.memory_space<vmem>> -> memref<1x128xi32, #tpu.memory_space<vmem>>
      %dma_start3A_112 = tpu.memref_squeeze %dma_start3A_111 : memref<1x128xi32, #tpu.memory_space<vmem>> -> memref<128xi32, #tpu.memory_space<vmem>>
      %dma_start3A_113 = arith.constant 0 : i32
      %dma_start3A_114 = arith.constant 0 : i32
      %dma_start3A_115 = tpu.memref_slice %arg2[%dma_start3A_113, %dma_start3A_114] : memref<30336x128xf32, #tpu.memory_space<hbm>> -> memref<30336x128xf32, #tpu.memory_space<hbm>>
      tpu.enqueue_indirect_dma source(%dma_start3A_115 : memref<30336x128xf32, #tpu.memory_space<hbm>>) target(%arg9 : memref<128x128xf32, #tpu.memory_space<vmem>>) offsets(%dma_start3A_112 : memref<128xi32, #tpu.memory_space<vmem>>) semaphore(%arg11 : memref<!tpu.dma_semaphore, #tpu.memory_space<semaphore_mem>>)
      %dma_wait3A_116 = arith.constant 3 : i32
      %dma_wait3A_117 = arith.constant 0 : i32
      %dma_wait3A_118 = tpu.memref_slice %arg8[%dma_wait3A_116, %dma_wait3A_117] : memref<40x128xi32, #tpu.memory_space<vmem>> -> memref<1x128xi32, #tpu.memory_space<vmem>>
      %dma_wait3A_119 = tpu.memref_squeeze %dma_wait3A_118 : memref<1x128xi32, #tpu.memory_space<vmem>> -> memref<128xi32, #tpu.memory_space<vmem>>
      %dma_wait3A_120 = arith.constant 0 : i32
      %dma_wait3A_121 = arith.constant 0 : i32
      %dma_wait3A_122 = tpu.memref_slice %arg2[%dma_wait3A_120, %dma_wait3A_121] : memref<30336x128xf32, #tpu.memory_space<hbm>> -> memref<30336x128xf32, #tpu.memory_space<hbm>>
      tpu.wait_indirect_dma semaphore(%arg12 : memref<!tpu.dma_semaphore, #tpu.memory_space<semaphore_mem>>) src(%dma_wait3A_122 : memref<30336x128xf32, #tpu.memory_space<hbm>>) dst(%arg10 : memref<128x128xf32, #tpu.memory_space<vmem>>)
      %dma_start3A_123 = arith.constant 3 : i32
      %dma_start3A_124 = arith.constant 0 : i32
      %dma_start3A_125 = tpu.memref_slice %arg7[%dma_start3A_123, %dma_start3A_124] : memref<40x128xi32, #tpu.memory_space<vmem>> -> memref<1x128xi32, #tpu.memory_space<vmem>>
      %dma_start3A_126 = tpu.memref_squeeze %dma_start3A_125 : memref<1x128xi32, #tpu.memory_space<vmem>> -> memref<128xi32, #tpu.memory_space<vmem>>
      %dma_start3A_127 = arith.constant 0 : i32
      %dma_start3A_128 = arith.constant 0 : i32
      %dma_start3A_129 = tpu.memref_slice %arg6[%dma_start3A_127, %dma_start3A_128] : memref<10112x128xf32, #tpu.memory_space<vmem_shared>> -> memref<10112x128xf32, #tpu.memory_space<vmem_shared>>
      tpu.enqueue_indirect_dma source(%arg10 : memref<128x128xf32, #tpu.memory_space<vmem>>) target(%dma_start3A_129 : memref<10112x128xf32, #tpu.memory_space<vmem_shared>>) offsets(%dma_start3A_126 : memref<128xi32, #tpu.memory_space<vmem>>) semaphore(%arg14 : memref<!tpu.dma_semaphore, #tpu.memory_space<semaphore_mem>>) {add = true}
      %dma_wait3A_130 = arith.constant 3 : i32
      %dma_wait3A_131 = arith.constant 0 : i32
      %dma_wait3A_132 = tpu.memref_slice %arg7[%dma_wait3A_130, %dma_wait3A_131] : memref<40x128xi32, #tpu.memory_space<vmem>> -> memref<1x128xi32, #tpu.memory_space<vmem>>
      %dma_wait3A_133 = tpu.memref_squeeze %dma_wait3A_132 : memref<1x128xi32, #tpu.memory_space<vmem>> -> memref<128xi32, #tpu.memory_space<vmem>>
      %dma_wait3A_134 = arith.constant 0 : i32
      %dma_wait3A_135 = arith.constant 0 : i32
      %dma_wait3A_136 = tpu.memref_slice %arg6[%dma_wait3A_134, %dma_wait3A_135] : memref<10112x128xf32, #tpu.memory_space<vmem_shared>> -> memref<10112x128xf32, #tpu.memory_space<vmem_shared>>
      tpu.wait_indirect_dma semaphore(%arg14 : memref<!tpu.dma_semaphore, #tpu.memory_space<semaphore_mem>>) src(%arg10 : memref<128x128xf32, #tpu.memory_space<vmem>>) dst(%dma_wait3A_136 : memref<10112x128xf32, #tpu.memory_space<vmem_shared>>)
      %dma_start3A_137 = arith.constant 5 : i32
      %dma_start3A_138 = arith.constant 0 : i32
      %dma_start3A_139 = tpu.memref_slice %arg8[%dma_start3A_137, %dma_start3A_138] : memref<40x128xi32, #tpu.memory_space<vmem>> -> memref<1x128xi32, #tpu.memory_space<vmem>>
      %dma_start3A_140 = tpu.memref_squeeze %dma_start3A_139 : memref<1x128xi32, #tpu.memory_space<vmem>> -> memref<128xi32, #tpu.memory_space<vmem>>
      %dma_start3A_141 = arith.constant 0 : i32
      %dma_start3A_142 = arith.constant 0 : i32
      %dma_start3A_143 = tpu.memref_slice %arg2[%dma_start3A_141, %dma_start3A_142] : memref<30336x128xf32, #tpu.memory_space<hbm>> -> memref<30336x128xf32, #tpu.memory_space<hbm>>
      tpu.enqueue_indirect_dma source(%dma_start3A_143 : memref<30336x128xf32, #tpu.memory_space<hbm>>) target(%arg10 : memref<128x128xf32, #tpu.memory_space<vmem>>) offsets(%dma_start3A_140 : memref<128xi32, #tpu.memory_space<vmem>>) semaphore(%arg12 : memref<!tpu.dma_semaphore, #tpu.memory_space<semaphore_mem>>)
      %dma_wait3A_144 = arith.constant 4 : i32
      %dma_wait3A_145 = arith.constant 0 : i32
      %dma_wait3A_146 = tpu.memref_slice %arg8[%dma_wait3A_144, %dma_wait3A_145] : memref<40x128xi32, #tpu.memory_space<vmem>> -> memref<1x128xi32, #tpu.memory_space<vmem>>
      %dma_wait3A_147 = tpu.memref_squeeze %dma_wait3A_146 : memref<1x128xi32, #tpu.memory_space<vmem>> -> memref<128xi32, #tpu.memory_space<vmem>>
      %dma_wait3A_148 = arith.constant 0 : i32
      %dma_wait3A_149 = arith.constant 0 : i32
      %dma_wait3A_150 = tpu.memref_slice %arg2[%dma_wait3A_148, %dma_wait3A_149] : memref<30336x128xf32, #tpu.memory_space<hbm>> -> memref<30336x128xf32, #tpu.memory_space<hbm>>
      tpu.wait_indirect_dma semaphore(%arg11 : memref<!tpu.dma_semaphore, #tpu.memory_space<semaphore_mem>>) src(%dma_wait3A_150 : memref<30336x128xf32, #tpu.memory_space<hbm>>) dst(%arg9 : memref<128x128xf32, #tpu.memory_space<vmem>>)
      %dma_start3A_151 = arith.constant 4 : i32
      %dma_start3A_152 = arith.constant 0 : i32
      %dma_start3A_153 = tpu.memref_slice %arg7[%dma_start3A_151, %dma_start3A_152] : memref<40x128xi32, #tpu.memory_space<vmem>> -> memref<1x128xi32, #tpu.memory_space<vmem>>
      %dma_start3A_154 = tpu.memref_squeeze %dma_start3A_153 : memref<1x128xi32, #tpu.memory_space<vmem>> -> memref<128xi32, #tpu.memory_space<vmem>>
      %dma_start3A_155 = arith.constant 0 : i32
      %dma_start3A_156 = arith.constant 0 : i32
      %dma_start3A_157 = tpu.memref_slice %arg6[%dma_start3A_155, %dma_start3A_156] : memref<10112x128xf32, #tpu.memory_space<vmem_shared>> -> memref<10112x128xf32, #tpu.memory_space<vmem_shared>>
      tpu.enqueue_indirect_dma source(%arg9 : memref<128x128xf32, #tpu.memory_space<vmem>>) target(%dma_start3A_157 : memref<10112x128xf32, #tpu.memory_space<vmem_shared>>) offsets(%dma_start3A_154 : memref<128xi32, #tpu.memory_space<vmem>>) semaphore(%arg13 : memref<!tpu.dma_semaphore, #tpu.memory_space<semaphore_mem>>) {add = true}
      %dma_wait3A_158 = arith.constant 4 : i32
      %dma_wait3A_159 = arith.constant 0 : i32
      %dma_wait3A_160 = tpu.memref_slice %arg7[%dma_wait3A_158, %dma_wait3A_159] : memref<40x128xi32, #tpu.memory_space<vmem>> -> memref<1x128xi32, #tpu.memory_space<vmem>>
      %dma_wait3A_161 = tpu.memref_squeeze %dma_wait3A_160 : memref<1x128xi32, #tpu.memory_space<vmem>> -> memref<128xi32, #tpu.memory_space<vmem>>
      %dma_wait3A_162 = arith.constant 0 : i32
      %dma_wait3A_163 = arith.constant 0 : i32
      %dma_wait3A_164 = tpu.memref_slice %arg6[%dma_wait3A_162, %dma_wait3A_163] : memref<10112x128xf32, #tpu.memory_space<vmem_shared>> -> memref<10112x128xf32, #tpu.memory_space<vmem_shared>>
      tpu.wait_indirect_dma semaphore(%arg13 : memref<!tpu.dma_semaphore, #tpu.memory_space<semaphore_mem>>) src(%arg9 : memref<128x128xf32, #tpu.memory_space<vmem>>) dst(%dma_wait3A_164 : memref<10112x128xf32, #tpu.memory_space<vmem_shared>>)
      %dma_start3A_165 = arith.constant 6 : i32
      %dma_start3A_166 = arith.constant 0 : i32
      %dma_start3A_167 = tpu.memref_slice %arg8[%dma_start3A_165, %dma_start3A_166] : memref<40x128xi32, #tpu.memory_space<vmem>> -> memref<1x128xi32, #tpu.memory_space<vmem>>
      %dma_start3A_168 = tpu.memref_squeeze %dma_start3A_167 : memref<1x128xi32, #tpu.memory_space<vmem>> -> memref<128xi32, #tpu.memory_space<vmem>>
      %dma_start3A_169 = arith.constant 0 : i32
      %dma_start3A_170 = arith.constant 0 : i32
      %dma_start3A_171 = tpu.memref_slice %arg2[%dma_start3A_169, %dma_start3A_170] : memref<30336x128xf32, #tpu.memory_space<hbm>> -> memref<30336x128xf32, #tpu.memory_space<hbm>>
      tpu.enqueue_indirect_dma source(%dma_start3A_171 : memref<30336x128xf32, #tpu.memory_space<hbm>>) target(%arg9 : memref<128x128xf32, #tpu.memory_space<vmem>>) offsets(%dma_start3A_168 : memref<128xi32, #tpu.memory_space<vmem>>) semaphore(%arg11 : memref<!tpu.dma_semaphore, #tpu.memory_space<semaphore_mem>>)
      %dma_wait3A_172 = arith.constant 5 : i32
      %dma_wait3A_173 = arith.constant 0 : i32
      %dma_wait3A_174 = tpu.memref_slice %arg8[%dma_wait3A_172, %dma_wait3A_173] : memref<40x128xi32, #tpu.memory_space<vmem>> -> memref<1x128xi32, #tpu.memory_space<vmem>>
      %dma_wait3A_175 = tpu.memref_squeeze %dma_wait3A_174 : memref<1x128xi32, #tpu.memory_space<vmem>> -> memref<128xi32, #tpu.memory_space<vmem>>
      %dma_wait3A_176 = arith.constant 0 : i32
      %dma_wait3A_177 = arith.constant 0 : i32
      %dma_wait3A_178 = tpu.memref_slice %arg2[%dma_wait3A_176, %dma_wait3A_177] : memref<30336x128xf32, #tpu.memory_space<hbm>> -> memref<30336x128xf32, #tpu.memory_space<hbm>>
      tpu.wait_indirect_dma semaphore(%arg12 : memref<!tpu.dma_semaphore, #tpu.memory_space<semaphore_mem>>) src(%dma_wait3A_178 : memref<30336x128xf32, #tpu.memory_space<hbm>>) dst(%arg10 : memref<128x128xf32, #tpu.memory_space<vmem>>)
      %dma_start3A_179 = arith.constant 5 : i32
      %dma_start3A_180 = arith.constant 0 : i32
      %dma_start3A_181 = tpu.memref_slice %arg7[%dma_start3A_179, %dma_start3A_180] : memref<40x128xi32, #tpu.memory_space<vmem>> -> memref<1x128xi32, #tpu.memory_space<vmem>>
      %dma_start3A_182 = tpu.memref_squeeze %dma_start3A_181 : memref<1x128xi32, #tpu.memory_space<vmem>> -> memref<128xi32, #tpu.memory_space<vmem>>
      %dma_start3A_183 = arith.constant 0 : i32
      %dma_start3A_184 = arith.constant 0 : i32
      %dma_start3A_185 = tpu.memref_slice %arg6[%dma_start3A_183, %dma_start3A_184] : memref<10112x128xf32, #tpu.memory_space<vmem_shared>> -> memref<10112x128xf32, #tpu.memory_space<vmem_shared>>
      tpu.enqueue_indirect_dma source(%arg10 : memref<128x128xf32, #tpu.memory_space<vmem>>) target(%dma_start3A_185 : memref<10112x128xf32, #tpu.memory_space<vmem_shared>>) offsets(%dma_start3A_182 : memref<128xi32, #tpu.memory_space<vmem>>) semaphore(%arg14 : memref<!tpu.dma_semaphore, #tpu.memory_space<semaphore_mem>>) {add = true}
      %dma_wait3A_186 = arith.constant 5 : i32
      %dma_wait3A_187 = arith.constant 0 : i32
      %dma_wait3A_188 = tpu.memref_slice %arg7[%dma_wait3A_186, %dma_wait3A_187] : memref<40x128xi32, #tpu.memory_space<vmem>> -> memref<1x128xi32, #tpu.memory_space<vmem>>
      %dma_wait3A_189 = tpu.memref_squeeze %dma_wait3A_188 : memref<1x128xi32, #tpu.memory_space<vmem>> -> memref<128xi32, #tpu.memory_space<vmem>>
      %dma_wait3A_190 = arith.constant 0 : i32
      %dma_wait3A_191 = arith.constant 0 : i32
      %dma_wait3A_192 = tpu.memref_slice %arg6[%dma_wait3A_190, %dma_wait3A_191] : memref<10112x128xf32, #tpu.memory_space<vmem_shared>> -> memref<10112x128xf32, #tpu.memory_space<vmem_shared>>
      tpu.wait_indirect_dma semaphore(%arg14 : memref<!tpu.dma_semaphore, #tpu.memory_space<semaphore_mem>>) src(%arg10 : memref<128x128xf32, #tpu.memory_space<vmem>>) dst(%dma_wait3A_192 : memref<10112x128xf32, #tpu.memory_space<vmem_shared>>)
      %dma_start3A_193 = arith.constant 7 : i32
      %dma_start3A_194 = arith.constant 0 : i32
      %dma_start3A_195 = tpu.memref_slice %arg8[%dma_start3A_193, %dma_start3A_194] : memref<40x128xi32, #tpu.memory_space<vmem>> -> memref<1x128xi32, #tpu.memory_space<vmem>>
      %dma_start3A_196 = tpu.memref_squeeze %dma_start3A_195 : memref<1x128xi32, #tpu.memory_space<vmem>> -> memref<128xi32, #tpu.memory_space<vmem>>
      %dma_start3A_197 = arith.constant 0 : i32
      %dma_start3A_198 = arith.constant 0 : i32
      %dma_start3A_199 = tpu.memref_slice %arg2[%dma_start3A_197, %dma_start3A_198] : memref<30336x128xf32, #tpu.memory_space<hbm>> -> memref<30336x128xf32, #tpu.memory_space<hbm>>
      tpu.enqueue_indirect_dma source(%dma_start3A_199 : memref<30336x128xf32, #tpu.memory_space<hbm>>) target(%arg10 : memref<128x128xf32, #tpu.memory_space<vmem>>) offsets(%dma_start3A_196 : memref<128xi32, #tpu.memory_space<vmem>>) semaphore(%arg12 : memref<!tpu.dma_semaphore, #tpu.memory_space<semaphore_mem>>)
      %dma_wait3A_200 = arith.constant 6 : i32
      %dma_wait3A_201 = arith.constant 0 : i32
      %dma_wait3A_202 = tpu.memref_slice %arg8[%dma_wait3A_200, %dma_wait3A_201] : memref<40x128xi32, #tpu.memory_space<vmem>> -> memref<1x128xi32, #tpu.memory_space<vmem>>
      %dma_wait3A_203 = tpu.memref_squeeze %dma_wait3A_202 : memref<1x128xi32, #tpu.memory_space<vmem>> -> memref<128xi32, #tpu.memory_space<vmem>>
      %dma_wait3A_204 = arith.constant 0 : i32
      %dma_wait3A_205 = arith.constant 0 : i32
      %dma_wait3A_206 = tpu.memref_slice %arg2[%dma_wait3A_204, %dma_wait3A_205] : memref<30336x128xf32, #tpu.memory_space<hbm>> -> memref<30336x128xf32, #tpu.memory_space<hbm>>
      tpu.wait_indirect_dma semaphore(%arg11 : memref<!tpu.dma_semaphore, #tpu.memory_space<semaphore_mem>>) src(%dma_wait3A_206 : memref<30336x128xf32, #tpu.memory_space<hbm>>) dst(%arg9 : memref<128x128xf32, #tpu.memory_space<vmem>>)
      %dma_start3A_207 = arith.constant 6 : i32
      %dma_start3A_208 = arith.constant 0 : i32
      %dma_start3A_209 = tpu.memref_slice %arg7[%dma_start3A_207, %dma_start3A_208] : memref<40x128xi32, #tpu.memory_space<vmem>> -> memref<1x128xi32, #tpu.memory_space<vmem>>
      %dma_start3A_210 = tpu.memref_squeeze %dma_start3A_209 : memref<1x128xi32, #tpu.memory_space<vmem>> -> memref<128xi32, #tpu.memory_space<vmem>>
      %dma_start3A_211 = arith.constant 0 : i32
      %dma_start3A_212 = arith.constant 0 : i32
      %dma_start3A_213 = tpu.memref_slice %arg6[%dma_start3A_211, %dma_start3A_212] : memref<10112x128xf32, #tpu.memory_space<vmem_shared>> -> memref<10112x128xf32, #tpu.memory_space<vmem_shared>>
      tpu.enqueue_indirect_dma source(%arg9 : memref<128x128xf32, #tpu.memory_space<vmem>>) target(%dma_start3A_213 : memref<10112x128xf32, #tpu.memory_space<vmem_shared>>) offsets(%dma_start3A_210 : memref<128xi32, #tpu.memory_space<vmem>>) semaphore(%arg13 : memref<!tpu.dma_semaphore, #tpu.memory_space<semaphore_mem>>) {add = true}
      %dma_wait3A_214 = arith.constant 6 : i32
      %dma_wait3A_215 = arith.constant 0 : i32
      %dma_wait3A_216 = tpu.memref_slice %arg7[%dma_wait3A_214, %dma_wait3A_215] : memref<40x128xi32, #tpu.memory_space<vmem>> -> memref<1x128xi32, #tpu.memory_space<vmem>>
      %dma_wait3A_217 = tpu.memref_squeeze %dma_wait3A_216 : memref<1x128xi32, #tpu.memory_space<vmem>> -> memref<128xi32, #tpu.memory_space<vmem>>
      %dma_wait3A_218 = arith.constant 0 : i32
      %dma_wait3A_219 = arith.constant 0 : i32
      %dma_wait3A_220 = tpu.memref_slice %arg6[%dma_wait3A_218, %dma_wait3A_219] : memref<10112x128xf32, #tpu.memory_space<vmem_shared>> -> memref<10112x128xf32, #tpu.memory_space<vmem_shared>>
      tpu.wait_indirect_dma semaphore(%arg13 : memref<!tpu.dma_semaphore, #tpu.memory_space<semaphore_mem>>) src(%arg9 : memref<128x128xf32, #tpu.memory_space<vmem>>) dst(%dma_wait3A_220 : memref<10112x128xf32, #tpu.memory_space<vmem_shared>>)
      %dma_start3A_221 = arith.constant 8 : i32
      %dma_start3A_222 = arith.constant 0 : i32
      %dma_start3A_223 = tpu.memref_slice %arg8[%dma_start3A_221, %dma_start3A_222] : memref<40x128xi32, #tpu.memory_space<vmem>> -> memref<1x128xi32, #tpu.memory_space<vmem>>
      %dma_start3A_224 = tpu.memref_squeeze %dma_start3A_223 : memref<1x128xi32, #tpu.memory_space<vmem>> -> memref<128xi32, #tpu.memory_space<vmem>>
      %dma_start3A_225 = arith.constant 0 : i32
      %dma_start3A_226 = arith.constant 0 : i32
      %dma_start3A_227 = tpu.memref_slice %arg2[%dma_start3A_225, %dma_start3A_226] : memref<30336x128xf32, #tpu.memory_space<hbm>> -> memref<30336x128xf32, #tpu.memory_space<hbm>>
      tpu.enqueue_indirect_dma source(%dma_start3A_227 : memref<30336x128xf32, #tpu.memory_space<hbm>>) target(%arg9 : memref<128x128xf32, #tpu.memory_space<vmem>>) offsets(%dma_start3A_224 : memref<128xi32, #tpu.memory_space<vmem>>) semaphore(%arg11 : memref<!tpu.dma_semaphore, #tpu.memory_space<semaphore_mem>>)
      %dma_wait3A_228 = arith.constant 7 : i32
      %dma_wait3A_229 = arith.constant 0 : i32
      %dma_wait3A_230 = tpu.memref_slice %arg8[%dma_wait3A_228, %dma_wait3A_229] : memref<40x128xi32, #tpu.memory_space<vmem>> -> memref<1x128xi32, #tpu.memory_space<vmem>>
      %dma_wait3A_231 = tpu.memref_squeeze %dma_wait3A_230 : memref<1x128xi32, #tpu.memory_space<vmem>> -> memref<128xi32, #tpu.memory_space<vmem>>
      %dma_wait3A_232 = arith.constant 0 : i32
      %dma_wait3A_233 = arith.constant 0 : i32
      %dma_wait3A_234 = tpu.memref_slice %arg2[%dma_wait3A_232, %dma_wait3A_233] : memref<30336x128xf32, #tpu.memory_space<hbm>> -> memref<30336x128xf32, #tpu.memory_space<hbm>>
      tpu.wait_indirect_dma semaphore(%arg12 : memref<!tpu.dma_semaphore, #tpu.memory_space<semaphore_mem>>) src(%dma_wait3A_234 : memref<30336x128xf32, #tpu.memory_space<hbm>>) dst(%arg10 : memref<128x128xf32, #tpu.memory_space<vmem>>)
      %dma_start3A_235 = arith.constant 7 : i32
      %dma_start3A_236 = arith.constant 0 : i32
      %dma_start3A_237 = tpu.memref_slice %arg7[%dma_start3A_235, %dma_start3A_236] : memref<40x128xi32, #tpu.memory_space<vmem>> -> memref<1x128xi32, #tpu.memory_space<vmem>>
      %dma_start3A_238 = tpu.memref_squeeze %dma_start3A_237 : memref<1x128xi32, #tpu.memory_space<vmem>> -> memref<128xi32, #tpu.memory_space<vmem>>
      %dma_start3A_239 = arith.constant 0 : i32
      %dma_start3A_240 = arith.constant 0 : i32
      %dma_start3A_241 = tpu.memref_slice %arg6[%dma_start3A_239, %dma_start3A_240] : memref<10112x128xf32, #tpu.memory_space<vmem_shared>> -> memref<10112x128xf32, #tpu.memory_space<vmem_shared>>
      tpu.enqueue_indirect_dma source(%arg10 : memref<128x128xf32, #tpu.memory_space<vmem>>) target(%dma_start3A_241 : memref<10112x128xf32, #tpu.memory_space<vmem_shared>>) offsets(%dma_start3A_238 : memref<128xi32, #tpu.memory_space<vmem>>) semaphore(%arg14 : memref<!tpu.dma_semaphore, #tpu.memory_space<semaphore_mem>>) {add = true}
      %dma_wait3A_242 = arith.constant 7 : i32
      %dma_wait3A_243 = arith.constant 0 : i32
      %dma_wait3A_244 = tpu.memref_slice %arg7[%dma_wait3A_242, %dma_wait3A_243] : memref<40x128xi32, #tpu.memory_space<vmem>> -> memref<1x128xi32, #tpu.memory_space<vmem>>
      %dma_wait3A_245 = tpu.memref_squeeze %dma_wait3A_244 : memref<1x128xi32, #tpu.memory_space<vmem>> -> memref<128xi32, #tpu.memory_space<vmem>>
      %dma_wait3A_246 = arith.constant 0 : i32
      %dma_wait3A_247 = arith.constant 0 : i32
      %dma_wait3A_248 = tpu.memref_slice %arg6[%dma_wait3A_246, %dma_wait3A_247] : memref<10112x128xf32, #tpu.memory_space<vmem_shared>> -> memref<10112x128xf32, #tpu.memory_space<vmem_shared>>
      tpu.wait_indirect_dma semaphore(%arg14 : memref<!tpu.dma_semaphore, #tpu.memory_space<semaphore_mem>>) src(%arg10 : memref<128x128xf32, #tpu.memory_space<vmem>>) dst(%dma_wait3A_248 : memref<10112x128xf32, #tpu.memory_space<vmem_shared>>)
      %dma_start3A_249 = arith.constant 9 : i32
      %dma_start3A_250 = arith.constant 0 : i32
      %dma_start3A_251 = tpu.memref_slice %arg8[%dma_start3A_249, %dma_start3A_250] : memref<40x128xi32, #tpu.memory_space<vmem>> -> memref<1x128xi32, #tpu.memory_space<vmem>>
      %dma_start3A_252 = tpu.memref_squeeze %dma_start3A_251 : memref<1x128xi32, #tpu.memory_space<vmem>> -> memref<128xi32, #tpu.memory_space<vmem>>
      %dma_start3A_253 = arith.constant 0 : i32
      %dma_start3A_254 = arith.constant 0 : i32
      %dma_start3A_255 = tpu.memref_slice %arg2[%dma_start3A_253, %dma_start3A_254] : memref<30336x128xf32, #tpu.memory_space<hbm>> -> memref<30336x128xf32, #tpu.memory_space<hbm>>
      tpu.enqueue_indirect_dma source(%dma_start3A_255 : memref<30336x128xf32, #tpu.memory_space<hbm>>) target(%arg10 : memref<128x128xf32, #tpu.memory_space<vmem>>) offsets(%dma_start3A_252 : memref<128xi32, #tpu.memory_space<vmem>>) semaphore(%arg12 : memref<!tpu.dma_semaphore, #tpu.memory_space<semaphore_mem>>)
      %dma_wait3A_256 = arith.constant 8 : i32
      %dma_wait3A_257 = arith.constant 0 : i32
      %dma_wait3A_258 = tpu.memref_slice %arg8[%dma_wait3A_256, %dma_wait3A_257] : memref<40x128xi32, #tpu.memory_space<vmem>> -> memref<1x128xi32, #tpu.memory_space<vmem>>
      %dma_wait3A_259 = tpu.memref_squeeze %dma_wait3A_258 : memref<1x128xi32, #tpu.memory_space<vmem>> -> memref<128xi32, #tpu.memory_space<vmem>>
      %dma_wait3A_260 = arith.constant 0 : i32
      %dma_wait3A_261 = arith.constant 0 : i32
      %dma_wait3A_262 = tpu.memref_slice %arg2[%dma_wait3A_260, %dma_wait3A_261] : memref<30336x128xf32, #tpu.memory_space<hbm>> -> memref<30336x128xf32, #tpu.memory_space<hbm>>
      tpu.wait_indirect_dma semaphore(%arg11 : memref<!tpu.dma_semaphore, #tpu.memory_space<semaphore_mem>>) src(%dma_wait3A_262 : memref<30336x128xf32, #tpu.memory_space<hbm>>) dst(%arg9 : memref<128x128xf32, #tpu.memory_space<vmem>>)
      %dma_start3A_263 = arith.constant 8 : i32
      %dma_start3A_264 = arith.constant 0 : i32
      %dma_start3A_265 = tpu.memref_slice %arg7[%dma_start3A_263, %dma_start3A_264] : memref<40x128xi32, #tpu.memory_space<vmem>> -> memref<1x128xi32, #tpu.memory_space<vmem>>
      %dma_start3A_266 = tpu.memref_squeeze %dma_start3A_265 : memref<1x128xi32, #tpu.memory_space<vmem>> -> memref<128xi32, #tpu.memory_space<vmem>>
      %dma_start3A_267 = arith.constant 0 : i32
      %dma_start3A_268 = arith.constant 0 : i32
      %dma_start3A_269 = tpu.memref_slice %arg6[%dma_start3A_267, %dma_start3A_268] : memref<10112x128xf32, #tpu.memory_space<vmem_shared>> -> memref<10112x128xf32, #tpu.memory_space<vmem_shared>>
      tpu.enqueue_indirect_dma source(%arg9 : memref<128x128xf32, #tpu.memory_space<vmem>>) target(%dma_start3A_269 : memref<10112x128xf32, #tpu.memory_space<vmem_shared>>) offsets(%dma_start3A_266 : memref<128xi32, #tpu.memory_space<vmem>>) semaphore(%arg13 : memref<!tpu.dma_semaphore, #tpu.memory_space<semaphore_mem>>) {add = true}
      %dma_wait3A_270 = arith.constant 8 : i32
      %dma_wait3A_271 = arith.constant 0 : i32
      %dma_wait3A_272 = tpu.memref_slice %arg7[%dma_wait3A_270, %dma_wait3A_271] : memref<40x128xi32, #tpu.memory_space<vmem>> -> memref<1x128xi32, #tpu.memory_space<vmem>>
      %dma_wait3A_273 = tpu.memref_squeeze %dma_wait3A_272 : memref<1x128xi32, #tpu.memory_space<vmem>> -> memref<128xi32, #tpu.memory_space<vmem>>
      %dma_wait3A_274 = arith.constant 0 : i32
      %dma_wait3A_275 = arith.constant 0 : i32
      %dma_wait3A_276 = tpu.memref_slice %arg6[%dma_wait3A_274, %dma_wait3A_275] : memref<10112x128xf32, #tpu.memory_space<vmem_shared>> -> memref<10112x128xf32, #tpu.memory_space<vmem_shared>>
      tpu.wait_indirect_dma semaphore(%arg13 : memref<!tpu.dma_semaphore, #tpu.memory_space<semaphore_mem>>) src(%arg9 : memref<128x128xf32, #tpu.memory_space<vmem>>) dst(%dma_wait3A_276 : memref<10112x128xf32, #tpu.memory_space<vmem_shared>>)
      %dma_start3A_277 = arith.constant 10 : i32
      %dma_start3A_278 = arith.constant 0 : i32
      %dma_start3A_279 = tpu.memref_slice %arg8[%dma_start3A_277, %dma_start3A_278] : memref<40x128xi32, #tpu.memory_space<vmem>> -> memref<1x128xi32, #tpu.memory_space<vmem>>
      %dma_start3A_280 = tpu.memref_squeeze %dma_start3A_279 : memref<1x128xi32, #tpu.memory_space<vmem>> -> memref<128xi32, #tpu.memory_space<vmem>>
      %dma_start3A_281 = arith.constant 0 : i32
      %dma_start3A_282 = arith.constant 0 : i32
      %dma_start3A_283 = tpu.memref_slice %arg2[%dma_start3A_281, %dma_start3A_282] : memref<30336x128xf32, #tpu.memory_space<hbm>> -> memref<30336x128xf32, #tpu.memory_space<hbm>>
      tpu.enqueue_indirect_dma source(%dma_start3A_283 : memref<30336x128xf32, #tpu.memory_space<hbm>>) target(%arg9 : memref<128x128xf32, #tpu.memory_space<vmem>>) offsets(%dma_start3A_280 : memref<128xi32, #tpu.memory_space<vmem>>) semaphore(%arg11 : memref<!tpu.dma_semaphore, #tpu.memory_space<semaphore_mem>>)
      %dma_wait3A_284 = arith.constant 9 : i32
      %dma_wait3A_285 = arith.constant 0 : i32
      %dma_wait3A_286 = tpu.memref_slice %arg8[%dma_wait3A_284, %dma_wait3A_285] : memref<40x128xi32, #tpu.memory_space<vmem>> -> memref<1x128xi32, #tpu.memory_space<vmem>>
      %dma_wait3A_287 = tpu.memref_squeeze %dma_wait3A_286 : memref<1x128xi32, #tpu.memory_space<vmem>> -> memref<128xi32, #tpu.memory_space<vmem>>
      %dma_wait3A_288 = arith.constant 0 : i32
      %dma_wait3A_289 = arith.constant 0 : i32
      %dma_wait3A_290 = tpu.memref_slice %arg2[%dma_wait3A_288, %dma_wait3A_289] : memref<30336x128xf32, #tpu.memory_space<hbm>> -> memref<30336x128xf32, #tpu.memory_space<hbm>>
      tpu.wait_indirect_dma semaphore(%arg12 : memref<!tpu.dma_semaphore, #tpu.memory_space<semaphore_mem>>) src(%dma_wait3A_290 : memref<30336x128xf32, #tpu.memory_space<hbm>>) dst(%arg10 : memref<128x128xf32, #tpu.memory_space<vmem>>)
      %dma_start3A_291 = arith.constant 9 : i32
      %dma_start3A_292 = arith.constant 0 : i32
      %dma_start3A_293 = tpu.memref_slice %arg7[%dma_start3A_291, %dma_start3A_292] : memref<40x128xi32, #tpu.memory_space<vmem>> -> memref<1x128xi32, #tpu.memory_space<vmem>>
      %dma_start3A_294 = tpu.memref_squeeze %dma_start3A_293 : memref<1x128xi32, #tpu.memory_space<vmem>> -> memref<128xi32, #tpu.memory_space<vmem>>
      %dma_start3A_295 = arith.constant 0 : i32
      %dma_start3A_296 = arith.constant 0 : i32
      %dma_start3A_297 = tpu.memref_slice %arg6[%dma_start3A_295, %dma_start3A_296] : memref<10112x128xf32, #tpu.memory_space<vmem_shared>> -> memref<10112x128xf32, #tpu.memory_space<vmem_shared>>
      tpu.enqueue_indirect_dma source(%arg10 : memref<128x128xf32, #tpu.memory_space<vmem>>) target(%dma_start3A_297 : memref<10112x128xf32, #tpu.memory_space<vmem_shared>>) offsets(%dma_start3A_294 : memref<128xi32, #tpu.memory_space<vmem>>) semaphore(%arg14 : memref<!tpu.dma_semaphore, #tpu.memory_space<semaphore_mem>>) {add = true}
      %dma_wait3A_298 = arith.constant 9 : i32
      %dma_wait3A_299 = arith.constant 0 : i32
      %dma_wait3A_300 = tpu.memref_slice %arg7[%dma_wait3A_298, %dma_wait3A_299] : memref<40x128xi32, #tpu.memory_space<vmem>> -> memref<1x128xi32, #tpu.memory_space<vmem>>
      %dma_wait3A_301 = tpu.memref_squeeze %dma_wait3A_300 : memref<1x128xi32, #tpu.memory_space<vmem>> -> memref<128xi32, #tpu.memory_space<vmem>>
      %dma_wait3A_302 = arith.constant 0 : i32
      %dma_wait3A_303 = arith.constant 0 : i32
      %dma_wait3A_304 = tpu.memref_slice %arg6[%dma_wait3A_302, %dma_wait3A_303] : memref<10112x128xf32, #tpu.memory_space<vmem_shared>> -> memref<10112x128xf32, #tpu.memory_space<vmem_shared>>
      tpu.wait_indirect_dma semaphore(%arg14 : memref<!tpu.dma_semaphore, #tpu.memory_space<semaphore_mem>>) src(%arg10 : memref<128x128xf32, #tpu.memory_space<vmem>>) dst(%dma_wait3A_304 : memref<10112x128xf32, #tpu.memory_space<vmem_shared>>)
      %dma_start3A_305 = arith.constant 11 : i32
      %dma_start3A_306 = arith.constant 0 : i32
      %dma_start3A_307 = tpu.memref_slice %arg8[%dma_start3A_305, %dma_start3A_306] : memref<40x128xi32, #tpu.memory_space<vmem>> -> memref<1x128xi32, #tpu.memory_space<vmem>>
      %dma_start3A_308 = tpu.memref_squeeze %dma_start3A_307 : memref<1x128xi32, #tpu.memory_space<vmem>> -> memref<128xi32, #tpu.memory_space<vmem>>
      %dma_start3A_309 = arith.constant 0 : i32
      %dma_start3A_310 = arith.constant 0 : i32
      %dma_start3A_311 = tpu.memref_slice %arg2[%dma_start3A_309, %dma_start3A_310] : memref<30336x128xf32, #tpu.memory_space<hbm>> -> memref<30336x128xf32, #tpu.memory_space<hbm>>
      tpu.enqueue_indirect_dma source(%dma_start3A_311 : memref<30336x128xf32, #tpu.memory_space<hbm>>) target(%arg10 : memref<128x128xf32, #tpu.memory_space<vmem>>) offsets(%dma_start3A_308 : memref<128xi32, #tpu.memory_space<vmem>>) semaphore(%arg12 : memref<!tpu.dma_semaphore, #tpu.memory_space<semaphore_mem>>)
      %dma_wait3A_312 = arith.constant 10 : i32
      %dma_wait3A_313 = arith.constant 0 : i32
      %dma_wait3A_314 = tpu.memref_slice %arg8[%dma_wait3A_312, %dma_wait3A_313] : memref<40x128xi32, #tpu.memory_space<vmem>> -> memref<1x128xi32, #tpu.memory_space<vmem>>
      %dma_wait3A_315 = tpu.memref_squeeze %dma_wait3A_314 : memref<1x128xi32, #tpu.memory_space<vmem>> -> memref<128xi32, #tpu.memory_space<vmem>>
      %dma_wait3A_316 = arith.constant 0 : i32
      %dma_wait3A_317 = arith.constant 0 : i32
      %dma_wait3A_318 = tpu.memref_slice %arg2[%dma_wait3A_316, %dma_wait3A_317] : memref<30336x128xf32, #tpu.memory_space<hbm>> -> memref<30336x128xf32, #tpu.memory_space<hbm>>
      tpu.wait_indirect_dma semaphore(%arg11 : memref<!tpu.dma_semaphore, #tpu.memory_space<semaphore_mem>>) src(%dma_wait3A_318 : memref<30336x128xf32, #tpu.memory_space<hbm>>) dst(%arg9 : memref<128x128xf32, #tpu.memory_space<vmem>>)
      %dma_start3A_319 = arith.constant 10 : i32
      %dma_start3A_320 = arith.constant 0 : i32
      %dma_start3A_321 = tpu.memref_slice %arg7[%dma_start3A_319, %dma_start3A_320] : memref<40x128xi32, #tpu.memory_space<vmem>> -> memref<1x128xi32, #tpu.memory_space<vmem>>
      %dma_start3A_322 = tpu.memref_squeeze %dma_start3A_321 : memref<1x128xi32, #tpu.memory_space<vmem>> -> memref<128xi32, #tpu.memory_space<vmem>>
      %dma_start3A_323 = arith.constant 0 : i32
      %dma_start3A_324 = arith.constant 0 : i32
      %dma_start3A_325 = tpu.memref_slice %arg6[%dma_start3A_323, %dma_start3A_324] : memref<10112x128xf32, #tpu.memory_space<vmem_shared>> -> memref<10112x128xf32, #tpu.memory_space<vmem_shared>>
      tpu.enqueue_indirect_dma source(%arg9 : memref<128x128xf32, #tpu.memory_space<vmem>>) target(%dma_start3A_325 : memref<10112x128xf32, #tpu.memory_space<vmem_shared>>) offsets(%dma_start3A_322 : memref<128xi32, #tpu.memory_space<vmem>>) semaphore(%arg13 : memref<!tpu.dma_semaphore, #tpu.memory_space<semaphore_mem>>) {add = true}
      %dma_wait3A_326 = arith.constant 10 : i32
      %dma_wait3A_327 = arith.constant 0 : i32
      %dma_wait3A_328 = tpu.memref_slice %arg7[%dma_wait3A_326, %dma_wait3A_327] : memref<40x128xi32, #tpu.memory_space<vmem>> -> memref<1x128xi32, #tpu.memory_space<vmem>>
      %dma_wait3A_329 = tpu.memref_squeeze %dma_wait3A_328 : memref<1x128xi32, #tpu.memory_space<vmem>> -> memref<128xi32, #tpu.memory_space<vmem>>
      %dma_wait3A_330 = arith.constant 0 : i32
      %dma_wait3A_331 = arith.constant 0 : i32
      %dma_wait3A_332 = tpu.memref_slice %arg6[%dma_wait3A_330, %dma_wait3A_331] : memref<10112x128xf32, #tpu.memory_space<vmem_shared>> -> memref<10112x128xf32, #tpu.memory_space<vmem_shared>>
      tpu.wait_indirect_dma semaphore(%arg13 : memref<!tpu.dma_semaphore, #tpu.memory_space<semaphore_mem>>) src(%arg9 : memref<128x128xf32, #tpu.memory_space<vmem>>) dst(%dma_wait3A_332 : memref<10112x128xf32, #tpu.memory_space<vmem_shared>>)
      %dma_start3A_333 = arith.constant 12 : i32
      %dma_start3A_334 = arith.constant 0 : i32
      %dma_start3A_335 = tpu.memref_slice %arg8[%dma_start3A_333, %dma_start3A_334] : memref<40x128xi32, #tpu.memory_space<vmem>> -> memref<1x128xi32, #tpu.memory_space<vmem>>
      %dma_start3A_336 = tpu.memref_squeeze %dma_start3A_335 : memref<1x128xi32, #tpu.memory_space<vmem>> -> memref<128xi32, #tpu.memory_space<vmem>>
      %dma_start3A_337 = arith.constant 0 : i32
      %dma_start3A_338 = arith.constant 0 : i32
      %dma_start3A_339 = tpu.memref_slice %arg2[%dma_start3A_337, %dma_start3A_338] : memref<30336x128xf32, #tpu.memory_space<hbm>> -> memref<30336x128xf32, #tpu.memory_space<hbm>>
      tpu.enqueue_indirect_dma source(%dma_start3A_339 : memref<30336x128xf32, #tpu.memory_space<hbm>>) target(%arg9 : memref<128x128xf32, #tpu.memory_space<vmem>>) offsets(%dma_start3A_336 : memref<128xi32, #tpu.memory_space<vmem>>) semaphore(%arg11 : memref<!tpu.dma_semaphore, #tpu.memory_space<semaphore_mem>>)
      %dma_wait3A_340 = arith.constant 11 : i32
      %dma_wait3A_341 = arith.constant 0 : i32
      %dma_wait3A_342 = tpu.memref_slice %arg8[%dma_wait3A_340, %dma_wait3A_341] : memref<40x128xi32, #tpu.memory_space<vmem>> -> memref<1x128xi32, #tpu.memory_space<vmem>>
      %dma_wait3A_343 = tpu.memref_squeeze %dma_wait3A_342 : memref<1x128xi32, #tpu.memory_space<vmem>> -> memref<128xi32, #tpu.memory_space<vmem>>
      %dma_wait3A_344 = arith.constant 0 : i32
      %dma_wait3A_345 = arith.constant 0 : i32
      %dma_wait3A_346 = tpu.memref_slice %arg2[%dma_wait3A_344, %dma_wait3A_345] : memref<30336x128xf32, #tpu.memory_space<hbm>> -> memref<30336x128xf32, #tpu.memory_space<hbm>>
      tpu.wait_indirect_dma semaphore(%arg12 : memref<!tpu.dma_semaphore, #tpu.memory_space<semaphore_mem>>) src(%dma_wait3A_346 : memref<30336x128xf32, #tpu.memory_space<hbm>>) dst(%arg10 : memref<128x128xf32, #tpu.memory_space<vmem>>)
      %dma_start3A_347 = arith.constant 11 : i32
      %dma_start3A_348 = arith.constant 0 : i32
      %dma_start3A_349 = tpu.memref_slice %arg7[%dma_start3A_347, %dma_start3A_348] : memref<40x128xi32, #tpu.memory_space<vmem>> -> memref<1x128xi32, #tpu.memory_space<vmem>>
      %dma_start3A_350 = tpu.memref_squeeze %dma_start3A_349 : memref<1x128xi32, #tpu.memory_space<vmem>> -> memref<128xi32, #tpu.memory_space<vmem>>
      %dma_start3A_351 = arith.constant 0 : i32
      %dma_start3A_352 = arith.constant 0 : i32
      %dma_start3A_353 = tpu.memref_slice %arg6[%dma_start3A_351, %dma_start3A_352] : memref<10112x128xf32, #tpu.memory_space<vmem_shared>> -> memref<10112x128xf32, #tpu.memory_space<vmem_shared>>
      tpu.enqueue_indirect_dma source(%arg10 : memref<128x128xf32, #tpu.memory_space<vmem>>) target(%dma_start3A_353 : memref<10112x128xf32, #tpu.memory_space<vmem_shared>>) offsets(%dma_start3A_350 : memref<128xi32, #tpu.memory_space<vmem>>) semaphore(%arg14 : memref<!tpu.dma_semaphore, #tpu.memory_space<semaphore_mem>>) {add = true}
      %dma_wait3A_354 = arith.constant 11 : i32
      %dma_wait3A_355 = arith.constant 0 : i32
      %dma_wait3A_356 = tpu.memref_slice %arg7[%dma_wait3A_354, %dma_wait3A_355] : memref<40x128xi32, #tpu.memory_space<vmem>> -> memref<1x128xi32, #tpu.memory_space<vmem>>
      %dma_wait3A_357 = tpu.memref_squeeze %dma_wait3A_356 : memref<1x128xi32, #tpu.memory_space<vmem>> -> memref<128xi32, #tpu.memory_space<vmem>>
      %dma_wait3A_358 = arith.constant 0 : i32
      %dma_wait3A_359 = arith.constant 0 : i32
      %dma_wait3A_360 = tpu.memref_slice %arg6[%dma_wait3A_358, %dma_wait3A_359] : memref<10112x128xf32, #tpu.memory_space<vmem_shared>> -> memref<10112x128xf32, #tpu.memory_space<vmem_shared>>
      tpu.wait_indirect_dma semaphore(%arg14 : memref<!tpu.dma_semaphore, #tpu.memory_space<semaphore_mem>>) src(%arg10 : memref<128x128xf32, #tpu.memory_space<vmem>>) dst(%dma_wait3A_360 : memref<10112x128xf32, #tpu.memory_space<vmem_shared>>)
      %dma_start3A_361 = arith.constant 13 : i32
      %dma_start3A_362 = arith.constant 0 : i32
      %dma_start3A_363 = tpu.memref_slice %arg8[%dma_start3A_361, %dma_start3A_362] : memref<40x128xi32, #tpu.memory_space<vmem>> -> memref<1x128xi32, #tpu.memory_space<vmem>>
      %dma_start3A_364 = tpu.memref_squeeze %dma_start3A_363 : memref<1x128xi32, #tpu.memory_space<vmem>> -> memref<128xi32, #tpu.memory_space<vmem>>
      %dma_start3A_365 = arith.constant 0 : i32
      %dma_start3A_366 = arith.constant 0 : i32
      %dma_start3A_367 = tpu.memref_slice %arg2[%dma_start3A_365, %dma_start3A_366] : memref<30336x128xf32, #tpu.memory_space<hbm>> -> memref<30336x128xf32, #tpu.memory_space<hbm>>
      tpu.enqueue_indirect_dma source(%dma_start3A_367 : memref<30336x128xf32, #tpu.memory_space<hbm>>) target(%arg10 : memref<128x128xf32, #tpu.memory_space<vmem>>) offsets(%dma_start3A_364 : memref<128xi32, #tpu.memory_space<vmem>>) semaphore(%arg12 : memref<!tpu.dma_semaphore, #tpu.memory_space<semaphore_mem>>)
      %dma_wait3A_368 = arith.constant 12 : i32
      %dma_wait3A_369 = arith.constant 0 : i32
      %dma_wait3A_370 = tpu.memref_slice %arg8[%dma_wait3A_368, %dma_wait3A_369] : memref<40x128xi32, #tpu.memory_space<vmem>> -> memref<1x128xi32, #tpu.memory_space<vmem>>
      %dma_wait3A_371 = tpu.memref_squeeze %dma_wait3A_370 : memref<1x128xi32, #tpu.memory_space<vmem>> -> memref<128xi32, #tpu.memory_space<vmem>>
      %dma_wait3A_372 = arith.constant 0 : i32
      %dma_wait3A_373 = arith.constant 0 : i32
      %dma_wait3A_374 = tpu.memref_slice %arg2[%dma_wait3A_372, %dma_wait3A_373] : memref<30336x128xf32, #tpu.memory_space<hbm>> -> memref<30336x128xf32, #tpu.memory_space<hbm>>
      tpu.wait_indirect_dma semaphore(%arg11 : memref<!tpu.dma_semaphore, #tpu.memory_space<semaphore_mem>>) src(%dma_wait3A_374 : memref<30336x128xf32, #tpu.memory_space<hbm>>) dst(%arg9 : memref<128x128xf32, #tpu.memory_space<vmem>>)
      %dma_start3A_375 = arith.constant 12 : i32
      %dma_start3A_376 = arith.constant 0 : i32
      %dma_start3A_377 = tpu.memref_slice %arg7[%dma_start3A_375, %dma_start3A_376] : memref<40x128xi32, #tpu.memory_space<vmem>> -> memref<1x128xi32, #tpu.memory_space<vmem>>
      %dma_start3A_378 = tpu.memref_squeeze %dma_start3A_377 : memref<1x128xi32, #tpu.memory_space<vmem>> -> memref<128xi32, #tpu.memory_space<vmem>>
      %dma_start3A_379 = arith.constant 0 : i32
      %dma_start3A_380 = arith.constant 0 : i32
      %dma_start3A_381 = tpu.memref_slice %arg6[%dma_start3A_379, %dma_start3A_380] : memref<10112x128xf32, #tpu.memory_space<vmem_shared>> -> memref<10112x128xf32, #tpu.memory_space<vmem_shared>>
      tpu.enqueue_indirect_dma source(%arg9 : memref<128x128xf32, #tpu.memory_space<vmem>>) target(%dma_start3A_381 : memref<10112x128xf32, #tpu.memory_space<vmem_shared>>) offsets(%dma_start3A_378 : memref<128xi32, #tpu.memory_space<vmem>>) semaphore(%arg13 : memref<!tpu.dma_semaphore, #tpu.memory_space<semaphore_mem>>) {add = true}
      %dma_wait3A_382 = arith.constant 12 : i32
      %dma_wait3A_383 = arith.constant 0 : i32
      %dma_wait3A_384 = tpu.memref_slice %arg7[%dma_wait3A_382, %dma_wait3A_383] : memref<40x128xi32, #tpu.memory_space<vmem>> -> memref<1x128xi32, #tpu.memory_space<vmem>>
      %dma_wait3A_385 = tpu.memref_squeeze %dma_wait3A_384 : memref<1x128xi32, #tpu.memory_space<vmem>> -> memref<128xi32, #tpu.memory_space<vmem>>
      %dma_wait3A_386 = arith.constant 0 : i32
      %dma_wait3A_387 = arith.constant 0 : i32
      %dma_wait3A_388 = tpu.memref_slice %arg6[%dma_wait3A_386, %dma_wait3A_387] : memref<10112x128xf32, #tpu.memory_space<vmem_shared>> -> memref<10112x128xf32, #tpu.memory_space<vmem_shared>>
      tpu.wait_indirect_dma semaphore(%arg13 : memref<!tpu.dma_semaphore, #tpu.memory_space<semaphore_mem>>) src(%arg9 : memref<128x128xf32, #tpu.memory_space<vmem>>) dst(%dma_wait3A_388 : memref<10112x128xf32, #tpu.memory_space<vmem_shared>>)
      %dma_start3A_389 = arith.constant 14 : i32
      %dma_start3A_390 = arith.constant 0 : i32
      %dma_start3A_391 = tpu.memref_slice %arg8[%dma_start3A_389, %dma_start3A_390] : memref<40x128xi32, #tpu.memory_space<vmem>> -> memref<1x128xi32, #tpu.memory_space<vmem>>
      %dma_start3A_392 = tpu.memref_squeeze %dma_start3A_391 : memref<1x128xi32, #tpu.memory_space<vmem>> -> memref<128xi32, #tpu.memory_space<vmem>>
      %dma_start3A_393 = arith.constant 0 : i32
      %dma_start3A_394 = arith.constant 0 : i32
      %dma_start3A_395 = tpu.memref_slice %arg2[%dma_start3A_393, %dma_start3A_394] : memref<30336x128xf32, #tpu.memory_space<hbm>> -> memref<30336x128xf32, #tpu.memory_space<hbm>>
      tpu.enqueue_indirect_dma source(%dma_start3A_395 : memref<30336x128xf32, #tpu.memory_space<hbm>>) target(%arg9 : memref<128x128xf32, #tpu.memory_space<vmem>>) offsets(%dma_start3A_392 : memref<128xi32, #tpu.memory_space<vmem>>) semaphore(%arg11 : memref<!tpu.dma_semaphore, #tpu.memory_space<semaphore_mem>>)
      %dma_wait3A_396 = arith.constant 13 : i32
      %dma_wait3A_397 = arith.constant 0 : i32
      %dma_wait3A_398 = tpu.memref_slice %arg8[%dma_wait3A_396, %dma_wait3A_397] : memref<40x128xi32, #tpu.memory_space<vmem>> -> memref<1x128xi32, #tpu.memory_space<vmem>>
      %dma_wait3A_399 = tpu.memref_squeeze %dma_wait3A_398 : memref<1x128xi32, #tpu.memory_space<vmem>> -> memref<128xi32, #tpu.memory_space<vmem>>
      %dma_wait3A_400 = arith.constant 0 : i32
      %dma_wait3A_401 = arith.constant 0 : i32
      %dma_wait3A_402 = tpu.memref_slice %arg2[%dma_wait3A_400, %dma_wait3A_401] : memref<30336x128xf32, #tpu.memory_space<hbm>> -> memref<30336x128xf32, #tpu.memory_space<hbm>>
      tpu.wait_indirect_dma semaphore(%arg12 : memref<!tpu.dma_semaphore, #tpu.memory_space<semaphore_mem>>) src(%dma_wait3A_402 : memref<30336x128xf32, #tpu.memory_space<hbm>>) dst(%arg10 : memref<128x128xf32, #tpu.memory_space<vmem>>)
      %dma_start3A_403 = arith.constant 13 : i32
      %dma_start3A_404 = arith.constant 0 : i32
      %dma_start3A_405 = tpu.memref_slice %arg7[%dma_start3A_403, %dma_start3A_404] : memref<40x128xi32, #tpu.memory_space<vmem>> -> memref<1x128xi32, #tpu.memory_space<vmem>>
      %dma_start3A_406 = tpu.memref_squeeze %dma_start3A_405 : memref<1x128xi32, #tpu.memory_space<vmem>> -> memref<128xi32, #tpu.memory_space<vmem>>
      %dma_start3A_407 = arith.constant 0 : i32
      %dma_start3A_408 = arith.constant 0 : i32
      %dma_start3A_409 = tpu.memref_slice %arg6[%dma_start3A_407, %dma_start3A_408] : memref<10112x128xf32, #tpu.memory_space<vmem_shared>> -> memref<10112x128xf32, #tpu.memory_space<vmem_shared>>
      tpu.enqueue_indirect_dma source(%arg10 : memref<128x128xf32, #tpu.memory_space<vmem>>) target(%dma_start3A_409 : memref<10112x128xf32, #tpu.memory_space<vmem_shared>>) offsets(%dma_start3A_406 : memref<128xi32, #tpu.memory_space<vmem>>) semaphore(%arg14 : memref<!tpu.dma_semaphore, #tpu.memory_space<semaphore_mem>>) {add = true}
      %dma_wait3A_410 = arith.constant 13 : i32
      %dma_wait3A_411 = arith.constant 0 : i32
      %dma_wait3A_412 = tpu.memref_slice %arg7[%dma_wait3A_410, %dma_wait3A_411] : memref<40x128xi32, #tpu.memory_space<vmem>> -> memref<1x128xi32, #tpu.memory_space<vmem>>
      %dma_wait3A_413 = tpu.memref_squeeze %dma_wait3A_412 : memref<1x128xi32, #tpu.memory_space<vmem>> -> memref<128xi32, #tpu.memory_space<vmem>>
      %dma_wait3A_414 = arith.constant 0 : i32
      %dma_wait3A_415 = arith.constant 0 : i32
      %dma_wait3A_416 = tpu.memref_slice %arg6[%dma_wait3A_414, %dma_wait3A_415] : memref<10112x128xf32, #tpu.memory_space<vmem_shared>> -> memref<10112x128xf32, #tpu.memory_space<vmem_shared>>
      tpu.wait_indirect_dma semaphore(%arg14 : memref<!tpu.dma_semaphore, #tpu.memory_space<semaphore_mem>>) src(%arg10 : memref<128x128xf32, #tpu.memory_space<vmem>>) dst(%dma_wait3A_416 : memref<10112x128xf32, #tpu.memory_space<vmem_shared>>)
      %dma_start3A_417 = arith.constant 15 : i32
      %dma_start3A_418 = arith.constant 0 : i32
      %dma_start3A_419 = tpu.memref_slice %arg8[%dma_start3A_417, %dma_start3A_418] : memref<40x128xi32, #tpu.memory_space<vmem>> -> memref<1x128xi32, #tpu.memory_space<vmem>>
      %dma_start3A_420 = tpu.memref_squeeze %dma_start3A_419 : memref<1x128xi32, #tpu.memory_space<vmem>> -> memref<128xi32, #tpu.memory_space<vmem>>
      %dma_start3A_421 = arith.constant 0 : i32
      %dma_start3A_422 = arith.constant 0 : i32
      %dma_start3A_423 = tpu.memref_slice %arg2[%dma_start3A_421, %dma_start3A_422] : memref<30336x128xf32, #tpu.memory_space<hbm>> -> memref<30336x128xf32, #tpu.memory_space<hbm>>
      tpu.enqueue_indirect_dma source(%dma_start3A_423 : memref<30336x128xf32, #tpu.memory_space<hbm>>) target(%arg10 : memref<128x128xf32, #tpu.memory_space<vmem>>) offsets(%dma_start3A_420 : memref<128xi32, #tpu.memory_space<vmem>>) semaphore(%arg12 : memref<!tpu.dma_semaphore, #tpu.memory_space<semaphore_mem>>)
      %dma_wait3A_424 = arith.constant 14 : i32
      %dma_wait3A_425 = arith.constant 0 : i32
      %dma_wait3A_426 = tpu.memref_slice %arg8[%dma_wait3A_424, %dma_wait3A_425] : memref<40x128xi32, #tpu.memory_space<vmem>> -> memref<1x128xi32, #tpu.memory_space<vmem>>
      %dma_wait3A_427 = tpu.memref_squeeze %dma_wait3A_426 : memref<1x128xi32, #tpu.memory_space<vmem>> -> memref<128xi32, #tpu.memory_space<vmem>>
      %dma_wait3A_428 = arith.constant 0 : i32
      %dma_wait3A_429 = arith.constant 0 : i32
      %dma_wait3A_430 = tpu.memref_slice %arg2[%dma_wait3A_428, %dma_wait3A_429] : memref<30336x128xf32, #tpu.memory_space<hbm>> -> memref<30336x128xf32, #tpu.memory_space<hbm>>
      tpu.wait_indirect_dma semaphore(%arg11 : memref<!tpu.dma_semaphore, #tpu.memory_space<semaphore_mem>>) src(%dma_wait3A_430 : memref<30336x128xf32, #tpu.memory_space<hbm>>) dst(%arg9 : memref<128x128xf32, #tpu.memory_space<vmem>>)
      %dma_start3A_431 = arith.constant 14 : i32
      %dma_start3A_432 = arith.constant 0 : i32
      %dma_start3A_433 = tpu.memref_slice %arg7[%dma_start3A_431, %dma_start3A_432] : memref<40x128xi32, #tpu.memory_space<vmem>> -> memref<1x128xi32, #tpu.memory_space<vmem>>
      %dma_start3A_434 = tpu.memref_squeeze %dma_start3A_433 : memref<1x128xi32, #tpu.memory_space<vmem>> -> memref<128xi32, #tpu.memory_space<vmem>>
      %dma_start3A_435 = arith.constant 0 : i32
      %dma_start3A_436 = arith.constant 0 : i32
      %dma_start3A_437 = tpu.memref_slice %arg6[%dma_start3A_435, %dma_start3A_436] : memref<10112x128xf32, #tpu.memory_space<vmem_shared>> -> memref<10112x128xf32, #tpu.memory_space<vmem_shared>>
      tpu.enqueue_indirect_dma source(%arg9 : memref<128x128xf32, #tpu.memory_space<vmem>>) target(%dma_start3A_437 : memref<10112x128xf32, #tpu.memory_space<vmem_shared>>) offsets(%dma_start3A_434 : memref<128xi32, #tpu.memory_space<vmem>>) semaphore(%arg13 : memref<!tpu.dma_semaphore, #tpu.memory_space<semaphore_mem>>) {add = true}
      %dma_wait3A_438 = arith.constant 14 : i32
      %dma_wait3A_439 = arith.constant 0 : i32
      %dma_wait3A_440 = tpu.memref_slice %arg7[%dma_wait3A_438, %dma_wait3A_439] : memref<40x128xi32, #tpu.memory_space<vmem>> -> memref<1x128xi32, #tpu.memory_space<vmem>>
      %dma_wait3A_441 = tpu.memref_squeeze %dma_wait3A_440 : memref<1x128xi32, #tpu.memory_space<vmem>> -> memref<128xi32, #tpu.memory_space<vmem>>
      %dma_wait3A_442 = arith.constant 0 : i32
      %dma_wait3A_443 = arith.constant 0 : i32
      %dma_wait3A_444 = tpu.memref_slice %arg6[%dma_wait3A_442, %dma_wait3A_443] : memref<10112x128xf32, #tpu.memory_space<vmem_shared>> -> memref<10112x128xf32, #tpu.memory_space<vmem_shared>>
      tpu.wait_indirect_dma semaphore(%arg13 : memref<!tpu.dma_semaphore, #tpu.memory_space<semaphore_mem>>) src(%arg9 : memref<128x128xf32, #tpu.memory_space<vmem>>) dst(%dma_wait3A_444 : memref<10112x128xf32, #tpu.memory_space<vmem_shared>>)
      %dma_start3A_445 = arith.constant 16 : i32
      %dma_start3A_446 = arith.constant 0 : i32
      %dma_start3A_447 = tpu.memref_slice %arg8[%dma_start3A_445, %dma_start3A_446] : memref<40x128xi32, #tpu.memory_space<vmem>> -> memref<1x128xi32, #tpu.memory_space<vmem>>
      %dma_start3A_448 = tpu.memref_squeeze %dma_start3A_447 : memref<1x128xi32, #tpu.memory_space<vmem>> -> memref<128xi32, #tpu.memory_space<vmem>>
      %dma_start3A_449 = arith.constant 0 : i32
      %dma_start3A_450 = arith.constant 0 : i32
      %dma_start3A_451 = tpu.memref_slice %arg2[%dma_start3A_449, %dma_start3A_450] : memref<30336x128xf32, #tpu.memory_space<hbm>> -> memref<30336x128xf32, #tpu.memory_space<hbm>>
      tpu.enqueue_indirect_dma source(%dma_start3A_451 : memref<30336x128xf32, #tpu.memory_space<hbm>>) target(%arg9 : memref<128x128xf32, #tpu.memory_space<vmem>>) offsets(%dma_start3A_448 : memref<128xi32, #tpu.memory_space<vmem>>) semaphore(%arg11 : memref<!tpu.dma_semaphore, #tpu.memory_space<semaphore_mem>>)
      %dma_wait3A_452 = arith.constant 15 : i32
      %dma_wait3A_453 = arith.constant 0 : i32
      %dma_wait3A_454 = tpu.memref_slice %arg8[%dma_wait3A_452, %dma_wait3A_453] : memref<40x128xi32, #tpu.memory_space<vmem>> -> memref<1x128xi32, #tpu.memory_space<vmem>>
      %dma_wait3A_455 = tpu.memref_squeeze %dma_wait3A_454 : memref<1x128xi32, #tpu.memory_space<vmem>> -> memref<128xi32, #tpu.memory_space<vmem>>
      %dma_wait3A_456 = arith.constant 0 : i32
      %dma_wait3A_457 = arith.constant 0 : i32
      %dma_wait3A_458 = tpu.memref_slice %arg2[%dma_wait3A_456, %dma_wait3A_457] : memref<30336x128xf32, #tpu.memory_space<hbm>> -> memref<30336x128xf32, #tpu.memory_space<hbm>>
      tpu.wait_indirect_dma semaphore(%arg12 : memref<!tpu.dma_semaphore, #tpu.memory_space<semaphore_mem>>) src(%dma_wait3A_458 : memref<30336x128xf32, #tpu.memory_space<hbm>>) dst(%arg10 : memref<128x128xf32, #tpu.memory_space<vmem>>)
      %dma_start3A_459 = arith.constant 15 : i32
      %dma_start3A_460 = arith.constant 0 : i32
      %dma_start3A_461 = tpu.memref_slice %arg7[%dma_start3A_459, %dma_start3A_460] : memref<40x128xi32, #tpu.memory_space<vmem>> -> memref<1x128xi32, #tpu.memory_space<vmem>>
      %dma_start3A_462 = tpu.memref_squeeze %dma_start3A_461 : memref<1x128xi32, #tpu.memory_space<vmem>> -> memref<128xi32, #tpu.memory_space<vmem>>
      %dma_start3A_463 = arith.constant 0 : i32
      %dma_start3A_464 = arith.constant 0 : i32
      %dma_start3A_465 = tpu.memref_slice %arg6[%dma_start3A_463, %dma_start3A_464] : memref<10112x128xf32, #tpu.memory_space<vmem_shared>> -> memref<10112x128xf32, #tpu.memory_space<vmem_shared>>
      tpu.enqueue_indirect_dma source(%arg10 : memref<128x128xf32, #tpu.memory_space<vmem>>) target(%dma_start3A_465 : memref<10112x128xf32, #tpu.memory_space<vmem_shared>>) offsets(%dma_start3A_462 : memref<128xi32, #tpu.memory_space<vmem>>) semaphore(%arg14 : memref<!tpu.dma_semaphore, #tpu.memory_space<semaphore_mem>>) {add = true}
      %dma_wait3A_466 = arith.constant 15 : i32
      %dma_wait3A_467 = arith.constant 0 : i32
      %dma_wait3A_468 = tpu.memref_slice %arg7[%dma_wait3A_466, %dma_wait3A_467] : memref<40x128xi32, #tpu.memory_space<vmem>> -> memref<1x128xi32, #tpu.memory_space<vmem>>
      %dma_wait3A_469 = tpu.memref_squeeze %dma_wait3A_468 : memref<1x128xi32, #tpu.memory_space<vmem>> -> memref<128xi32, #tpu.memory_space<vmem>>
      %dma_wait3A_470 = arith.constant 0 : i32
      %dma_wait3A_471 = arith.constant 0 : i32
      %dma_wait3A_472 = tpu.memref_slice %arg6[%dma_wait3A_470, %dma_wait3A_471] : memref<10112x128xf32, #tpu.memory_space<vmem_shared>> -> memref<10112x128xf32, #tpu.memory_space<vmem_shared>>
      tpu.wait_indirect_dma semaphore(%arg14 : memref<!tpu.dma_semaphore, #tpu.memory_space<semaphore_mem>>) src(%arg10 : memref<128x128xf32, #tpu.memory_space<vmem>>) dst(%dma_wait3A_472 : memref<10112x128xf32, #tpu.memory_space<vmem_shared>>)
      %dma_start3A_473 = arith.constant 17 : i32
      %dma_start3A_474 = arith.constant 0 : i32
      %dma_start3A_475 = tpu.memref_slice %arg8[%dma_start3A_473, %dma_start3A_474] : memref<40x128xi32, #tpu.memory_space<vmem>> -> memref<1x128xi32, #tpu.memory_space<vmem>>
      %dma_start3A_476 = tpu.memref_squeeze %dma_start3A_475 : memref<1x128xi32, #tpu.memory_space<vmem>> -> memref<128xi32, #tpu.memory_space<vmem>>
      %dma_start3A_477 = arith.constant 0 : i32
      %dma_start3A_478 = arith.constant 0 : i32
      %dma_start3A_479 = tpu.memref_slice %arg2[%dma_start3A_477, %dma_start3A_478] : memref<30336x128xf32, #tpu.memory_space<hbm>> -> memref<30336x128xf32, #tpu.memory_space<hbm>>
      tpu.enqueue_indirect_dma source(%dma_start3A_479 : memref<30336x128xf32, #tpu.memory_space<hbm>>) target(%arg10 : memref<128x128xf32, #tpu.memory_space<vmem>>) offsets(%dma_start3A_476 : memref<128xi32, #tpu.memory_space<vmem>>) semaphore(%arg12 : memref<!tpu.dma_semaphore, #tpu.memory_space<semaphore_mem>>)
      %dma_wait3A_480 = arith.constant 16 : i32
      %dma_wait3A_481 = arith.constant 0 : i32
      %dma_wait3A_482 = tpu.memref_slice %arg8[%dma_wait3A_480, %dma_wait3A_481] : memref<40x128xi32, #tpu.memory_space<vmem>> -> memref<1x128xi32, #tpu.memory_space<vmem>>
      %dma_wait3A_483 = tpu.memref_squeeze %dma_wait3A_482 : memref<1x128xi32, #tpu.memory_space<vmem>> -> memref<128xi32, #tpu.memory_space<vmem>>
      %dma_wait3A_484 = arith.constant 0 : i32
      %dma_wait3A_485 = arith.constant 0 : i32
      %dma_wait3A_486 = tpu.memref_slice %arg2[%dma_wait3A_484, %dma_wait3A_485] : memref<30336x128xf32, #tpu.memory_space<hbm>> -> memref<30336x128xf32, #tpu.memory_space<hbm>>
      tpu.wait_indirect_dma semaphore(%arg11 : memref<!tpu.dma_semaphore, #tpu.memory_space<semaphore_mem>>) src(%dma_wait3A_486 : memref<30336x128xf32, #tpu.memory_space<hbm>>) dst(%arg9 : memref<128x128xf32, #tpu.memory_space<vmem>>)
      %dma_start3A_487 = arith.constant 16 : i32
      %dma_start3A_488 = arith.constant 0 : i32
      %dma_start3A_489 = tpu.memref_slice %arg7[%dma_start3A_487, %dma_start3A_488] : memref<40x128xi32, #tpu.memory_space<vmem>> -> memref<1x128xi32, #tpu.memory_space<vmem>>
      %dma_start3A_490 = tpu.memref_squeeze %dma_start3A_489 : memref<1x128xi32, #tpu.memory_space<vmem>> -> memref<128xi32, #tpu.memory_space<vmem>>
      %dma_start3A_491 = arith.constant 0 : i32
      %dma_start3A_492 = arith.constant 0 : i32
      %dma_start3A_493 = tpu.memref_slice %arg6[%dma_start3A_491, %dma_start3A_492] : memref<10112x128xf32, #tpu.memory_space<vmem_shared>> -> memref<10112x128xf32, #tpu.memory_space<vmem_shared>>
      tpu.enqueue_indirect_dma source(%arg9 : memref<128x128xf32, #tpu.memory_space<vmem>>) target(%dma_start3A_493 : memref<10112x128xf32, #tpu.memory_space<vmem_shared>>) offsets(%dma_start3A_490 : memref<128xi32, #tpu.memory_space<vmem>>) semaphore(%arg13 : memref<!tpu.dma_semaphore, #tpu.memory_space<semaphore_mem>>) {add = true}
      %dma_wait3A_494 = arith.constant 16 : i32
      %dma_wait3A_495 = arith.constant 0 : i32
      %dma_wait3A_496 = tpu.memref_slice %arg7[%dma_wait3A_494, %dma_wait3A_495] : memref<40x128xi32, #tpu.memory_space<vmem>> -> memref<1x128xi32, #tpu.memory_space<vmem>>
      %dma_wait3A_497 = tpu.memref_squeeze %dma_wait3A_496 : memref<1x128xi32, #tpu.memory_space<vmem>> -> memref<128xi32, #tpu.memory_space<vmem>>
      %dma_wait3A_498 = arith.constant 0 : i32
      %dma_wait3A_499 = arith.constant 0 : i32
      %dma_wait3A_500 = tpu.memref_slice %arg6[%dma_wait3A_498, %dma_wait3A_499] : memref<10112x128xf32, #tpu.memory_space<vmem_shared>> -> memref<10112x128xf32, #tpu.memory_space<vmem_shared>>
      tpu.wait_indirect_dma semaphore(%arg13 : memref<!tpu.dma_semaphore, #tpu.memory_space<semaphore_mem>>) src(%arg9 : memref<128x128xf32, #tpu.memory_space<vmem>>) dst(%dma_wait3A_500 : memref<10112x128xf32, #tpu.memory_space<vmem_shared>>)
      %dma_start3A_501 = arith.constant 18 : i32
      %dma_start3A_502 = arith.constant 0 : i32
      %dma_start3A_503 = tpu.memref_slice %arg8[%dma_start3A_501, %dma_start3A_502] : memref<40x128xi32, #tpu.memory_space<vmem>> -> memref<1x128xi32, #tpu.memory_space<vmem>>
      %dma_start3A_504 = tpu.memref_squeeze %dma_start3A_503 : memref<1x128xi32, #tpu.memory_space<vmem>> -> memref<128xi32, #tpu.memory_space<vmem>>
      %dma_start3A_505 = arith.constant 0 : i32
      %dma_start3A_506 = arith.constant 0 : i32
      %dma_start3A_507 = tpu.memref_slice %arg2[%dma_start3A_505, %dma_start3A_506] : memref<30336x128xf32, #tpu.memory_space<hbm>> -> memref<30336x128xf32, #tpu.memory_space<hbm>>
      tpu.enqueue_indirect_dma source(%dma_start3A_507 : memref<30336x128xf32, #tpu.memory_space<hbm>>) target(%arg9 : memref<128x128xf32, #tpu.memory_space<vmem>>) offsets(%dma_start3A_504 : memref<128xi32, #tpu.memory_space<vmem>>) semaphore(%arg11 : memref<!tpu.dma_semaphore, #tpu.memory_space<semaphore_mem>>)
      %dma_wait3A_508 = arith.constant 17 : i32
      %dma_wait3A_509 = arith.constant 0 : i32
      %dma_wait3A_510 = tpu.memref_slice %arg8[%dma_wait3A_508, %dma_wait3A_509] : memref<40x128xi32, #tpu.memory_space<vmem>> -> memref<1x128xi32, #tpu.memory_space<vmem>>
      %dma_wait3A_511 = tpu.memref_squeeze %dma_wait3A_510 : memref<1x128xi32, #tpu.memory_space<vmem>> -> memref<128xi32, #tpu.memory_space<vmem>>
      %dma_wait3A_512 = arith.constant 0 : i32
      %dma_wait3A_513 = arith.constant 0 : i32
      %dma_wait3A_514 = tpu.memref_slice %arg2[%dma_wait3A_512, %dma_wait3A_513] : memref<30336x128xf32, #tpu.memory_space<hbm>> -> memref<30336x128xf32, #tpu.memory_space<hbm>>
      tpu.wait_indirect_dma semaphore(%arg12 : memref<!tpu.dma_semaphore, #tpu.memory_space<semaphore_mem>>) src(%dma_wait3A_514 : memref<30336x128xf32, #tpu.memory_space<hbm>>) dst(%arg10 : memref<128x128xf32, #tpu.memory_space<vmem>>)
      %dma_start3A_515 = arith.constant 17 : i32
      %dma_start3A_516 = arith.constant 0 : i32
      %dma_start3A_517 = tpu.memref_slice %arg7[%dma_start3A_515, %dma_start3A_516] : memref<40x128xi32, #tpu.memory_space<vmem>> -> memref<1x128xi32, #tpu.memory_space<vmem>>
      %dma_start3A_518 = tpu.memref_squeeze %dma_start3A_517 : memref<1x128xi32, #tpu.memory_space<vmem>> -> memref<128xi32, #tpu.memory_space<vmem>>
      %dma_start3A_519 = arith.constant 0 : i32
      %dma_start3A_520 = arith.constant 0 : i32
      %dma_start3A_521 = tpu.memref_slice %arg6[%dma_start3A_519, %dma_start3A_520] : memref<10112x128xf32, #tpu.memory_space<vmem_shared>> -> memref<10112x128xf32, #tpu.memory_space<vmem_shared>>
      tpu.enqueue_indirect_dma source(%arg10 : memref<128x128xf32, #tpu.memory_space<vmem>>) target(%dma_start3A_521 : memref<10112x128xf32, #tpu.memory_space<vmem_shared>>) offsets(%dma_start3A_518 : memref<128xi32, #tpu.memory_space<vmem>>) semaphore(%arg14 : memref<!tpu.dma_semaphore, #tpu.memory_space<semaphore_mem>>) {add = true}
      %dma_wait3A_522 = arith.constant 17 : i32
      %dma_wait3A_523 = arith.constant 0 : i32
      %dma_wait3A_524 = tpu.memref_slice %arg7[%dma_wait3A_522, %dma_wait3A_523] : memref<40x128xi32, #tpu.memory_space<vmem>> -> memref<1x128xi32, #tpu.memory_space<vmem>>
      %dma_wait3A_525 = tpu.memref_squeeze %dma_wait3A_524 : memref<1x128xi32, #tpu.memory_space<vmem>> -> memref<128xi32, #tpu.memory_space<vmem>>
      %dma_wait3A_526 = arith.constant 0 : i32
      %dma_wait3A_527 = arith.constant 0 : i32
      %dma_wait3A_528 = tpu.memref_slice %arg6[%dma_wait3A_526, %dma_wait3A_527] : memref<10112x128xf32, #tpu.memory_space<vmem_shared>> -> memref<10112x128xf32, #tpu.memory_space<vmem_shared>>
      tpu.wait_indirect_dma semaphore(%arg14 : memref<!tpu.dma_semaphore, #tpu.memory_space<semaphore_mem>>) src(%arg10 : memref<128x128xf32, #tpu.memory_space<vmem>>) dst(%dma_wait3A_528 : memref<10112x128xf32, #tpu.memory_space<vmem_shared>>)
      %dma_start3A_529 = arith.constant 19 : i32
      %dma_start3A_530 = arith.constant 0 : i32
      %dma_start3A_531 = tpu.memref_slice %arg8[%dma_start3A_529, %dma_start3A_530] : memref<40x128xi32, #tpu.memory_space<vmem>> -> memref<1x128xi32, #tpu.memory_space<vmem>>
      %dma_start3A_532 = tpu.memref_squeeze %dma_start3A_531 : memref<1x128xi32, #tpu.memory_space<vmem>> -> memref<128xi32, #tpu.memory_space<vmem>>
      %dma_start3A_533 = arith.constant 0 : i32
      %dma_start3A_534 = arith.constant 0 : i32
      %dma_start3A_535 = tpu.memref_slice %arg2[%dma_start3A_533, %dma_start3A_534] : memref<30336x128xf32, #tpu.memory_space<hbm>> -> memref<30336x128xf32, #tpu.memory_space<hbm>>
      tpu.enqueue_indirect_dma source(%dma_start3A_535 : memref<30336x128xf32, #tpu.memory_space<hbm>>) target(%arg10 : memref<128x128xf32, #tpu.memory_space<vmem>>) offsets(%dma_start3A_532 : memref<128xi32, #tpu.memory_space<vmem>>) semaphore(%arg12 : memref<!tpu.dma_semaphore, #tpu.memory_space<semaphore_mem>>)
      %dma_wait3A_536 = arith.constant 18 : i32
      %dma_wait3A_537 = arith.constant 0 : i32
      %dma_wait3A_538 = tpu.memref_slice %arg8[%dma_wait3A_536, %dma_wait3A_537] : memref<40x128xi32, #tpu.memory_space<vmem>> -> memref<1x128xi32, #tpu.memory_space<vmem>>
      %dma_wait3A_539 = tpu.memref_squeeze %dma_wait3A_538 : memref<1x128xi32, #tpu.memory_space<vmem>> -> memref<128xi32, #tpu.memory_space<vmem>>
      %dma_wait3A_540 = arith.constant 0 : i32
      %dma_wait3A_541 = arith.constant 0 : i32
      %dma_wait3A_542 = tpu.memref_slice %arg2[%dma_wait3A_540, %dma_wait3A_541] : memref<30336x128xf32, #tpu.memory_space<hbm>> -> memref<30336x128xf32, #tpu.memory_space<hbm>>
      tpu.wait_indirect_dma semaphore(%arg11 : memref<!tpu.dma_semaphore, #tpu.memory_space<semaphore_mem>>) src(%dma_wait3A_542 : memref<30336x128xf32, #tpu.memory_space<hbm>>) dst(%arg9 : memref<128x128xf32, #tpu.memory_space<vmem>>)
      %dma_start3A_543 = arith.constant 18 : i32
      %dma_start3A_544 = arith.constant 0 : i32
      %dma_start3A_545 = tpu.memref_slice %arg7[%dma_start3A_543, %dma_start3A_544] : memref<40x128xi32, #tpu.memory_space<vmem>> -> memref<1x128xi32, #tpu.memory_space<vmem>>
      %dma_start3A_546 = tpu.memref_squeeze %dma_start3A_545 : memref<1x128xi32, #tpu.memory_space<vmem>> -> memref<128xi32, #tpu.memory_space<vmem>>
      %dma_start3A_547 = arith.constant 0 : i32
      %dma_start3A_548 = arith.constant 0 : i32
      %dma_start3A_549 = tpu.memref_slice %arg6[%dma_start3A_547, %dma_start3A_548] : memref<10112x128xf32, #tpu.memory_space<vmem_shared>> -> memref<10112x128xf32, #tpu.memory_space<vmem_shared>>
      tpu.enqueue_indirect_dma source(%arg9 : memref<128x128xf32, #tpu.memory_space<vmem>>) target(%dma_start3A_549 : memref<10112x128xf32, #tpu.memory_space<vmem_shared>>) offsets(%dma_start3A_546 : memref<128xi32, #tpu.memory_space<vmem>>) semaphore(%arg13 : memref<!tpu.dma_semaphore, #tpu.memory_space<semaphore_mem>>) {add = true}
      %dma_wait3A_550 = arith.constant 18 : i32
      %dma_wait3A_551 = arith.constant 0 : i32
      %dma_wait3A_552 = tpu.memref_slice %arg7[%dma_wait3A_550, %dma_wait3A_551] : memref<40x128xi32, #tpu.memory_space<vmem>> -> memref<1x128xi32, #tpu.memory_space<vmem>>
      %dma_wait3A_553 = tpu.memref_squeeze %dma_wait3A_552 : memref<1x128xi32, #tpu.memory_space<vmem>> -> memref<128xi32, #tpu.memory_space<vmem>>
      %dma_wait3A_554 = arith.constant 0 : i32
      %dma_wait3A_555 = arith.constant 0 : i32
      %dma_wait3A_556 = tpu.memref_slice %arg6[%dma_wait3A_554, %dma_wait3A_555] : memref<10112x128xf32, #tpu.memory_space<vmem_shared>> -> memref<10112x128xf32, #tpu.memory_space<vmem_shared>>
      tpu.wait_indirect_dma semaphore(%arg13 : memref<!tpu.dma_semaphore, #tpu.memory_space<semaphore_mem>>) src(%arg9 : memref<128x128xf32, #tpu.memory_space<vmem>>) dst(%dma_wait3A_556 : memref<10112x128xf32, #tpu.memory_space<vmem_shared>>)
      %dma_start3A_557 = arith.constant 20 : i32
      %dma_start3A_558 = arith.constant 0 : i32
      %dma_start3A_559 = tpu.memref_slice %arg8[%dma_start3A_557, %dma_start3A_558] : memref<40x128xi32, #tpu.memory_space<vmem>> -> memref<1x128xi32, #tpu.memory_space<vmem>>
      %dma_start3A_560 = tpu.memref_squeeze %dma_start3A_559 : memref<1x128xi32, #tpu.memory_space<vmem>> -> memref<128xi32, #tpu.memory_space<vmem>>
      %dma_start3A_561 = arith.constant 0 : i32
      %dma_start3A_562 = arith.constant 0 : i32
      %dma_start3A_563 = tpu.memref_slice %arg2[%dma_start3A_561, %dma_start3A_562] : memref<30336x128xf32, #tpu.memory_space<hbm>> -> memref<30336x128xf32, #tpu.memory_space<hbm>>
      tpu.enqueue_indirect_dma source(%dma_start3A_563 : memref<30336x128xf32, #tpu.memory_space<hbm>>) target(%arg9 : memref<128x128xf32, #tpu.memory_space<vmem>>) offsets(%dma_start3A_560 : memref<128xi32, #tpu.memory_space<vmem>>) semaphore(%arg11 : memref<!tpu.dma_semaphore, #tpu.memory_space<semaphore_mem>>)
      %dma_wait3A_564 = arith.constant 19 : i32
      %dma_wait3A_565 = arith.constant 0 : i32
      %dma_wait3A_566 = tpu.memref_slice %arg8[%dma_wait3A_564, %dma_wait3A_565] : memref<40x128xi32, #tpu.memory_space<vmem>> -> memref<1x128xi32, #tpu.memory_space<vmem>>
      %dma_wait3A_567 = tpu.memref_squeeze %dma_wait3A_566 : memref<1x128xi32, #tpu.memory_space<vmem>> -> memref<128xi32, #tpu.memory_space<vmem>>
      %dma_wait3A_568 = arith.constant 0 : i32
      %dma_wait3A_569 = arith.constant 0 : i32
      %dma_wait3A_570 = tpu.memref_slice %arg2[%dma_wait3A_568, %dma_wait3A_569] : memref<30336x128xf32, #tpu.memory_space<hbm>> -> memref<30336x128xf32, #tpu.memory_space<hbm>>
      tpu.wait_indirect_dma semaphore(%arg12 : memref<!tpu.dma_semaphore, #tpu.memory_space<semaphore_mem>>) src(%dma_wait3A_570 : memref<30336x128xf32, #tpu.memory_space<hbm>>) dst(%arg10 : memref<128x128xf32, #tpu.memory_space<vmem>>)
      %dma_start3A_571 = arith.constant 19 : i32
      %dma_start3A_572 = arith.constant 0 : i32
      %dma_start3A_573 = tpu.memref_slice %arg7[%dma_start3A_571, %dma_start3A_572] : memref<40x128xi32, #tpu.memory_space<vmem>> -> memref<1x128xi32, #tpu.memory_space<vmem>>
      %dma_start3A_574 = tpu.memref_squeeze %dma_start3A_573 : memref<1x128xi32, #tpu.memory_space<vmem>> -> memref<128xi32, #tpu.memory_space<vmem>>
      %dma_start3A_575 = arith.constant 0 : i32
      %dma_start3A_576 = arith.constant 0 : i32
      %dma_start3A_577 = tpu.memref_slice %arg6[%dma_start3A_575, %dma_start3A_576] : memref<10112x128xf32, #tpu.memory_space<vmem_shared>> -> memref<10112x128xf32, #tpu.memory_space<vmem_shared>>
      tpu.enqueue_indirect_dma source(%arg10 : memref<128x128xf32, #tpu.memory_space<vmem>>) target(%dma_start3A_577 : memref<10112x128xf32, #tpu.memory_space<vmem_shared>>) offsets(%dma_start3A_574 : memref<128xi32, #tpu.memory_space<vmem>>) semaphore(%arg14 : memref<!tpu.dma_semaphore, #tpu.memory_space<semaphore_mem>>) {add = true}
      %dma_wait3A_578 = arith.constant 19 : i32
      %dma_wait3A_579 = arith.constant 0 : i32
      %dma_wait3A_580 = tpu.memref_slice %arg7[%dma_wait3A_578, %dma_wait3A_579] : memref<40x128xi32, #tpu.memory_space<vmem>> -> memref<1x128xi32, #tpu.memory_space<vmem>>
      %dma_wait3A_581 = tpu.memref_squeeze %dma_wait3A_580 : memref<1x128xi32, #tpu.memory_space<vmem>> -> memref<128xi32, #tpu.memory_space<vmem>>
      %dma_wait3A_582 = arith.constant 0 : i32
      %dma_wait3A_583 = arith.constant 0 : i32
      %dma_wait3A_584 = tpu.memref_slice %arg6[%dma_wait3A_582, %dma_wait3A_583] : memref<10112x128xf32, #tpu.memory_space<vmem_shared>> -> memref<10112x128xf32, #tpu.memory_space<vmem_shared>>
      tpu.wait_indirect_dma semaphore(%arg14 : memref<!tpu.dma_semaphore, #tpu.memory_space<semaphore_mem>>) src(%arg10 : memref<128x128xf32, #tpu.memory_space<vmem>>) dst(%dma_wait3A_584 : memref<10112x128xf32, #tpu.memory_space<vmem_shared>>)
      %dma_start3A_585 = arith.constant 21 : i32
      %dma_start3A_586 = arith.constant 0 : i32
      %dma_start3A_587 = tpu.memref_slice %arg8[%dma_start3A_585, %dma_start3A_586] : memref<40x128xi32, #tpu.memory_space<vmem>> -> memref<1x128xi32, #tpu.memory_space<vmem>>
      %dma_start3A_588 = tpu.memref_squeeze %dma_start3A_587 : memref<1x128xi32, #tpu.memory_space<vmem>> -> memref<128xi32, #tpu.memory_space<vmem>>
      %dma_start3A_589 = arith.constant 0 : i32
      %dma_start3A_590 = arith.constant 0 : i32
      %dma_start3A_591 = tpu.memref_slice %arg2[%dma_start3A_589, %dma_start3A_590] : memref<30336x128xf32, #tpu.memory_space<hbm>> -> memref<30336x128xf32, #tpu.memory_space<hbm>>
      tpu.enqueue_indirect_dma source(%dma_start3A_591 : memref<30336x128xf32, #tpu.memory_space<hbm>>) target(%arg10 : memref<128x128xf32, #tpu.memory_space<vmem>>) offsets(%dma_start3A_588 : memref<128xi32, #tpu.memory_space<vmem>>) semaphore(%arg12 : memref<!tpu.dma_semaphore, #tpu.memory_space<semaphore_mem>>)
      %dma_wait3A_592 = arith.constant 20 : i32
      %dma_wait3A_593 = arith.constant 0 : i32
      %dma_wait3A_594 = tpu.memref_slice %arg8[%dma_wait3A_592, %dma_wait3A_593] : memref<40x128xi32, #tpu.memory_space<vmem>> -> memref<1x128xi32, #tpu.memory_space<vmem>>
      %dma_wait3A_595 = tpu.memref_squeeze %dma_wait3A_594 : memref<1x128xi32, #tpu.memory_space<vmem>> -> memref<128xi32, #tpu.memory_space<vmem>>
      %dma_wait3A_596 = arith.constant 0 : i32
      %dma_wait3A_597 = arith.constant 0 : i32
      %dma_wait3A_598 = tpu.memref_slice %arg2[%dma_wait3A_596, %dma_wait3A_597] : memref<30336x128xf32, #tpu.memory_space<hbm>> -> memref<30336x128xf32, #tpu.memory_space<hbm>>
      tpu.wait_indirect_dma semaphore(%arg11 : memref<!tpu.dma_semaphore, #tpu.memory_space<semaphore_mem>>) src(%dma_wait3A_598 : memref<30336x128xf32, #tpu.memory_space<hbm>>) dst(%arg9 : memref<128x128xf32, #tpu.memory_space<vmem>>)
      %dma_start3A_599 = arith.constant 20 : i32
      %dma_start3A_600 = arith.constant 0 : i32
      %dma_start3A_601 = tpu.memref_slice %arg7[%dma_start3A_599, %dma_start3A_600] : memref<40x128xi32, #tpu.memory_space<vmem>> -> memref<1x128xi32, #tpu.memory_space<vmem>>
      %dma_start3A_602 = tpu.memref_squeeze %dma_start3A_601 : memref<1x128xi32, #tpu.memory_space<vmem>> -> memref<128xi32, #tpu.memory_space<vmem>>
      %dma_start3A_603 = arith.constant 0 : i32
      %dma_start3A_604 = arith.constant 0 : i32
      %dma_start3A_605 = tpu.memref_slice %arg6[%dma_start3A_603, %dma_start3A_604] : memref<10112x128xf32, #tpu.memory_space<vmem_shared>> -> memref<10112x128xf32, #tpu.memory_space<vmem_shared>>
      tpu.enqueue_indirect_dma source(%arg9 : memref<128x128xf32, #tpu.memory_space<vmem>>) target(%dma_start3A_605 : memref<10112x128xf32, #tpu.memory_space<vmem_shared>>) offsets(%dma_start3A_602 : memref<128xi32, #tpu.memory_space<vmem>>) semaphore(%arg13 : memref<!tpu.dma_semaphore, #tpu.memory_space<semaphore_mem>>) {add = true}
      %dma_wait3A_606 = arith.constant 20 : i32
      %dma_wait3A_607 = arith.constant 0 : i32
      %dma_wait3A_608 = tpu.memref_slice %arg7[%dma_wait3A_606, %dma_wait3A_607] : memref<40x128xi32, #tpu.memory_space<vmem>> -> memref<1x128xi32, #tpu.memory_space<vmem>>
      %dma_wait3A_609 = tpu.memref_squeeze %dma_wait3A_608 : memref<1x128xi32, #tpu.memory_space<vmem>> -> memref<128xi32, #tpu.memory_space<vmem>>
      %dma_wait3A_610 = arith.constant 0 : i32
      %dma_wait3A_611 = arith.constant 0 : i32
      %dma_wait3A_612 = tpu.memref_slice %arg6[%dma_wait3A_610, %dma_wait3A_611] : memref<10112x128xf32, #tpu.memory_space<vmem_shared>> -> memref<10112x128xf32, #tpu.memory_space<vmem_shared>>
      tpu.wait_indirect_dma semaphore(%arg13 : memref<!tpu.dma_semaphore, #tpu.memory_space<semaphore_mem>>) src(%arg9 : memref<128x128xf32, #tpu.memory_space<vmem>>) dst(%dma_wait3A_612 : memref<10112x128xf32, #tpu.memory_space<vmem_shared>>)
      %dma_start3A_613 = arith.constant 22 : i32
      %dma_start3A_614 = arith.constant 0 : i32
      %dma_start3A_615 = tpu.memref_slice %arg8[%dma_start3A_613, %dma_start3A_614] : memref<40x128xi32, #tpu.memory_space<vmem>> -> memref<1x128xi32, #tpu.memory_space<vmem>>
      %dma_start3A_616 = tpu.memref_squeeze %dma_start3A_615 : memref<1x128xi32, #tpu.memory_space<vmem>> -> memref<128xi32, #tpu.memory_space<vmem>>
      %dma_start3A_617 = arith.constant 0 : i32
      %dma_start3A_618 = arith.constant 0 : i32
      %dma_start3A_619 = tpu.memref_slice %arg2[%dma_start3A_617, %dma_start3A_618] : memref<30336x128xf32, #tpu.memory_space<hbm>> -> memref<30336x128xf32, #tpu.memory_space<hbm>>
      tpu.enqueue_indirect_dma source(%dma_start3A_619 : memref<30336x128xf32, #tpu.memory_space<hbm>>) target(%arg9 : memref<128x128xf32, #tpu.memory_space<vmem>>) offsets(%dma_start3A_616 : memref<128xi32, #tpu.memory_space<vmem>>) semaphore(%arg11 : memref<!tpu.dma_semaphore, #tpu.memory_space<semaphore_mem>>)
      %dma_wait3A_620 = arith.constant 21 : i32
      %dma_wait3A_621 = arith.constant 0 : i32
      %dma_wait3A_622 = tpu.memref_slice %arg8[%dma_wait3A_620, %dma_wait3A_621] : memref<40x128xi32, #tpu.memory_space<vmem>> -> memref<1x128xi32, #tpu.memory_space<vmem>>
      %dma_wait3A_623 = tpu.memref_squeeze %dma_wait3A_622 : memref<1x128xi32, #tpu.memory_space<vmem>> -> memref<128xi32, #tpu.memory_space<vmem>>
      %dma_wait3A_624 = arith.constant 0 : i32
      %dma_wait3A_625 = arith.constant 0 : i32
      %dma_wait3A_626 = tpu.memref_slice %arg2[%dma_wait3A_624, %dma_wait3A_625] : memref<30336x128xf32, #tpu.memory_space<hbm>> -> memref<30336x128xf32, #tpu.memory_space<hbm>>
      tpu.wait_indirect_dma semaphore(%arg12 : memref<!tpu.dma_semaphore, #tpu.memory_space<semaphore_mem>>) src(%dma_wait3A_626 : memref<30336x128xf32, #tpu.memory_space<hbm>>) dst(%arg10 : memref<128x128xf32, #tpu.memory_space<vmem>>)
      %dma_start3A_627 = arith.constant 21 : i32
      %dma_start3A_628 = arith.constant 0 : i32
      %dma_start3A_629 = tpu.memref_slice %arg7[%dma_start3A_627, %dma_start3A_628] : memref<40x128xi32, #tpu.memory_space<vmem>> -> memref<1x128xi32, #tpu.memory_space<vmem>>
      %dma_start3A_630 = tpu.memref_squeeze %dma_start3A_629 : memref<1x128xi32, #tpu.memory_space<vmem>> -> memref<128xi32, #tpu.memory_space<vmem>>
      %dma_start3A_631 = arith.constant 0 : i32
      %dma_start3A_632 = arith.constant 0 : i32
      %dma_start3A_633 = tpu.memref_slice %arg6[%dma_start3A_631, %dma_start3A_632] : memref<10112x128xf32, #tpu.memory_space<vmem_shared>> -> memref<10112x128xf32, #tpu.memory_space<vmem_shared>>
      tpu.enqueue_indirect_dma source(%arg10 : memref<128x128xf32, #tpu.memory_space<vmem>>) target(%dma_start3A_633 : memref<10112x128xf32, #tpu.memory_space<vmem_shared>>) offsets(%dma_start3A_630 : memref<128xi32, #tpu.memory_space<vmem>>) semaphore(%arg14 : memref<!tpu.dma_semaphore, #tpu.memory_space<semaphore_mem>>) {add = true}
      %dma_wait3A_634 = arith.constant 21 : i32
      %dma_wait3A_635 = arith.constant 0 : i32
      %dma_wait3A_636 = tpu.memref_slice %arg7[%dma_wait3A_634, %dma_wait3A_635] : memref<40x128xi32, #tpu.memory_space<vmem>> -> memref<1x128xi32, #tpu.memory_space<vmem>>
      %dma_wait3A_637 = tpu.memref_squeeze %dma_wait3A_636 : memref<1x128xi32, #tpu.memory_space<vmem>> -> memref<128xi32, #tpu.memory_space<vmem>>
      %dma_wait3A_638 = arith.constant 0 : i32
      %dma_wait3A_639 = arith.constant 0 : i32
      %dma_wait3A_640 = tpu.memref_slice %arg6[%dma_wait3A_638, %dma_wait3A_639] : memref<10112x128xf32, #tpu.memory_space<vmem_shared>> -> memref<10112x128xf32, #tpu.memory_space<vmem_shared>>
      tpu.wait_indirect_dma semaphore(%arg14 : memref<!tpu.dma_semaphore, #tpu.memory_space<semaphore_mem>>) src(%arg10 : memref<128x128xf32, #tpu.memory_space<vmem>>) dst(%dma_wait3A_640 : memref<10112x128xf32, #tpu.memory_space<vmem_shared>>)
      %dma_start3A_641 = arith.constant 23 : i32
      %dma_start3A_642 = arith.constant 0 : i32
      %dma_start3A_643 = tpu.memref_slice %arg8[%dma_start3A_641, %dma_start3A_642] : memref<40x128xi32, #tpu.memory_space<vmem>> -> memref<1x128xi32, #tpu.memory_space<vmem>>
      %dma_start3A_644 = tpu.memref_squeeze %dma_start3A_643 : memref<1x128xi32, #tpu.memory_space<vmem>> -> memref<128xi32, #tpu.memory_space<vmem>>
      %dma_start3A_645 = arith.constant 0 : i32
      %dma_start3A_646 = arith.constant 0 : i32
      %dma_start3A_647 = tpu.memref_slice %arg2[%dma_start3A_645, %dma_start3A_646] : memref<30336x128xf32, #tpu.memory_space<hbm>> -> memref<30336x128xf32, #tpu.memory_space<hbm>>
      tpu.enqueue_indirect_dma source(%dma_start3A_647 : memref<30336x128xf32, #tpu.memory_space<hbm>>) target(%arg10 : memref<128x128xf32, #tpu.memory_space<vmem>>) offsets(%dma_start3A_644 : memref<128xi32, #tpu.memory_space<vmem>>) semaphore(%arg12 : memref<!tpu.dma_semaphore, #tpu.memory_space<semaphore_mem>>)
      %dma_wait3A_648 = arith.constant 22 : i32
      %dma_wait3A_649 = arith.constant 0 : i32
      %dma_wait3A_650 = tpu.memref_slice %arg8[%dma_wait3A_648, %dma_wait3A_649] : memref<40x128xi32, #tpu.memory_space<vmem>> -> memref<1x128xi32, #tpu.memory_space<vmem>>
      %dma_wait3A_651 = tpu.memref_squeeze %dma_wait3A_650 : memref<1x128xi32, #tpu.memory_space<vmem>> -> memref<128xi32, #tpu.memory_space<vmem>>
      %dma_wait3A_652 = arith.constant 0 : i32
      %dma_wait3A_653 = arith.constant 0 : i32
      %dma_wait3A_654 = tpu.memref_slice %arg2[%dma_wait3A_652, %dma_wait3A_653] : memref<30336x128xf32, #tpu.memory_space<hbm>> -> memref<30336x128xf32, #tpu.memory_space<hbm>>
      tpu.wait_indirect_dma semaphore(%arg11 : memref<!tpu.dma_semaphore, #tpu.memory_space<semaphore_mem>>) src(%dma_wait3A_654 : memref<30336x128xf32, #tpu.memory_space<hbm>>) dst(%arg9 : memref<128x128xf32, #tpu.memory_space<vmem>>)
      %dma_start3A_655 = arith.constant 22 : i32
      %dma_start3A_656 = arith.constant 0 : i32
      %dma_start3A_657 = tpu.memref_slice %arg7[%dma_start3A_655, %dma_start3A_656] : memref<40x128xi32, #tpu.memory_space<vmem>> -> memref<1x128xi32, #tpu.memory_space<vmem>>
      %dma_start3A_658 = tpu.memref_squeeze %dma_start3A_657 : memref<1x128xi32, #tpu.memory_space<vmem>> -> memref<128xi32, #tpu.memory_space<vmem>>
      %dma_start3A_659 = arith.constant 0 : i32
      %dma_start3A_660 = arith.constant 0 : i32
      %dma_start3A_661 = tpu.memref_slice %arg6[%dma_start3A_659, %dma_start3A_660] : memref<10112x128xf32, #tpu.memory_space<vmem_shared>> -> memref<10112x128xf32, #tpu.memory_space<vmem_shared>>
      tpu.enqueue_indirect_dma source(%arg9 : memref<128x128xf32, #tpu.memory_space<vmem>>) target(%dma_start3A_661 : memref<10112x128xf32, #tpu.memory_space<vmem_shared>>) offsets(%dma_start3A_658 : memref<128xi32, #tpu.memory_space<vmem>>) semaphore(%arg13 : memref<!tpu.dma_semaphore, #tpu.memory_space<semaphore_mem>>) {add = true}
      %dma_wait3A_662 = arith.constant 22 : i32
      %dma_wait3A_663 = arith.constant 0 : i32
      %dma_wait3A_664 = tpu.memref_slice %arg7[%dma_wait3A_662, %dma_wait3A_663] : memref<40x128xi32, #tpu.memory_space<vmem>> -> memref<1x128xi32, #tpu.memory_space<vmem>>
      %dma_wait3A_665 = tpu.memref_squeeze %dma_wait3A_664 : memref<1x128xi32, #tpu.memory_space<vmem>> -> memref<128xi32, #tpu.memory_space<vmem>>
      %dma_wait3A_666 = arith.constant 0 : i32
      %dma_wait3A_667 = arith.constant 0 : i32
      %dma_wait3A_668 = tpu.memref_slice %arg6[%dma_wait3A_666, %dma_wait3A_667] : memref<10112x128xf32, #tpu.memory_space<vmem_shared>> -> memref<10112x128xf32, #tpu.memory_space<vmem_shared>>
      tpu.wait_indirect_dma semaphore(%arg13 : memref<!tpu.dma_semaphore, #tpu.memory_space<semaphore_mem>>) src(%arg9 : memref<128x128xf32, #tpu.memory_space<vmem>>) dst(%dma_wait3A_668 : memref<10112x128xf32, #tpu.memory_space<vmem_shared>>)
      %dma_start3A_669 = arith.constant 24 : i32
      %dma_start3A_670 = arith.constant 0 : i32
      %dma_start3A_671 = tpu.memref_slice %arg8[%dma_start3A_669, %dma_start3A_670] : memref<40x128xi32, #tpu.memory_space<vmem>> -> memref<1x128xi32, #tpu.memory_space<vmem>>
      %dma_start3A_672 = tpu.memref_squeeze %dma_start3A_671 : memref<1x128xi32, #tpu.memory_space<vmem>> -> memref<128xi32, #tpu.memory_space<vmem>>
      %dma_start3A_673 = arith.constant 0 : i32
      %dma_start3A_674 = arith.constant 0 : i32
      %dma_start3A_675 = tpu.memref_slice %arg2[%dma_start3A_673, %dma_start3A_674] : memref<30336x128xf32, #tpu.memory_space<hbm>> -> memref<30336x128xf32, #tpu.memory_space<hbm>>
      tpu.enqueue_indirect_dma source(%dma_start3A_675 : memref<30336x128xf32, #tpu.memory_space<hbm>>) target(%arg9 : memref<128x128xf32, #tpu.memory_space<vmem>>) offsets(%dma_start3A_672 : memref<128xi32, #tpu.memory_space<vmem>>) semaphore(%arg11 : memref<!tpu.dma_semaphore, #tpu.memory_space<semaphore_mem>>)
      %dma_wait3A_676 = arith.constant 23 : i32
      %dma_wait3A_677 = arith.constant 0 : i32
      %dma_wait3A_678 = tpu.memref_slice %arg8[%dma_wait3A_676, %dma_wait3A_677] : memref<40x128xi32, #tpu.memory_space<vmem>> -> memref<1x128xi32, #tpu.memory_space<vmem>>
      %dma_wait3A_679 = tpu.memref_squeeze %dma_wait3A_678 : memref<1x128xi32, #tpu.memory_space<vmem>> -> memref<128xi32, #tpu.memory_space<vmem>>
      %dma_wait3A_680 = arith.constant 0 : i32
      %dma_wait3A_681 = arith.constant 0 : i32
      %dma_wait3A_682 = tpu.memref_slice %arg2[%dma_wait3A_680, %dma_wait3A_681] : memref<30336x128xf32, #tpu.memory_space<hbm>> -> memref<30336x128xf32, #tpu.memory_space<hbm>>
      tpu.wait_indirect_dma semaphore(%arg12 : memref<!tpu.dma_semaphore, #tpu.memory_space<semaphore_mem>>) src(%dma_wait3A_682 : memref<30336x128xf32, #tpu.memory_space<hbm>>) dst(%arg10 : memref<128x128xf32, #tpu.memory_space<vmem>>)
      %dma_start3A_683 = arith.constant 23 : i32
      %dma_start3A_684 = arith.constant 0 : i32
      %dma_start3A_685 = tpu.memref_slice %arg7[%dma_start3A_683, %dma_start3A_684] : memref<40x128xi32, #tpu.memory_space<vmem>> -> memref<1x128xi32, #tpu.memory_space<vmem>>
      %dma_start3A_686 = tpu.memref_squeeze %dma_start3A_685 : memref<1x128xi32, #tpu.memory_space<vmem>> -> memref<128xi32, #tpu.memory_space<vmem>>
      %dma_start3A_687 = arith.constant 0 : i32
      %dma_start3A_688 = arith.constant 0 : i32
      %dma_start3A_689 = tpu.memref_slice %arg6[%dma_start3A_687, %dma_start3A_688] : memref<10112x128xf32, #tpu.memory_space<vmem_shared>> -> memref<10112x128xf32, #tpu.memory_space<vmem_shared>>
      tpu.enqueue_indirect_dma source(%arg10 : memref<128x128xf32, #tpu.memory_space<vmem>>) target(%dma_start3A_689 : memref<10112x128xf32, #tpu.memory_space<vmem_shared>>) offsets(%dma_start3A_686 : memref<128xi32, #tpu.memory_space<vmem>>) semaphore(%arg14 : memref<!tpu.dma_semaphore, #tpu.memory_space<semaphore_mem>>) {add = true}
      %dma_wait3A_690 = arith.constant 23 : i32
      %dma_wait3A_691 = arith.constant 0 : i32
      %dma_wait3A_692 = tpu.memref_slice %arg7[%dma_wait3A_690, %dma_wait3A_691] : memref<40x128xi32, #tpu.memory_space<vmem>> -> memref<1x128xi32, #tpu.memory_space<vmem>>
      %dma_wait3A_693 = tpu.memref_squeeze %dma_wait3A_692 : memref<1x128xi32, #tpu.memory_space<vmem>> -> memref<128xi32, #tpu.memory_space<vmem>>
      %dma_wait3A_694 = arith.constant 0 : i32
      %dma_wait3A_695 = arith.constant 0 : i32
      %dma_wait3A_696 = tpu.memref_slice %arg6[%dma_wait3A_694, %dma_wait3A_695] : memref<10112x128xf32, #tpu.memory_space<vmem_shared>> -> memref<10112x128xf32, #tpu.memory_space<vmem_shared>>
      tpu.wait_indirect_dma semaphore(%arg14 : memref<!tpu.dma_semaphore, #tpu.memory_space<semaphore_mem>>) src(%arg10 : memref<128x128xf32, #tpu.memory_space<vmem>>) dst(%dma_wait3A_696 : memref<10112x128xf32, #tpu.memory_space<vmem_shared>>)
      %dma_start3A_697 = arith.constant 25 : i32
      %dma_start3A_698 = arith.constant 0 : i32
      %dma_start3A_699 = tpu.memref_slice %arg8[%dma_start3A_697, %dma_start3A_698] : memref<40x128xi32, #tpu.memory_space<vmem>> -> memref<1x128xi32, #tpu.memory_space<vmem>>
      %dma_start3A_700 = tpu.memref_squeeze %dma_start3A_699 : memref<1x128xi32, #tpu.memory_space<vmem>> -> memref<128xi32, #tpu.memory_space<vmem>>
      %dma_start3A_701 = arith.constant 0 : i32
      %dma_start3A_702 = arith.constant 0 : i32
      %dma_start3A_703 = tpu.memref_slice %arg2[%dma_start3A_701, %dma_start3A_702] : memref<30336x128xf32, #tpu.memory_space<hbm>> -> memref<30336x128xf32, #tpu.memory_space<hbm>>
      tpu.enqueue_indirect_dma source(%dma_start3A_703 : memref<30336x128xf32, #tpu.memory_space<hbm>>) target(%arg10 : memref<128x128xf32, #tpu.memory_space<vmem>>) offsets(%dma_start3A_700 : memref<128xi32, #tpu.memory_space<vmem>>) semaphore(%arg12 : memref<!tpu.dma_semaphore, #tpu.memory_space<semaphore_mem>>)
      %dma_wait3A_704 = arith.constant 24 : i32
      %dma_wait3A_705 = arith.constant 0 : i32
      %dma_wait3A_706 = tpu.memref_slice %arg8[%dma_wait3A_704, %dma_wait3A_705] : memref<40x128xi32, #tpu.memory_space<vmem>> -> memref<1x128xi32, #tpu.memory_space<vmem>>
      %dma_wait3A_707 = tpu.memref_squeeze %dma_wait3A_706 : memref<1x128xi32, #tpu.memory_space<vmem>> -> memref<128xi32, #tpu.memory_space<vmem>>
      %dma_wait3A_708 = arith.constant 0 : i32
      %dma_wait3A_709 = arith.constant 0 : i32
      %dma_wait3A_710 = tpu.memref_slice %arg2[%dma_wait3A_708, %dma_wait3A_709] : memref<30336x128xf32, #tpu.memory_space<hbm>> -> memref<30336x128xf32, #tpu.memory_space<hbm>>
      tpu.wait_indirect_dma semaphore(%arg11 : memref<!tpu.dma_semaphore, #tpu.memory_space<semaphore_mem>>) src(%dma_wait3A_710 : memref<30336x128xf32, #tpu.memory_space<hbm>>) dst(%arg9 : memref<128x128xf32, #tpu.memory_space<vmem>>)
      %dma_start3A_711 = arith.constant 24 : i32
      %dma_start3A_712 = arith.constant 0 : i32
      %dma_start3A_713 = tpu.memref_slice %arg7[%dma_start3A_711, %dma_start3A_712] : memref<40x128xi32, #tpu.memory_space<vmem>> -> memref<1x128xi32, #tpu.memory_space<vmem>>
      %dma_start3A_714 = tpu.memref_squeeze %dma_start3A_713 : memref<1x128xi32, #tpu.memory_space<vmem>> -> memref<128xi32, #tpu.memory_space<vmem>>
      %dma_start3A_715 = arith.constant 0 : i32
      %dma_start3A_716 = arith.constant 0 : i32
      %dma_start3A_717 = tpu.memref_slice %arg6[%dma_start3A_715, %dma_start3A_716] : memref<10112x128xf32, #tpu.memory_space<vmem_shared>> -> memref<10112x128xf32, #tpu.memory_space<vmem_shared>>
      tpu.enqueue_indirect_dma source(%arg9 : memref<128x128xf32, #tpu.memory_space<vmem>>) target(%dma_start3A_717 : memref<10112x128xf32, #tpu.memory_space<vmem_shared>>) offsets(%dma_start3A_714 : memref<128xi32, #tpu.memory_space<vmem>>) semaphore(%arg13 : memref<!tpu.dma_semaphore, #tpu.memory_space<semaphore_mem>>) {add = true}
      %dma_wait3A_718 = arith.constant 24 : i32
      %dma_wait3A_719 = arith.constant 0 : i32
      %dma_wait3A_720 = tpu.memref_slice %arg7[%dma_wait3A_718, %dma_wait3A_719] : memref<40x128xi32, #tpu.memory_space<vmem>> -> memref<1x128xi32, #tpu.memory_space<vmem>>
      %dma_wait3A_721 = tpu.memref_squeeze %dma_wait3A_720 : memref<1x128xi32, #tpu.memory_space<vmem>> -> memref<128xi32, #tpu.memory_space<vmem>>
      %dma_wait3A_722 = arith.constant 0 : i32
      %dma_wait3A_723 = arith.constant 0 : i32
      %dma_wait3A_724 = tpu.memref_slice %arg6[%dma_wait3A_722, %dma_wait3A_723] : memref<10112x128xf32, #tpu.memory_space<vmem_shared>> -> memref<10112x128xf32, #tpu.memory_space<vmem_shared>>
      tpu.wait_indirect_dma semaphore(%arg13 : memref<!tpu.dma_semaphore, #tpu.memory_space<semaphore_mem>>) src(%arg9 : memref<128x128xf32, #tpu.memory_space<vmem>>) dst(%dma_wait3A_724 : memref<10112x128xf32, #tpu.memory_space<vmem_shared>>)
      %dma_start3A_725 = arith.constant 26 : i32
      %dma_start3A_726 = arith.constant 0 : i32
      %dma_start3A_727 = tpu.memref_slice %arg8[%dma_start3A_725, %dma_start3A_726] : memref<40x128xi32, #tpu.memory_space<vmem>> -> memref<1x128xi32, #tpu.memory_space<vmem>>
      %dma_start3A_728 = tpu.memref_squeeze %dma_start3A_727 : memref<1x128xi32, #tpu.memory_space<vmem>> -> memref<128xi32, #tpu.memory_space<vmem>>
      %dma_start3A_729 = arith.constant 0 : i32
      %dma_start3A_730 = arith.constant 0 : i32
      %dma_start3A_731 = tpu.memref_slice %arg2[%dma_start3A_729, %dma_start3A_730] : memref<30336x128xf32, #tpu.memory_space<hbm>> -> memref<30336x128xf32, #tpu.memory_space<hbm>>
      tpu.enqueue_indirect_dma source(%dma_start3A_731 : memref<30336x128xf32, #tpu.memory_space<hbm>>) target(%arg9 : memref<128x128xf32, #tpu.memory_space<vmem>>) offsets(%dma_start3A_728 : memref<128xi32, #tpu.memory_space<vmem>>) semaphore(%arg11 : memref<!tpu.dma_semaphore, #tpu.memory_space<semaphore_mem>>)
      %dma_wait3A_732 = arith.constant 25 : i32
      %dma_wait3A_733 = arith.constant 0 : i32
      %dma_wait3A_734 = tpu.memref_slice %arg8[%dma_wait3A_732, %dma_wait3A_733] : memref<40x128xi32, #tpu.memory_space<vmem>> -> memref<1x128xi32, #tpu.memory_space<vmem>>
      %dma_wait3A_735 = tpu.memref_squeeze %dma_wait3A_734 : memref<1x128xi32, #tpu.memory_space<vmem>> -> memref<128xi32, #tpu.memory_space<vmem>>
      %dma_wait3A_736 = arith.constant 0 : i32
      %dma_wait3A_737 = arith.constant 0 : i32
      %dma_wait3A_738 = tpu.memref_slice %arg2[%dma_wait3A_736, %dma_wait3A_737] : memref<30336x128xf32, #tpu.memory_space<hbm>> -> memref<30336x128xf32, #tpu.memory_space<hbm>>
      tpu.wait_indirect_dma semaphore(%arg12 : memref<!tpu.dma_semaphore, #tpu.memory_space<semaphore_mem>>) src(%dma_wait3A_738 : memref<30336x128xf32, #tpu.memory_space<hbm>>) dst(%arg10 : memref<128x128xf32, #tpu.memory_space<vmem>>)
      %dma_start3A_739 = arith.constant 25 : i32
      %dma_start3A_740 = arith.constant 0 : i32
      %dma_start3A_741 = tpu.memref_slice %arg7[%dma_start3A_739, %dma_start3A_740] : memref<40x128xi32, #tpu.memory_space<vmem>> -> memref<1x128xi32, #tpu.memory_space<vmem>>
      %dma_start3A_742 = tpu.memref_squeeze %dma_start3A_741 : memref<1x128xi32, #tpu.memory_space<vmem>> -> memref<128xi32, #tpu.memory_space<vmem>>
      %dma_start3A_743 = arith.constant 0 : i32
      %dma_start3A_744 = arith.constant 0 : i32
      %dma_start3A_745 = tpu.memref_slice %arg6[%dma_start3A_743, %dma_start3A_744] : memref<10112x128xf32, #tpu.memory_space<vmem_shared>> -> memref<10112x128xf32, #tpu.memory_space<vmem_shared>>
      tpu.enqueue_indirect_dma source(%arg10 : memref<128x128xf32, #tpu.memory_space<vmem>>) target(%dma_start3A_745 : memref<10112x128xf32, #tpu.memory_space<vmem_shared>>) offsets(%dma_start3A_742 : memref<128xi32, #tpu.memory_space<vmem>>) semaphore(%arg14 : memref<!tpu.dma_semaphore, #tpu.memory_space<semaphore_mem>>) {add = true}
      %dma_wait3A_746 = arith.constant 25 : i32
      %dma_wait3A_747 = arith.constant 0 : i32
      %dma_wait3A_748 = tpu.memref_slice %arg7[%dma_wait3A_746, %dma_wait3A_747] : memref<40x128xi32, #tpu.memory_space<vmem>> -> memref<1x128xi32, #tpu.memory_space<vmem>>
      %dma_wait3A_749 = tpu.memref_squeeze %dma_wait3A_748 : memref<1x128xi32, #tpu.memory_space<vmem>> -> memref<128xi32, #tpu.memory_space<vmem>>
      %dma_wait3A_750 = arith.constant 0 : i32
      %dma_wait3A_751 = arith.constant 0 : i32
      %dma_wait3A_752 = tpu.memref_slice %arg6[%dma_wait3A_750, %dma_wait3A_751] : memref<10112x128xf32, #tpu.memory_space<vmem_shared>> -> memref<10112x128xf32, #tpu.memory_space<vmem_shared>>
      tpu.wait_indirect_dma semaphore(%arg14 : memref<!tpu.dma_semaphore, #tpu.memory_space<semaphore_mem>>) src(%arg10 : memref<128x128xf32, #tpu.memory_space<vmem>>) dst(%dma_wait3A_752 : memref<10112x128xf32, #tpu.memory_space<vmem_shared>>)
      %dma_start3A_753 = arith.constant 27 : i32
      %dma_start3A_754 = arith.constant 0 : i32
      %dma_start3A_755 = tpu.memref_slice %arg8[%dma_start3A_753, %dma_start3A_754] : memref<40x128xi32, #tpu.memory_space<vmem>> -> memref<1x128xi32, #tpu.memory_space<vmem>>
      %dma_start3A_756 = tpu.memref_squeeze %dma_start3A_755 : memref<1x128xi32, #tpu.memory_space<vmem>> -> memref<128xi32, #tpu.memory_space<vmem>>
      %dma_start3A_757 = arith.constant 0 : i32
      %dma_start3A_758 = arith.constant 0 : i32
      %dma_start3A_759 = tpu.memref_slice %arg2[%dma_start3A_757, %dma_start3A_758] : memref<30336x128xf32, #tpu.memory_space<hbm>> -> memref<30336x128xf32, #tpu.memory_space<hbm>>
      tpu.enqueue_indirect_dma source(%dma_start3A_759 : memref<30336x128xf32, #tpu.memory_space<hbm>>) target(%arg10 : memref<128x128xf32, #tpu.memory_space<vmem>>) offsets(%dma_start3A_756 : memref<128xi32, #tpu.memory_space<vmem>>) semaphore(%arg12 : memref<!tpu.dma_semaphore, #tpu.memory_space<semaphore_mem>>)
      %dma_wait3A_760 = arith.constant 26 : i32
      %dma_wait3A_761 = arith.constant 0 : i32
      %dma_wait3A_762 = tpu.memref_slice %arg8[%dma_wait3A_760, %dma_wait3A_761] : memref<40x128xi32, #tpu.memory_space<vmem>> -> memref<1x128xi32, #tpu.memory_space<vmem>>
      %dma_wait3A_763 = tpu.memref_squeeze %dma_wait3A_762 : memref<1x128xi32, #tpu.memory_space<vmem>> -> memref<128xi32, #tpu.memory_space<vmem>>
      %dma_wait3A_764 = arith.constant 0 : i32
      %dma_wait3A_765 = arith.constant 0 : i32
      %dma_wait3A_766 = tpu.memref_slice %arg2[%dma_wait3A_764, %dma_wait3A_765] : memref<30336x128xf32, #tpu.memory_space<hbm>> -> memref<30336x128xf32, #tpu.memory_space<hbm>>
      tpu.wait_indirect_dma semaphore(%arg11 : memref<!tpu.dma_semaphore, #tpu.memory_space<semaphore_mem>>) src(%dma_wait3A_766 : memref<30336x128xf32, #tpu.memory_space<hbm>>) dst(%arg9 : memref<128x128xf32, #tpu.memory_space<vmem>>)
      %dma_start3A_767 = arith.constant 26 : i32
      %dma_start3A_768 = arith.constant 0 : i32
      %dma_start3A_769 = tpu.memref_slice %arg7[%dma_start3A_767, %dma_start3A_768] : memref<40x128xi32, #tpu.memory_space<vmem>> -> memref<1x128xi32, #tpu.memory_space<vmem>>
      %dma_start3A_770 = tpu.memref_squeeze %dma_start3A_769 : memref<1x128xi32, #tpu.memory_space<vmem>> -> memref<128xi32, #tpu.memory_space<vmem>>
      %dma_start3A_771 = arith.constant 0 : i32
      %dma_start3A_772 = arith.constant 0 : i32
      %dma_start3A_773 = tpu.memref_slice %arg6[%dma_start3A_771, %dma_start3A_772] : memref<10112x128xf32, #tpu.memory_space<vmem_shared>> -> memref<10112x128xf32, #tpu.memory_space<vmem_shared>>
      tpu.enqueue_indirect_dma source(%arg9 : memref<128x128xf32, #tpu.memory_space<vmem>>) target(%dma_start3A_773 : memref<10112x128xf32, #tpu.memory_space<vmem_shared>>) offsets(%dma_start3A_770 : memref<128xi32, #tpu.memory_space<vmem>>) semaphore(%arg13 : memref<!tpu.dma_semaphore, #tpu.memory_space<semaphore_mem>>) {add = true}
      %dma_wait3A_774 = arith.constant 26 : i32
      %dma_wait3A_775 = arith.constant 0 : i32
      %dma_wait3A_776 = tpu.memref_slice %arg7[%dma_wait3A_774, %dma_wait3A_775] : memref<40x128xi32, #tpu.memory_space<vmem>> -> memref<1x128xi32, #tpu.memory_space<vmem>>
      %dma_wait3A_777 = tpu.memref_squeeze %dma_wait3A_776 : memref<1x128xi32, #tpu.memory_space<vmem>> -> memref<128xi32, #tpu.memory_space<vmem>>
      %dma_wait3A_778 = arith.constant 0 : i32
      %dma_wait3A_779 = arith.constant 0 : i32
      %dma_wait3A_780 = tpu.memref_slice %arg6[%dma_wait3A_778, %dma_wait3A_779] : memref<10112x128xf32, #tpu.memory_space<vmem_shared>> -> memref<10112x128xf32, #tpu.memory_space<vmem_shared>>
      tpu.wait_indirect_dma semaphore(%arg13 : memref<!tpu.dma_semaphore, #tpu.memory_space<semaphore_mem>>) src(%arg9 : memref<128x128xf32, #tpu.memory_space<vmem>>) dst(%dma_wait3A_780 : memref<10112x128xf32, #tpu.memory_space<vmem_shared>>)
      %dma_start3A_781 = arith.constant 28 : i32
      %dma_start3A_782 = arith.constant 0 : i32
      %dma_start3A_783 = tpu.memref_slice %arg8[%dma_start3A_781, %dma_start3A_782] : memref<40x128xi32, #tpu.memory_space<vmem>> -> memref<1x128xi32, #tpu.memory_space<vmem>>
      %dma_start3A_784 = tpu.memref_squeeze %dma_start3A_783 : memref<1x128xi32, #tpu.memory_space<vmem>> -> memref<128xi32, #tpu.memory_space<vmem>>
      %dma_start3A_785 = arith.constant 0 : i32
      %dma_start3A_786 = arith.constant 0 : i32
      %dma_start3A_787 = tpu.memref_slice %arg2[%dma_start3A_785, %dma_start3A_786] : memref<30336x128xf32, #tpu.memory_space<hbm>> -> memref<30336x128xf32, #tpu.memory_space<hbm>>
      tpu.enqueue_indirect_dma source(%dma_start3A_787 : memref<30336x128xf32, #tpu.memory_space<hbm>>) target(%arg9 : memref<128x128xf32, #tpu.memory_space<vmem>>) offsets(%dma_start3A_784 : memref<128xi32, #tpu.memory_space<vmem>>) semaphore(%arg11 : memref<!tpu.dma_semaphore, #tpu.memory_space<semaphore_mem>>)
      %dma_wait3A_788 = arith.constant 27 : i32
      %dma_wait3A_789 = arith.constant 0 : i32
      %dma_wait3A_790 = tpu.memref_slice %arg8[%dma_wait3A_788, %dma_wait3A_789] : memref<40x128xi32, #tpu.memory_space<vmem>> -> memref<1x128xi32, #tpu.memory_space<vmem>>
      %dma_wait3A_791 = tpu.memref_squeeze %dma_wait3A_790 : memref<1x128xi32, #tpu.memory_space<vmem>> -> memref<128xi32, #tpu.memory_space<vmem>>
      %dma_wait3A_792 = arith.constant 0 : i32
      %dma_wait3A_793 = arith.constant 0 : i32
      %dma_wait3A_794 = tpu.memref_slice %arg2[%dma_wait3A_792, %dma_wait3A_793] : memref<30336x128xf32, #tpu.memory_space<hbm>> -> memref<30336x128xf32, #tpu.memory_space<hbm>>
      tpu.wait_indirect_dma semaphore(%arg12 : memref<!tpu.dma_semaphore, #tpu.memory_space<semaphore_mem>>) src(%dma_wait3A_794 : memref<30336x128xf32, #tpu.memory_space<hbm>>) dst(%arg10 : memref<128x128xf32, #tpu.memory_space<vmem>>)
      %dma_start3A_795 = arith.constant 27 : i32
      %dma_start3A_796 = arith.constant 0 : i32
      %dma_start3A_797 = tpu.memref_slice %arg7[%dma_start3A_795, %dma_start3A_796] : memref<40x128xi32, #tpu.memory_space<vmem>> -> memref<1x128xi32, #tpu.memory_space<vmem>>
      %dma_start3A_798 = tpu.memref_squeeze %dma_start3A_797 : memref<1x128xi32, #tpu.memory_space<vmem>> -> memref<128xi32, #tpu.memory_space<vmem>>
      %dma_start3A_799 = arith.constant 0 : i32
      %dma_start3A_800 = arith.constant 0 : i32
      %dma_start3A_801 = tpu.memref_slice %arg6[%dma_start3A_799, %dma_start3A_800] : memref<10112x128xf32, #tpu.memory_space<vmem_shared>> -> memref<10112x128xf32, #tpu.memory_space<vmem_shared>>
      tpu.enqueue_indirect_dma source(%arg10 : memref<128x128xf32, #tpu.memory_space<vmem>>) target(%dma_start3A_801 : memref<10112x128xf32, #tpu.memory_space<vmem_shared>>) offsets(%dma_start3A_798 : memref<128xi32, #tpu.memory_space<vmem>>) semaphore(%arg14 : memref<!tpu.dma_semaphore, #tpu.memory_space<semaphore_mem>>) {add = true}
      %dma_wait3A_802 = arith.constant 27 : i32
      %dma_wait3A_803 = arith.constant 0 : i32
      %dma_wait3A_804 = tpu.memref_slice %arg7[%dma_wait3A_802, %dma_wait3A_803] : memref<40x128xi32, #tpu.memory_space<vmem>> -> memref<1x128xi32, #tpu.memory_space<vmem>>
      %dma_wait3A_805 = tpu.memref_squeeze %dma_wait3A_804 : memref<1x128xi32, #tpu.memory_space<vmem>> -> memref<128xi32, #tpu.memory_space<vmem>>
      %dma_wait3A_806 = arith.constant 0 : i32
      %dma_wait3A_807 = arith.constant 0 : i32
      %dma_wait3A_808 = tpu.memref_slice %arg6[%dma_wait3A_806, %dma_wait3A_807] : memref<10112x128xf32, #tpu.memory_space<vmem_shared>> -> memref<10112x128xf32, #tpu.memory_space<vmem_shared>>
      tpu.wait_indirect_dma semaphore(%arg14 : memref<!tpu.dma_semaphore, #tpu.memory_space<semaphore_mem>>) src(%arg10 : memref<128x128xf32, #tpu.memory_space<vmem>>) dst(%dma_wait3A_808 : memref<10112x128xf32, #tpu.memory_space<vmem_shared>>)
      %dma_start3A_809 = arith.constant 29 : i32
      %dma_start3A_810 = arith.constant 0 : i32
      %dma_start3A_811 = tpu.memref_slice %arg8[%dma_start3A_809, %dma_start3A_810] : memref<40x128xi32, #tpu.memory_space<vmem>> -> memref<1x128xi32, #tpu.memory_space<vmem>>
      %dma_start3A_812 = tpu.memref_squeeze %dma_start3A_811 : memref<1x128xi32, #tpu.memory_space<vmem>> -> memref<128xi32, #tpu.memory_space<vmem>>
      %dma_start3A_813 = arith.constant 0 : i32
      %dma_start3A_814 = arith.constant 0 : i32
      %dma_start3A_815 = tpu.memref_slice %arg2[%dma_start3A_813, %dma_start3A_814] : memref<30336x128xf32, #tpu.memory_space<hbm>> -> memref<30336x128xf32, #tpu.memory_space<hbm>>
      tpu.enqueue_indirect_dma source(%dma_start3A_815 : memref<30336x128xf32, #tpu.memory_space<hbm>>) target(%arg10 : memref<128x128xf32, #tpu.memory_space<vmem>>) offsets(%dma_start3A_812 : memref<128xi32, #tpu.memory_space<vmem>>) semaphore(%arg12 : memref<!tpu.dma_semaphore, #tpu.memory_space<semaphore_mem>>)
      %dma_wait3A_816 = arith.constant 28 : i32
      %dma_wait3A_817 = arith.constant 0 : i32
      %dma_wait3A_818 = tpu.memref_slice %arg8[%dma_wait3A_816, %dma_wait3A_817] : memref<40x128xi32, #tpu.memory_space<vmem>> -> memref<1x128xi32, #tpu.memory_space<vmem>>
      %dma_wait3A_819 = tpu.memref_squeeze %dma_wait3A_818 : memref<1x128xi32, #tpu.memory_space<vmem>> -> memref<128xi32, #tpu.memory_space<vmem>>
      %dma_wait3A_820 = arith.constant 0 : i32
      %dma_wait3A_821 = arith.constant 0 : i32
      %dma_wait3A_822 = tpu.memref_slice %arg2[%dma_wait3A_820, %dma_wait3A_821] : memref<30336x128xf32, #tpu.memory_space<hbm>> -> memref<30336x128xf32, #tpu.memory_space<hbm>>
      tpu.wait_indirect_dma semaphore(%arg11 : memref<!tpu.dma_semaphore, #tpu.memory_space<semaphore_mem>>) src(%dma_wait3A_822 : memref<30336x128xf32, #tpu.memory_space<hbm>>) dst(%arg9 : memref<128x128xf32, #tpu.memory_space<vmem>>)
      %dma_start3A_823 = arith.constant 28 : i32
      %dma_start3A_824 = arith.constant 0 : i32
      %dma_start3A_825 = tpu.memref_slice %arg7[%dma_start3A_823, %dma_start3A_824] : memref<40x128xi32, #tpu.memory_space<vmem>> -> memref<1x128xi32, #tpu.memory_space<vmem>>
      %dma_start3A_826 = tpu.memref_squeeze %dma_start3A_825 : memref<1x128xi32, #tpu.memory_space<vmem>> -> memref<128xi32, #tpu.memory_space<vmem>>
      %dma_start3A_827 = arith.constant 0 : i32
      %dma_start3A_828 = arith.constant 0 : i32
      %dma_start3A_829 = tpu.memref_slice %arg6[%dma_start3A_827, %dma_start3A_828] : memref<10112x128xf32, #tpu.memory_space<vmem_shared>> -> memref<10112x128xf32, #tpu.memory_space<vmem_shared>>
      tpu.enqueue_indirect_dma source(%arg9 : memref<128x128xf32, #tpu.memory_space<vmem>>) target(%dma_start3A_829 : memref<10112x128xf32, #tpu.memory_space<vmem_shared>>) offsets(%dma_start3A_826 : memref<128xi32, #tpu.memory_space<vmem>>) semaphore(%arg13 : memref<!tpu.dma_semaphore, #tpu.memory_space<semaphore_mem>>) {add = true}
      %dma_wait3A_830 = arith.constant 28 : i32
      %dma_wait3A_831 = arith.constant 0 : i32
      %dma_wait3A_832 = tpu.memref_slice %arg7[%dma_wait3A_830, %dma_wait3A_831] : memref<40x128xi32, #tpu.memory_space<vmem>> -> memref<1x128xi32, #tpu.memory_space<vmem>>
      %dma_wait3A_833 = tpu.memref_squeeze %dma_wait3A_832 : memref<1x128xi32, #tpu.memory_space<vmem>> -> memref<128xi32, #tpu.memory_space<vmem>>
      %dma_wait3A_834 = arith.constant 0 : i32
      %dma_wait3A_835 = arith.constant 0 : i32
      %dma_wait3A_836 = tpu.memref_slice %arg6[%dma_wait3A_834, %dma_wait3A_835] : memref<10112x128xf32, #tpu.memory_space<vmem_shared>> -> memref<10112x128xf32, #tpu.memory_space<vmem_shared>>
      tpu.wait_indirect_dma semaphore(%arg13 : memref<!tpu.dma_semaphore, #tpu.memory_space<semaphore_mem>>) src(%arg9 : memref<128x128xf32, #tpu.memory_space<vmem>>) dst(%dma_wait3A_836 : memref<10112x128xf32, #tpu.memory_space<vmem_shared>>)
      %dma_start3A_837 = arith.constant 30 : i32
      %dma_start3A_838 = arith.constant 0 : i32
      %dma_start3A_839 = tpu.memref_slice %arg8[%dma_start3A_837, %dma_start3A_838] : memref<40x128xi32, #tpu.memory_space<vmem>> -> memref<1x128xi32, #tpu.memory_space<vmem>>
      %dma_start3A_840 = tpu.memref_squeeze %dma_start3A_839 : memref<1x128xi32, #tpu.memory_space<vmem>> -> memref<128xi32, #tpu.memory_space<vmem>>
      %dma_start3A_841 = arith.constant 0 : i32
      %dma_start3A_842 = arith.constant 0 : i32
      %dma_start3A_843 = tpu.memref_slice %arg2[%dma_start3A_841, %dma_start3A_842] : memref<30336x128xf32, #tpu.memory_space<hbm>> -> memref<30336x128xf32, #tpu.memory_space<hbm>>
      tpu.enqueue_indirect_dma source(%dma_start3A_843 : memref<30336x128xf32, #tpu.memory_space<hbm>>) target(%arg9 : memref<128x128xf32, #tpu.memory_space<vmem>>) offsets(%dma_start3A_840 : memref<128xi32, #tpu.memory_space<vmem>>) semaphore(%arg11 : memref<!tpu.dma_semaphore, #tpu.memory_space<semaphore_mem>>)
      %dma_wait3A_844 = arith.constant 29 : i32
      %dma_wait3A_845 = arith.constant 0 : i32
      %dma_wait3A_846 = tpu.memref_slice %arg8[%dma_wait3A_844, %dma_wait3A_845] : memref<40x128xi32, #tpu.memory_space<vmem>> -> memref<1x128xi32, #tpu.memory_space<vmem>>
      %dma_wait3A_847 = tpu.memref_squeeze %dma_wait3A_846 : memref<1x128xi32, #tpu.memory_space<vmem>> -> memref<128xi32, #tpu.memory_space<vmem>>
      %dma_wait3A_848 = arith.constant 0 : i32
      %dma_wait3A_849 = arith.constant 0 : i32
      %dma_wait3A_850 = tpu.memref_slice %arg2[%dma_wait3A_848, %dma_wait3A_849] : memref<30336x128xf32, #tpu.memory_space<hbm>> -> memref<30336x128xf32, #tpu.memory_space<hbm>>
      tpu.wait_indirect_dma semaphore(%arg12 : memref<!tpu.dma_semaphore, #tpu.memory_space<semaphore_mem>>) src(%dma_wait3A_850 : memref<30336x128xf32, #tpu.memory_space<hbm>>) dst(%arg10 : memref<128x128xf32, #tpu.memory_space<vmem>>)
      %dma_start3A_851 = arith.constant 29 : i32
      %dma_start3A_852 = arith.constant 0 : i32
      %dma_start3A_853 = tpu.memref_slice %arg7[%dma_start3A_851, %dma_start3A_852] : memref<40x128xi32, #tpu.memory_space<vmem>> -> memref<1x128xi32, #tpu.memory_space<vmem>>
      %dma_start3A_854 = tpu.memref_squeeze %dma_start3A_853 : memref<1x128xi32, #tpu.memory_space<vmem>> -> memref<128xi32, #tpu.memory_space<vmem>>
      %dma_start3A_855 = arith.constant 0 : i32
      %dma_start3A_856 = arith.constant 0 : i32
      %dma_start3A_857 = tpu.memref_slice %arg6[%dma_start3A_855, %dma_start3A_856] : memref<10112x128xf32, #tpu.memory_space<vmem_shared>> -> memref<10112x128xf32, #tpu.memory_space<vmem_shared>>
      tpu.enqueue_indirect_dma source(%arg10 : memref<128x128xf32, #tpu.memory_space<vmem>>) target(%dma_start3A_857 : memref<10112x128xf32, #tpu.memory_space<vmem_shared>>) offsets(%dma_start3A_854 : memref<128xi32, #tpu.memory_space<vmem>>) semaphore(%arg14 : memref<!tpu.dma_semaphore, #tpu.memory_space<semaphore_mem>>) {add = true}
      %dma_wait3A_858 = arith.constant 29 : i32
      %dma_wait3A_859 = arith.constant 0 : i32
      %dma_wait3A_860 = tpu.memref_slice %arg7[%dma_wait3A_858, %dma_wait3A_859] : memref<40x128xi32, #tpu.memory_space<vmem>> -> memref<1x128xi32, #tpu.memory_space<vmem>>
      %dma_wait3A_861 = tpu.memref_squeeze %dma_wait3A_860 : memref<1x128xi32, #tpu.memory_space<vmem>> -> memref<128xi32, #tpu.memory_space<vmem>>
      %dma_wait3A_862 = arith.constant 0 : i32
      %dma_wait3A_863 = arith.constant 0 : i32
      %dma_wait3A_864 = tpu.memref_slice %arg6[%dma_wait3A_862, %dma_wait3A_863] : memref<10112x128xf32, #tpu.memory_space<vmem_shared>> -> memref<10112x128xf32, #tpu.memory_space<vmem_shared>>
      tpu.wait_indirect_dma semaphore(%arg14 : memref<!tpu.dma_semaphore, #tpu.memory_space<semaphore_mem>>) src(%arg10 : memref<128x128xf32, #tpu.memory_space<vmem>>) dst(%dma_wait3A_864 : memref<10112x128xf32, #tpu.memory_space<vmem_shared>>)
      %dma_start3A_865 = arith.constant 31 : i32
      %dma_start3A_866 = arith.constant 0 : i32
      %dma_start3A_867 = tpu.memref_slice %arg8[%dma_start3A_865, %dma_start3A_866] : memref<40x128xi32, #tpu.memory_space<vmem>> -> memref<1x128xi32, #tpu.memory_space<vmem>>
      %dma_start3A_868 = tpu.memref_squeeze %dma_start3A_867 : memref<1x128xi32, #tpu.memory_space<vmem>> -> memref<128xi32, #tpu.memory_space<vmem>>
      %dma_start3A_869 = arith.constant 0 : i32
      %dma_start3A_870 = arith.constant 0 : i32
      %dma_start3A_871 = tpu.memref_slice %arg2[%dma_start3A_869, %dma_start3A_870] : memref<30336x128xf32, #tpu.memory_space<hbm>> -> memref<30336x128xf32, #tpu.memory_space<hbm>>
      tpu.enqueue_indirect_dma source(%dma_start3A_871 : memref<30336x128xf32, #tpu.memory_space<hbm>>) target(%arg10 : memref<128x128xf32, #tpu.memory_space<vmem>>) offsets(%dma_start3A_868 : memref<128xi32, #tpu.memory_space<vmem>>) semaphore(%arg12 : memref<!tpu.dma_semaphore, #tpu.memory_space<semaphore_mem>>)
      %dma_wait3A_872 = arith.constant 30 : i32
      %dma_wait3A_873 = arith.constant 0 : i32
      %dma_wait3A_874 = tpu.memref_slice %arg8[%dma_wait3A_872, %dma_wait3A_873] : memref<40x128xi32, #tpu.memory_space<vmem>> -> memref<1x128xi32, #tpu.memory_space<vmem>>
      %dma_wait3A_875 = tpu.memref_squeeze %dma_wait3A_874 : memref<1x128xi32, #tpu.memory_space<vmem>> -> memref<128xi32, #tpu.memory_space<vmem>>
      %dma_wait3A_876 = arith.constant 0 : i32
      %dma_wait3A_877 = arith.constant 0 : i32
      %dma_wait3A_878 = tpu.memref_slice %arg2[%dma_wait3A_876, %dma_wait3A_877] : memref<30336x128xf32, #tpu.memory_space<hbm>> -> memref<30336x128xf32, #tpu.memory_space<hbm>>
      tpu.wait_indirect_dma semaphore(%arg11 : memref<!tpu.dma_semaphore, #tpu.memory_space<semaphore_mem>>) src(%dma_wait3A_878 : memref<30336x128xf32, #tpu.memory_space<hbm>>) dst(%arg9 : memref<128x128xf32, #tpu.memory_space<vmem>>)
      %dma_start3A_879 = arith.constant 30 : i32
      %dma_start3A_880 = arith.constant 0 : i32
      %dma_start3A_881 = tpu.memref_slice %arg7[%dma_start3A_879, %dma_start3A_880] : memref<40x128xi32, #tpu.memory_space<vmem>> -> memref<1x128xi32, #tpu.memory_space<vmem>>
      %dma_start3A_882 = tpu.memref_squeeze %dma_start3A_881 : memref<1x128xi32, #tpu.memory_space<vmem>> -> memref<128xi32, #tpu.memory_space<vmem>>
      %dma_start3A_883 = arith.constant 0 : i32
      %dma_start3A_884 = arith.constant 0 : i32
      %dma_start3A_885 = tpu.memref_slice %arg6[%dma_start3A_883, %dma_start3A_884] : memref<10112x128xf32, #tpu.memory_space<vmem_shared>> -> memref<10112x128xf32, #tpu.memory_space<vmem_shared>>
      tpu.enqueue_indirect_dma source(%arg9 : memref<128x128xf32, #tpu.memory_space<vmem>>) target(%dma_start3A_885 : memref<10112x128xf32, #tpu.memory_space<vmem_shared>>) offsets(%dma_start3A_882 : memref<128xi32, #tpu.memory_space<vmem>>) semaphore(%arg13 : memref<!tpu.dma_semaphore, #tpu.memory_space<semaphore_mem>>) {add = true}
      %dma_wait3A_886 = arith.constant 30 : i32
      %dma_wait3A_887 = arith.constant 0 : i32
      %dma_wait3A_888 = tpu.memref_slice %arg7[%dma_wait3A_886, %dma_wait3A_887] : memref<40x128xi32, #tpu.memory_space<vmem>> -> memref<1x128xi32, #tpu.memory_space<vmem>>
      %dma_wait3A_889 = tpu.memref_squeeze %dma_wait3A_888 : memref<1x128xi32, #tpu.memory_space<vmem>> -> memref<128xi32, #tpu.memory_space<vmem>>
      %dma_wait3A_890 = arith.constant 0 : i32
      %dma_wait3A_891 = arith.constant 0 : i32
      %dma_wait3A_892 = tpu.memref_slice %arg6[%dma_wait3A_890, %dma_wait3A_891] : memref<10112x128xf32, #tpu.memory_space<vmem_shared>> -> memref<10112x128xf32, #tpu.memory_space<vmem_shared>>
      tpu.wait_indirect_dma semaphore(%arg13 : memref<!tpu.dma_semaphore, #tpu.memory_space<semaphore_mem>>) src(%arg9 : memref<128x128xf32, #tpu.memory_space<vmem>>) dst(%dma_wait3A_892 : memref<10112x128xf32, #tpu.memory_space<vmem_shared>>)
      %dma_start3A_893 = arith.constant 32 : i32
      %dma_start3A_894 = arith.constant 0 : i32
      %dma_start3A_895 = tpu.memref_slice %arg8[%dma_start3A_893, %dma_start3A_894] : memref<40x128xi32, #tpu.memory_space<vmem>> -> memref<1x128xi32, #tpu.memory_space<vmem>>
      %dma_start3A_896 = tpu.memref_squeeze %dma_start3A_895 : memref<1x128xi32, #tpu.memory_space<vmem>> -> memref<128xi32, #tpu.memory_space<vmem>>
      %dma_start3A_897 = arith.constant 0 : i32
      %dma_start3A_898 = arith.constant 0 : i32
      %dma_start3A_899 = tpu.memref_slice %arg2[%dma_start3A_897, %dma_start3A_898] : memref<30336x128xf32, #tpu.memory_space<hbm>> -> memref<30336x128xf32, #tpu.memory_space<hbm>>
      tpu.enqueue_indirect_dma source(%dma_start3A_899 : memref<30336x128xf32, #tpu.memory_space<hbm>>) target(%arg9 : memref<128x128xf32, #tpu.memory_space<vmem>>) offsets(%dma_start3A_896 : memref<128xi32, #tpu.memory_space<vmem>>) semaphore(%arg11 : memref<!tpu.dma_semaphore, #tpu.memory_space<semaphore_mem>>)
      %dma_wait3A_900 = arith.constant 31 : i32
      %dma_wait3A_901 = arith.constant 0 : i32
      %dma_wait3A_902 = tpu.memref_slice %arg8[%dma_wait3A_900, %dma_wait3A_901] : memref<40x128xi32, #tpu.memory_space<vmem>> -> memref<1x128xi32, #tpu.memory_space<vmem>>
      %dma_wait3A_903 = tpu.memref_squeeze %dma_wait3A_902 : memref<1x128xi32, #tpu.memory_space<vmem>> -> memref<128xi32, #tpu.memory_space<vmem>>
      %dma_wait3A_904 = arith.constant 0 : i32
      %dma_wait3A_905 = arith.constant 0 : i32
      %dma_wait3A_906 = tpu.memref_slice %arg2[%dma_wait3A_904, %dma_wait3A_905] : memref<30336x128xf32, #tpu.memory_space<hbm>> -> memref<30336x128xf32, #tpu.memory_space<hbm>>
      tpu.wait_indirect_dma semaphore(%arg12 : memref<!tpu.dma_semaphore, #tpu.memory_space<semaphore_mem>>) src(%dma_wait3A_906 : memref<30336x128xf32, #tpu.memory_space<hbm>>) dst(%arg10 : memref<128x128xf32, #tpu.memory_space<vmem>>)
      %dma_start3A_907 = arith.constant 31 : i32
      %dma_start3A_908 = arith.constant 0 : i32
      %dma_start3A_909 = tpu.memref_slice %arg7[%dma_start3A_907, %dma_start3A_908] : memref<40x128xi32, #tpu.memory_space<vmem>> -> memref<1x128xi32, #tpu.memory_space<vmem>>
      %dma_start3A_910 = tpu.memref_squeeze %dma_start3A_909 : memref<1x128xi32, #tpu.memory_space<vmem>> -> memref<128xi32, #tpu.memory_space<vmem>>
      %dma_start3A_911 = arith.constant 0 : i32
      %dma_start3A_912 = arith.constant 0 : i32
      %dma_start3A_913 = tpu.memref_slice %arg6[%dma_start3A_911, %dma_start3A_912] : memref<10112x128xf32, #tpu.memory_space<vmem_shared>> -> memref<10112x128xf32, #tpu.memory_space<vmem_shared>>
      tpu.enqueue_indirect_dma source(%arg10 : memref<128x128xf32, #tpu.memory_space<vmem>>) target(%dma_start3A_913 : memref<10112x128xf32, #tpu.memory_space<vmem_shared>>) offsets(%dma_start3A_910 : memref<128xi32, #tpu.memory_space<vmem>>) semaphore(%arg14 : memref<!tpu.dma_semaphore, #tpu.memory_space<semaphore_mem>>) {add = true}
      %dma_wait3A_914 = arith.constant 31 : i32
      %dma_wait3A_915 = arith.constant 0 : i32
      %dma_wait3A_916 = tpu.memref_slice %arg7[%dma_wait3A_914, %dma_wait3A_915] : memref<40x128xi32, #tpu.memory_space<vmem>> -> memref<1x128xi32, #tpu.memory_space<vmem>>
      %dma_wait3A_917 = tpu.memref_squeeze %dma_wait3A_916 : memref<1x128xi32, #tpu.memory_space<vmem>> -> memref<128xi32, #tpu.memory_space<vmem>>
      %dma_wait3A_918 = arith.constant 0 : i32
      %dma_wait3A_919 = arith.constant 0 : i32
      %dma_wait3A_920 = tpu.memref_slice %arg6[%dma_wait3A_918, %dma_wait3A_919] : memref<10112x128xf32, #tpu.memory_space<vmem_shared>> -> memref<10112x128xf32, #tpu.memory_space<vmem_shared>>
      tpu.wait_indirect_dma semaphore(%arg14 : memref<!tpu.dma_semaphore, #tpu.memory_space<semaphore_mem>>) src(%arg10 : memref<128x128xf32, #tpu.memory_space<vmem>>) dst(%dma_wait3A_920 : memref<10112x128xf32, #tpu.memory_space<vmem_shared>>)
      %dma_start3A_921 = arith.constant 33 : i32
      %dma_start3A_922 = arith.constant 0 : i32
      %dma_start3A_923 = tpu.memref_slice %arg8[%dma_start3A_921, %dma_start3A_922] : memref<40x128xi32, #tpu.memory_space<vmem>> -> memref<1x128xi32, #tpu.memory_space<vmem>>
      %dma_start3A_924 = tpu.memref_squeeze %dma_start3A_923 : memref<1x128xi32, #tpu.memory_space<vmem>> -> memref<128xi32, #tpu.memory_space<vmem>>
      %dma_start3A_925 = arith.constant 0 : i32
      %dma_start3A_926 = arith.constant 0 : i32
      %dma_start3A_927 = tpu.memref_slice %arg2[%dma_start3A_925, %dma_start3A_926] : memref<30336x128xf32, #tpu.memory_space<hbm>> -> memref<30336x128xf32, #tpu.memory_space<hbm>>
      tpu.enqueue_indirect_dma source(%dma_start3A_927 : memref<30336x128xf32, #tpu.memory_space<hbm>>) target(%arg10 : memref<128x128xf32, #tpu.memory_space<vmem>>) offsets(%dma_start3A_924 : memref<128xi32, #tpu.memory_space<vmem>>) semaphore(%arg12 : memref<!tpu.dma_semaphore, #tpu.memory_space<semaphore_mem>>)
      %dma_wait3A_928 = arith.constant 32 : i32
      %dma_wait3A_929 = arith.constant 0 : i32
      %dma_wait3A_930 = tpu.memref_slice %arg8[%dma_wait3A_928, %dma_wait3A_929] : memref<40x128xi32, #tpu.memory_space<vmem>> -> memref<1x128xi32, #tpu.memory_space<vmem>>
      %dma_wait3A_931 = tpu.memref_squeeze %dma_wait3A_930 : memref<1x128xi32, #tpu.memory_space<vmem>> -> memref<128xi32, #tpu.memory_space<vmem>>
      %dma_wait3A_932 = arith.constant 0 : i32
      %dma_wait3A_933 = arith.constant 0 : i32
      %dma_wait3A_934 = tpu.memref_slice %arg2[%dma_wait3A_932, %dma_wait3A_933] : memref<30336x128xf32, #tpu.memory_space<hbm>> -> memref<30336x128xf32, #tpu.memory_space<hbm>>
      tpu.wait_indirect_dma semaphore(%arg11 : memref<!tpu.dma_semaphore, #tpu.memory_space<semaphore_mem>>) src(%dma_wait3A_934 : memref<30336x128xf32, #tpu.memory_space<hbm>>) dst(%arg9 : memref<128x128xf32, #tpu.memory_space<vmem>>)
      %dma_start3A_935 = arith.constant 32 : i32
      %dma_start3A_936 = arith.constant 0 : i32
      %dma_start3A_937 = tpu.memref_slice %arg7[%dma_start3A_935, %dma_start3A_936] : memref<40x128xi32, #tpu.memory_space<vmem>> -> memref<1x128xi32, #tpu.memory_space<vmem>>
      %dma_start3A_938 = tpu.memref_squeeze %dma_start3A_937 : memref<1x128xi32, #tpu.memory_space<vmem>> -> memref<128xi32, #tpu.memory_space<vmem>>
      %dma_start3A_939 = arith.constant 0 : i32
      %dma_start3A_940 = arith.constant 0 : i32
      %dma_start3A_941 = tpu.memref_slice %arg6[%dma_start3A_939, %dma_start3A_940] : memref<10112x128xf32, #tpu.memory_space<vmem_shared>> -> memref<10112x128xf32, #tpu.memory_space<vmem_shared>>
      tpu.enqueue_indirect_dma source(%arg9 : memref<128x128xf32, #tpu.memory_space<vmem>>) target(%dma_start3A_941 : memref<10112x128xf32, #tpu.memory_space<vmem_shared>>) offsets(%dma_start3A_938 : memref<128xi32, #tpu.memory_space<vmem>>) semaphore(%arg13 : memref<!tpu.dma_semaphore, #tpu.memory_space<semaphore_mem>>) {add = true}
      %dma_wait3A_942 = arith.constant 32 : i32
      %dma_wait3A_943 = arith.constant 0 : i32
      %dma_wait3A_944 = tpu.memref_slice %arg7[%dma_wait3A_942, %dma_wait3A_943] : memref<40x128xi32, #tpu.memory_space<vmem>> -> memref<1x128xi32, #tpu.memory_space<vmem>>
      %dma_wait3A_945 = tpu.memref_squeeze %dma_wait3A_944 : memref<1x128xi32, #tpu.memory_space<vmem>> -> memref<128xi32, #tpu.memory_space<vmem>>
      %dma_wait3A_946 = arith.constant 0 : i32
      %dma_wait3A_947 = arith.constant 0 : i32
      %dma_wait3A_948 = tpu.memref_slice %arg6[%dma_wait3A_946, %dma_wait3A_947] : memref<10112x128xf32, #tpu.memory_space<vmem_shared>> -> memref<10112x128xf32, #tpu.memory_space<vmem_shared>>
      tpu.wait_indirect_dma semaphore(%arg13 : memref<!tpu.dma_semaphore, #tpu.memory_space<semaphore_mem>>) src(%arg9 : memref<128x128xf32, #tpu.memory_space<vmem>>) dst(%dma_wait3A_948 : memref<10112x128xf32, #tpu.memory_space<vmem_shared>>)
      %dma_start3A_949 = arith.constant 34 : i32
      %dma_start3A_950 = arith.constant 0 : i32
      %dma_start3A_951 = tpu.memref_slice %arg8[%dma_start3A_949, %dma_start3A_950] : memref<40x128xi32, #tpu.memory_space<vmem>> -> memref<1x128xi32, #tpu.memory_space<vmem>>
      %dma_start3A_952 = tpu.memref_squeeze %dma_start3A_951 : memref<1x128xi32, #tpu.memory_space<vmem>> -> memref<128xi32, #tpu.memory_space<vmem>>
      %dma_start3A_953 = arith.constant 0 : i32
      %dma_start3A_954 = arith.constant 0 : i32
      %dma_start3A_955 = tpu.memref_slice %arg2[%dma_start3A_953, %dma_start3A_954] : memref<30336x128xf32, #tpu.memory_space<hbm>> -> memref<30336x128xf32, #tpu.memory_space<hbm>>
      tpu.enqueue_indirect_dma source(%dma_start3A_955 : memref<30336x128xf32, #tpu.memory_space<hbm>>) target(%arg9 : memref<128x128xf32, #tpu.memory_space<vmem>>) offsets(%dma_start3A_952 : memref<128xi32, #tpu.memory_space<vmem>>) semaphore(%arg11 : memref<!tpu.dma_semaphore, #tpu.memory_space<semaphore_mem>>)
      %dma_wait3A_956 = arith.constant 33 : i32
      %dma_wait3A_957 = arith.constant 0 : i32
      %dma_wait3A_958 = tpu.memref_slice %arg8[%dma_wait3A_956, %dma_wait3A_957] : memref<40x128xi32, #tpu.memory_space<vmem>> -> memref<1x128xi32, #tpu.memory_space<vmem>>
      %dma_wait3A_959 = tpu.memref_squeeze %dma_wait3A_958 : memref<1x128xi32, #tpu.memory_space<vmem>> -> memref<128xi32, #tpu.memory_space<vmem>>
      %dma_wait3A_960 = arith.constant 0 : i32
      %dma_wait3A_961 = arith.constant 0 : i32
      %dma_wait3A_962 = tpu.memref_slice %arg2[%dma_wait3A_960, %dma_wait3A_961] : memref<30336x128xf32, #tpu.memory_space<hbm>> -> memref<30336x128xf32, #tpu.memory_space<hbm>>
      tpu.wait_indirect_dma semaphore(%arg12 : memref<!tpu.dma_semaphore, #tpu.memory_space<semaphore_mem>>) src(%dma_wait3A_962 : memref<30336x128xf32, #tpu.memory_space<hbm>>) dst(%arg10 : memref<128x128xf32, #tpu.memory_space<vmem>>)
      %dma_start3A_963 = arith.constant 33 : i32
      %dma_start3A_964 = arith.constant 0 : i32
      %dma_start3A_965 = tpu.memref_slice %arg7[%dma_start3A_963, %dma_start3A_964] : memref<40x128xi32, #tpu.memory_space<vmem>> -> memref<1x128xi32, #tpu.memory_space<vmem>>
      %dma_start3A_966 = tpu.memref_squeeze %dma_start3A_965 : memref<1x128xi32, #tpu.memory_space<vmem>> -> memref<128xi32, #tpu.memory_space<vmem>>
      %dma_start3A_967 = arith.constant 0 : i32
      %dma_start3A_968 = arith.constant 0 : i32
      %dma_start3A_969 = tpu.memref_slice %arg6[%dma_start3A_967, %dma_start3A_968] : memref<10112x128xf32, #tpu.memory_space<vmem_shared>> -> memref<10112x128xf32, #tpu.memory_space<vmem_shared>>
      tpu.enqueue_indirect_dma source(%arg10 : memref<128x128xf32, #tpu.memory_space<vmem>>) target(%dma_start3A_969 : memref<10112x128xf32, #tpu.memory_space<vmem_shared>>) offsets(%dma_start3A_966 : memref<128xi32, #tpu.memory_space<vmem>>) semaphore(%arg14 : memref<!tpu.dma_semaphore, #tpu.memory_space<semaphore_mem>>) {add = true}
      %dma_wait3A_970 = arith.constant 33 : i32
      %dma_wait3A_971 = arith.constant 0 : i32
      %dma_wait3A_972 = tpu.memref_slice %arg7[%dma_wait3A_970, %dma_wait3A_971] : memref<40x128xi32, #tpu.memory_space<vmem>> -> memref<1x128xi32, #tpu.memory_space<vmem>>
      %dma_wait3A_973 = tpu.memref_squeeze %dma_wait3A_972 : memref<1x128xi32, #tpu.memory_space<vmem>> -> memref<128xi32, #tpu.memory_space<vmem>>
      %dma_wait3A_974 = arith.constant 0 : i32
      %dma_wait3A_975 = arith.constant 0 : i32
      %dma_wait3A_976 = tpu.memref_slice %arg6[%dma_wait3A_974, %dma_wait3A_975] : memref<10112x128xf32, #tpu.memory_space<vmem_shared>> -> memref<10112x128xf32, #tpu.memory_space<vmem_shared>>
      tpu.wait_indirect_dma semaphore(%arg14 : memref<!tpu.dma_semaphore, #tpu.memory_space<semaphore_mem>>) src(%arg10 : memref<128x128xf32, #tpu.memory_space<vmem>>) dst(%dma_wait3A_976 : memref<10112x128xf32, #tpu.memory_space<vmem_shared>>)
      %dma_start3A_977 = arith.constant 35 : i32
      %dma_start3A_978 = arith.constant 0 : i32
      %dma_start3A_979 = tpu.memref_slice %arg8[%dma_start3A_977, %dma_start3A_978] : memref<40x128xi32, #tpu.memory_space<vmem>> -> memref<1x128xi32, #tpu.memory_space<vmem>>
      %dma_start3A_980 = tpu.memref_squeeze %dma_start3A_979 : memref<1x128xi32, #tpu.memory_space<vmem>> -> memref<128xi32, #tpu.memory_space<vmem>>
      %dma_start3A_981 = arith.constant 0 : i32
      %dma_start3A_982 = arith.constant 0 : i32
      %dma_start3A_983 = tpu.memref_slice %arg2[%dma_start3A_981, %dma_start3A_982] : memref<30336x128xf32, #tpu.memory_space<hbm>> -> memref<30336x128xf32, #tpu.memory_space<hbm>>
      tpu.enqueue_indirect_dma source(%dma_start3A_983 : memref<30336x128xf32, #tpu.memory_space<hbm>>) target(%arg10 : memref<128x128xf32, #tpu.memory_space<vmem>>) offsets(%dma_start3A_980 : memref<128xi32, #tpu.memory_space<vmem>>) semaphore(%arg12 : memref<!tpu.dma_semaphore, #tpu.memory_space<semaphore_mem>>)
      %dma_wait3A_984 = arith.constant 34 : i32
      %dma_wait3A_985 = arith.constant 0 : i32
      %dma_wait3A_986 = tpu.memref_slice %arg8[%dma_wait3A_984, %dma_wait3A_985] : memref<40x128xi32, #tpu.memory_space<vmem>> -> memref<1x128xi32, #tpu.memory_space<vmem>>
      %dma_wait3A_987 = tpu.memref_squeeze %dma_wait3A_986 : memref<1x128xi32, #tpu.memory_space<vmem>> -> memref<128xi32, #tpu.memory_space<vmem>>
      %dma_wait3A_988 = arith.constant 0 : i32
      %dma_wait3A_989 = arith.constant 0 : i32
      %dma_wait3A_990 = tpu.memref_slice %arg2[%dma_wait3A_988, %dma_wait3A_989] : memref<30336x128xf32, #tpu.memory_space<hbm>> -> memref<30336x128xf32, #tpu.memory_space<hbm>>
      tpu.wait_indirect_dma semaphore(%arg11 : memref<!tpu.dma_semaphore, #tpu.memory_space<semaphore_mem>>) src(%dma_wait3A_990 : memref<30336x128xf32, #tpu.memory_space<hbm>>) dst(%arg9 : memref<128x128xf32, #tpu.memory_space<vmem>>)
      %dma_start3A_991 = arith.constant 34 : i32
      %dma_start3A_992 = arith.constant 0 : i32
      %dma_start3A_993 = tpu.memref_slice %arg7[%dma_start3A_991, %dma_start3A_992] : memref<40x128xi32, #tpu.memory_space<vmem>> -> memref<1x128xi32, #tpu.memory_space<vmem>>
      %dma_start3A_994 = tpu.memref_squeeze %dma_start3A_993 : memref<1x128xi32, #tpu.memory_space<vmem>> -> memref<128xi32, #tpu.memory_space<vmem>>
      %dma_start3A_995 = arith.constant 0 : i32
      %dma_start3A_996 = arith.constant 0 : i32
      %dma_start3A_997 = tpu.memref_slice %arg6[%dma_start3A_995, %dma_start3A_996] : memref<10112x128xf32, #tpu.memory_space<vmem_shared>> -> memref<10112x128xf32, #tpu.memory_space<vmem_shared>>
      tpu.enqueue_indirect_dma source(%arg9 : memref<128x128xf32, #tpu.memory_space<vmem>>) target(%dma_start3A_997 : memref<10112x128xf32, #tpu.memory_space<vmem_shared>>) offsets(%dma_start3A_994 : memref<128xi32, #tpu.memory_space<vmem>>) semaphore(%arg13 : memref<!tpu.dma_semaphore, #tpu.memory_space<semaphore_mem>>) {add = true}
      %dma_wait3A_998 = arith.constant 34 : i32
      %dma_wait3A_999 = arith.constant 0 : i32
      %dma_wait3A_1000 = tpu.memref_slice %arg7[%dma_wait3A_998, %dma_wait3A_999] : memref<40x128xi32, #tpu.memory_space<vmem>> -> memref<1x128xi32, #tpu.memory_space<vmem>>
      %dma_wait3A_1001 = tpu.memref_squeeze %dma_wait3A_1000 : memref<1x128xi32, #tpu.memory_space<vmem>> -> memref<128xi32, #tpu.memory_space<vmem>>
      %dma_wait3A_1002 = arith.constant 0 : i32
      %dma_wait3A_1003 = arith.constant 0 : i32
      %dma_wait3A_1004 = tpu.memref_slice %arg6[%dma_wait3A_1002, %dma_wait3A_1003] : memref<10112x128xf32, #tpu.memory_space<vmem_shared>> -> memref<10112x128xf32, #tpu.memory_space<vmem_shared>>
      tpu.wait_indirect_dma semaphore(%arg13 : memref<!tpu.dma_semaphore, #tpu.memory_space<semaphore_mem>>) src(%arg9 : memref<128x128xf32, #tpu.memory_space<vmem>>) dst(%dma_wait3A_1004 : memref<10112x128xf32, #tpu.memory_space<vmem_shared>>)
      %dma_start3A_1005 = arith.constant 36 : i32
      %dma_start3A_1006 = arith.constant 0 : i32
      %dma_start3A_1007 = tpu.memref_slice %arg8[%dma_start3A_1005, %dma_start3A_1006] : memref<40x128xi32, #tpu.memory_space<vmem>> -> memref<1x128xi32, #tpu.memory_space<vmem>>
      %dma_start3A_1008 = tpu.memref_squeeze %dma_start3A_1007 : memref<1x128xi32, #tpu.memory_space<vmem>> -> memref<128xi32, #tpu.memory_space<vmem>>
      %dma_start3A_1009 = arith.constant 0 : i32
      %dma_start3A_1010 = arith.constant 0 : i32
      %dma_start3A_1011 = tpu.memref_slice %arg2[%dma_start3A_1009, %dma_start3A_1010] : memref<30336x128xf32, #tpu.memory_space<hbm>> -> memref<30336x128xf32, #tpu.memory_space<hbm>>
      tpu.enqueue_indirect_dma source(%dma_start3A_1011 : memref<30336x128xf32, #tpu.memory_space<hbm>>) target(%arg9 : memref<128x128xf32, #tpu.memory_space<vmem>>) offsets(%dma_start3A_1008 : memref<128xi32, #tpu.memory_space<vmem>>) semaphore(%arg11 : memref<!tpu.dma_semaphore, #tpu.memory_space<semaphore_mem>>)
      %dma_wait3A_1012 = arith.constant 35 : i32
      %dma_wait3A_1013 = arith.constant 0 : i32
      %dma_wait3A_1014 = tpu.memref_slice %arg8[%dma_wait3A_1012, %dma_wait3A_1013] : memref<40x128xi32, #tpu.memory_space<vmem>> -> memref<1x128xi32, #tpu.memory_space<vmem>>
      %dma_wait3A_1015 = tpu.memref_squeeze %dma_wait3A_1014 : memref<1x128xi32, #tpu.memory_space<vmem>> -> memref<128xi32, #tpu.memory_space<vmem>>
      %dma_wait3A_1016 = arith.constant 0 : i32
      %dma_wait3A_1017 = arith.constant 0 : i32
      %dma_wait3A_1018 = tpu.memref_slice %arg2[%dma_wait3A_1016, %dma_wait3A_1017] : memref<30336x128xf32, #tpu.memory_space<hbm>> -> memref<30336x128xf32, #tpu.memory_space<hbm>>
      tpu.wait_indirect_dma semaphore(%arg12 : memref<!tpu.dma_semaphore, #tpu.memory_space<semaphore_mem>>) src(%dma_wait3A_1018 : memref<30336x128xf32, #tpu.memory_space<hbm>>) dst(%arg10 : memref<128x128xf32, #tpu.memory_space<vmem>>)
      %dma_start3A_1019 = arith.constant 35 : i32
      %dma_start3A_1020 = arith.constant 0 : i32
      %dma_start3A_1021 = tpu.memref_slice %arg7[%dma_start3A_1019, %dma_start3A_1020] : memref<40x128xi32, #tpu.memory_space<vmem>> -> memref<1x128xi32, #tpu.memory_space<vmem>>
      %dma_start3A_1022 = tpu.memref_squeeze %dma_start3A_1021 : memref<1x128xi32, #tpu.memory_space<vmem>> -> memref<128xi32, #tpu.memory_space<vmem>>
      %dma_start3A_1023 = arith.constant 0 : i32
      %dma_start3A_1024 = arith.constant 0 : i32
      %dma_start3A_1025 = tpu.memref_slice %arg6[%dma_start3A_1023, %dma_start3A_1024] : memref<10112x128xf32, #tpu.memory_space<vmem_shared>> -> memref<10112x128xf32, #tpu.memory_space<vmem_shared>>
      tpu.enqueue_indirect_dma source(%arg10 : memref<128x128xf32, #tpu.memory_space<vmem>>) target(%dma_start3A_1025 : memref<10112x128xf32, #tpu.memory_space<vmem_shared>>) offsets(%dma_start3A_1022 : memref<128xi32, #tpu.memory_space<vmem>>) semaphore(%arg14 : memref<!tpu.dma_semaphore, #tpu.memory_space<semaphore_mem>>) {add = true}
      %dma_wait3A_1026 = arith.constant 35 : i32
      %dma_wait3A_1027 = arith.constant 0 : i32
      %dma_wait3A_1028 = tpu.memref_slice %arg7[%dma_wait3A_1026, %dma_wait3A_1027] : memref<40x128xi32, #tpu.memory_space<vmem>> -> memref<1x128xi32, #tpu.memory_space<vmem>>
      %dma_wait3A_1029 = tpu.memref_squeeze %dma_wait3A_1028 : memref<1x128xi32, #tpu.memory_space<vmem>> -> memref<128xi32, #tpu.memory_space<vmem>>
      %dma_wait3A_1030 = arith.constant 0 : i32
      %dma_wait3A_1031 = arith.constant 0 : i32
      %dma_wait3A_1032 = tpu.memref_slice %arg6[%dma_wait3A_1030, %dma_wait3A_1031] : memref<10112x128xf32, #tpu.memory_space<vmem_shared>> -> memref<10112x128xf32, #tpu.memory_space<vmem_shared>>
      tpu.wait_indirect_dma semaphore(%arg14 : memref<!tpu.dma_semaphore, #tpu.memory_space<semaphore_mem>>) src(%arg10 : memref<128x128xf32, #tpu.memory_space<vmem>>) dst(%dma_wait3A_1032 : memref<10112x128xf32, #tpu.memory_space<vmem_shared>>)
      %dma_start3A_1033 = arith.constant 37 : i32
      %dma_start3A_1034 = arith.constant 0 : i32
      %dma_start3A_1035 = tpu.memref_slice %arg8[%dma_start3A_1033, %dma_start3A_1034] : memref<40x128xi32, #tpu.memory_space<vmem>> -> memref<1x128xi32, #tpu.memory_space<vmem>>
      %dma_start3A_1036 = tpu.memref_squeeze %dma_start3A_1035 : memref<1x128xi32, #tpu.memory_space<vmem>> -> memref<128xi32, #tpu.memory_space<vmem>>
      %dma_start3A_1037 = arith.constant 0 : i32
      %dma_start3A_1038 = arith.constant 0 : i32
      %dma_start3A_1039 = tpu.memref_slice %arg2[%dma_start3A_1037, %dma_start3A_1038] : memref<30336x128xf32, #tpu.memory_space<hbm>> -> memref<30336x128xf32, #tpu.memory_space<hbm>>
      tpu.enqueue_indirect_dma source(%dma_start3A_1039 : memref<30336x128xf32, #tpu.memory_space<hbm>>) target(%arg10 : memref<128x128xf32, #tpu.memory_space<vmem>>) offsets(%dma_start3A_1036 : memref<128xi32, #tpu.memory_space<vmem>>) semaphore(%arg12 : memref<!tpu.dma_semaphore, #tpu.memory_space<semaphore_mem>>)
      %dma_wait3A_1040 = arith.constant 36 : i32
      %dma_wait3A_1041 = arith.constant 0 : i32
      %dma_wait3A_1042 = tpu.memref_slice %arg8[%dma_wait3A_1040, %dma_wait3A_1041] : memref<40x128xi32, #tpu.memory_space<vmem>> -> memref<1x128xi32, #tpu.memory_space<vmem>>
      %dma_wait3A_1043 = tpu.memref_squeeze %dma_wait3A_1042 : memref<1x128xi32, #tpu.memory_space<vmem>> -> memref<128xi32, #tpu.memory_space<vmem>>
      %dma_wait3A_1044 = arith.constant 0 : i32
      %dma_wait3A_1045 = arith.constant 0 : i32
      %dma_wait3A_1046 = tpu.memref_slice %arg2[%dma_wait3A_1044, %dma_wait3A_1045] : memref<30336x128xf32, #tpu.memory_space<hbm>> -> memref<30336x128xf32, #tpu.memory_space<hbm>>
      tpu.wait_indirect_dma semaphore(%arg11 : memref<!tpu.dma_semaphore, #tpu.memory_space<semaphore_mem>>) src(%dma_wait3A_1046 : memref<30336x128xf32, #tpu.memory_space<hbm>>) dst(%arg9 : memref<128x128xf32, #tpu.memory_space<vmem>>)
      %dma_start3A_1047 = arith.constant 36 : i32
      %dma_start3A_1048 = arith.constant 0 : i32
      %dma_start3A_1049 = tpu.memref_slice %arg7[%dma_start3A_1047, %dma_start3A_1048] : memref<40x128xi32, #tpu.memory_space<vmem>> -> memref<1x128xi32, #tpu.memory_space<vmem>>
      %dma_start3A_1050 = tpu.memref_squeeze %dma_start3A_1049 : memref<1x128xi32, #tpu.memory_space<vmem>> -> memref<128xi32, #tpu.memory_space<vmem>>
      %dma_start3A_1051 = arith.constant 0 : i32
      %dma_start3A_1052 = arith.constant 0 : i32
      %dma_start3A_1053 = tpu.memref_slice %arg6[%dma_start3A_1051, %dma_start3A_1052] : memref<10112x128xf32, #tpu.memory_space<vmem_shared>> -> memref<10112x128xf32, #tpu.memory_space<vmem_shared>>
      tpu.enqueue_indirect_dma source(%arg9 : memref<128x128xf32, #tpu.memory_space<vmem>>) target(%dma_start3A_1053 : memref<10112x128xf32, #tpu.memory_space<vmem_shared>>) offsets(%dma_start3A_1050 : memref<128xi32, #tpu.memory_space<vmem>>) semaphore(%arg13 : memref<!tpu.dma_semaphore, #tpu.memory_space<semaphore_mem>>) {add = true}
      %dma_wait3A_1054 = arith.constant 36 : i32
      %dma_wait3A_1055 = arith.constant 0 : i32
      %dma_wait3A_1056 = tpu.memref_slice %arg7[%dma_wait3A_1054, %dma_wait3A_1055] : memref<40x128xi32, #tpu.memory_space<vmem>> -> memref<1x128xi32, #tpu.memory_space<vmem>>
      %dma_wait3A_1057 = tpu.memref_squeeze %dma_wait3A_1056 : memref<1x128xi32, #tpu.memory_space<vmem>> -> memref<128xi32, #tpu.memory_space<vmem>>
      %dma_wait3A_1058 = arith.constant 0 : i32
      %dma_wait3A_1059 = arith.constant 0 : i32
      %dma_wait3A_1060 = tpu.memref_slice %arg6[%dma_wait3A_1058, %dma_wait3A_1059] : memref<10112x128xf32, #tpu.memory_space<vmem_shared>> -> memref<10112x128xf32, #tpu.memory_space<vmem_shared>>
      tpu.wait_indirect_dma semaphore(%arg13 : memref<!tpu.dma_semaphore, #tpu.memory_space<semaphore_mem>>) src(%arg9 : memref<128x128xf32, #tpu.memory_space<vmem>>) dst(%dma_wait3A_1060 : memref<10112x128xf32, #tpu.memory_space<vmem_shared>>)
      %dma_start3A_1061 = arith.constant 38 : i32
      %dma_start3A_1062 = arith.constant 0 : i32
      %dma_start3A_1063 = tpu.memref_slice %arg8[%dma_start3A_1061, %dma_start3A_1062] : memref<40x128xi32, #tpu.memory_space<vmem>> -> memref<1x128xi32, #tpu.memory_space<vmem>>
      %dma_start3A_1064 = tpu.memref_squeeze %dma_start3A_1063 : memref<1x128xi32, #tpu.memory_space<vmem>> -> memref<128xi32, #tpu.memory_space<vmem>>
      %dma_start3A_1065 = arith.constant 0 : i32
      %dma_start3A_1066 = arith.constant 0 : i32
      %dma_start3A_1067 = tpu.memref_slice %arg2[%dma_start3A_1065, %dma_start3A_1066] : memref<30336x128xf32, #tpu.memory_space<hbm>> -> memref<30336x128xf32, #tpu.memory_space<hbm>>
      tpu.enqueue_indirect_dma source(%dma_start3A_1067 : memref<30336x128xf32, #tpu.memory_space<hbm>>) target(%arg9 : memref<128x128xf32, #tpu.memory_space<vmem>>) offsets(%dma_start3A_1064 : memref<128xi32, #tpu.memory_space<vmem>>) semaphore(%arg11 : memref<!tpu.dma_semaphore, #tpu.memory_space<semaphore_mem>>)
      %dma_wait3A_1068 = arith.constant 37 : i32
      %dma_wait3A_1069 = arith.constant 0 : i32
      %dma_wait3A_1070 = tpu.memref_slice %arg8[%dma_wait3A_1068, %dma_wait3A_1069] : memref<40x128xi32, #tpu.memory_space<vmem>> -> memref<1x128xi32, #tpu.memory_space<vmem>>
      %dma_wait3A_1071 = tpu.memref_squeeze %dma_wait3A_1070 : memref<1x128xi32, #tpu.memory_space<vmem>> -> memref<128xi32, #tpu.memory_space<vmem>>
      %dma_wait3A_1072 = arith.constant 0 : i32
      %dma_wait3A_1073 = arith.constant 0 : i32
      %dma_wait3A_1074 = tpu.memref_slice %arg2[%dma_wait3A_1072, %dma_wait3A_1073] : memref<30336x128xf32, #tpu.memory_space<hbm>> -> memref<30336x128xf32, #tpu.memory_space<hbm>>
      tpu.wait_indirect_dma semaphore(%arg12 : memref<!tpu.dma_semaphore, #tpu.memory_space<semaphore_mem>>) src(%dma_wait3A_1074 : memref<30336x128xf32, #tpu.memory_space<hbm>>) dst(%arg10 : memref<128x128xf32, #tpu.memory_space<vmem>>)
      %dma_start3A_1075 = arith.constant 37 : i32
      %dma_start3A_1076 = arith.constant 0 : i32
      %dma_start3A_1077 = tpu.memref_slice %arg7[%dma_start3A_1075, %dma_start3A_1076] : memref<40x128xi32, #tpu.memory_space<vmem>> -> memref<1x128xi32, #tpu.memory_space<vmem>>
      %dma_start3A_1078 = tpu.memref_squeeze %dma_start3A_1077 : memref<1x128xi32, #tpu.memory_space<vmem>> -> memref<128xi32, #tpu.memory_space<vmem>>
      %dma_start3A_1079 = arith.constant 0 : i32
      %dma_start3A_1080 = arith.constant 0 : i32
      %dma_start3A_1081 = tpu.memref_slice %arg6[%dma_start3A_1079, %dma_start3A_1080] : memref<10112x128xf32, #tpu.memory_space<vmem_shared>> -> memref<10112x128xf32, #tpu.memory_space<vmem_shared>>
      tpu.enqueue_indirect_dma source(%arg10 : memref<128x128xf32, #tpu.memory_space<vmem>>) target(%dma_start3A_1081 : memref<10112x128xf32, #tpu.memory_space<vmem_shared>>) offsets(%dma_start3A_1078 : memref<128xi32, #tpu.memory_space<vmem>>) semaphore(%arg14 : memref<!tpu.dma_semaphore, #tpu.memory_space<semaphore_mem>>) {add = true}
      %dma_wait3A_1082 = arith.constant 37 : i32
      %dma_wait3A_1083 = arith.constant 0 : i32
      %dma_wait3A_1084 = tpu.memref_slice %arg7[%dma_wait3A_1082, %dma_wait3A_1083] : memref<40x128xi32, #tpu.memory_space<vmem>> -> memref<1x128xi32, #tpu.memory_space<vmem>>
      %dma_wait3A_1085 = tpu.memref_squeeze %dma_wait3A_1084 : memref<1x128xi32, #tpu.memory_space<vmem>> -> memref<128xi32, #tpu.memory_space<vmem>>
      %dma_wait3A_1086 = arith.constant 0 : i32
      %dma_wait3A_1087 = arith.constant 0 : i32
      %dma_wait3A_1088 = tpu.memref_slice %arg6[%dma_wait3A_1086, %dma_wait3A_1087] : memref<10112x128xf32, #tpu.memory_space<vmem_shared>> -> memref<10112x128xf32, #tpu.memory_space<vmem_shared>>
      tpu.wait_indirect_dma semaphore(%arg14 : memref<!tpu.dma_semaphore, #tpu.memory_space<semaphore_mem>>) src(%arg10 : memref<128x128xf32, #tpu.memory_space<vmem>>) dst(%dma_wait3A_1088 : memref<10112x128xf32, #tpu.memory_space<vmem_shared>>)
      %dma_start3A_1089 = arith.constant 39 : i32
      %dma_start3A_1090 = arith.constant 0 : i32
      %dma_start3A_1091 = tpu.memref_slice %arg8[%dma_start3A_1089, %dma_start3A_1090] : memref<40x128xi32, #tpu.memory_space<vmem>> -> memref<1x128xi32, #tpu.memory_space<vmem>>
      %dma_start3A_1092 = tpu.memref_squeeze %dma_start3A_1091 : memref<1x128xi32, #tpu.memory_space<vmem>> -> memref<128xi32, #tpu.memory_space<vmem>>
      %dma_start3A_1093 = arith.constant 0 : i32
      %dma_start3A_1094 = arith.constant 0 : i32
      %dma_start3A_1095 = tpu.memref_slice %arg2[%dma_start3A_1093, %dma_start3A_1094] : memref<30336x128xf32, #tpu.memory_space<hbm>> -> memref<30336x128xf32, #tpu.memory_space<hbm>>
      tpu.enqueue_indirect_dma source(%dma_start3A_1095 : memref<30336x128xf32, #tpu.memory_space<hbm>>) target(%arg10 : memref<128x128xf32, #tpu.memory_space<vmem>>) offsets(%dma_start3A_1092 : memref<128xi32, #tpu.memory_space<vmem>>) semaphore(%arg12 : memref<!tpu.dma_semaphore, #tpu.memory_space<semaphore_mem>>)
      %dma_wait3A_1096 = arith.constant 38 : i32
      %dma_wait3A_1097 = arith.constant 0 : i32
      %dma_wait3A_1098 = tpu.memref_slice %arg8[%dma_wait3A_1096, %dma_wait3A_1097] : memref<40x128xi32, #tpu.memory_space<vmem>> -> memref<1x128xi32, #tpu.memory_space<vmem>>
      %dma_wait3A_1099 = tpu.memref_squeeze %dma_wait3A_1098 : memref<1x128xi32, #tpu.memory_space<vmem>> -> memref<128xi32, #tpu.memory_space<vmem>>
      %dma_wait3A_1100 = arith.constant 0 : i32
      %dma_wait3A_1101 = arith.constant 0 : i32
      %dma_wait3A_1102 = tpu.memref_slice %arg2[%dma_wait3A_1100, %dma_wait3A_1101] : memref<30336x128xf32, #tpu.memory_space<hbm>> -> memref<30336x128xf32, #tpu.memory_space<hbm>>
      tpu.wait_indirect_dma semaphore(%arg11 : memref<!tpu.dma_semaphore, #tpu.memory_space<semaphore_mem>>) src(%dma_wait3A_1102 : memref<30336x128xf32, #tpu.memory_space<hbm>>) dst(%arg9 : memref<128x128xf32, #tpu.memory_space<vmem>>)
      %dma_start3A_1103 = arith.constant 38 : i32
      %dma_start3A_1104 = arith.constant 0 : i32
      %dma_start3A_1105 = tpu.memref_slice %arg7[%dma_start3A_1103, %dma_start3A_1104] : memref<40x128xi32, #tpu.memory_space<vmem>> -> memref<1x128xi32, #tpu.memory_space<vmem>>
      %dma_start3A_1106 = tpu.memref_squeeze %dma_start3A_1105 : memref<1x128xi32, #tpu.memory_space<vmem>> -> memref<128xi32, #tpu.memory_space<vmem>>
      %dma_start3A_1107 = arith.constant 0 : i32
      %dma_start3A_1108 = arith.constant 0 : i32
      %dma_start3A_1109 = tpu.memref_slice %arg6[%dma_start3A_1107, %dma_start3A_1108] : memref<10112x128xf32, #tpu.memory_space<vmem_shared>> -> memref<10112x128xf32, #tpu.memory_space<vmem_shared>>
      tpu.enqueue_indirect_dma source(%arg9 : memref<128x128xf32, #tpu.memory_space<vmem>>) target(%dma_start3A_1109 : memref<10112x128xf32, #tpu.memory_space<vmem_shared>>) offsets(%dma_start3A_1106 : memref<128xi32, #tpu.memory_space<vmem>>) semaphore(%arg13 : memref<!tpu.dma_semaphore, #tpu.memory_space<semaphore_mem>>) {add = true}
      %dma_wait3A_1110 = arith.constant 39 : i32
      %dma_wait3A_1111 = arith.constant 0 : i32
      %dma_wait3A_1112 = tpu.memref_slice %arg8[%dma_wait3A_1110, %dma_wait3A_1111] : memref<40x128xi32, #tpu.memory_space<vmem>> -> memref<1x128xi32, #tpu.memory_space<vmem>>
      %dma_wait3A_1113 = tpu.memref_squeeze %dma_wait3A_1112 : memref<1x128xi32, #tpu.memory_space<vmem>> -> memref<128xi32, #tpu.memory_space<vmem>>
      %dma_wait3A_1114 = arith.constant 0 : i32
      %dma_wait3A_1115 = arith.constant 0 : i32
      %dma_wait3A_1116 = tpu.memref_slice %arg2[%dma_wait3A_1114, %dma_wait3A_1115] : memref<30336x128xf32, #tpu.memory_space<hbm>> -> memref<30336x128xf32, #tpu.memory_space<hbm>>
      tpu.wait_indirect_dma semaphore(%arg12 : memref<!tpu.dma_semaphore, #tpu.memory_space<semaphore_mem>>) src(%dma_wait3A_1116 : memref<30336x128xf32, #tpu.memory_space<hbm>>) dst(%arg10 : memref<128x128xf32, #tpu.memory_space<vmem>>)
      %dma_start3A_1117 = arith.constant 39 : i32
      %dma_start3A_1118 = arith.constant 0 : i32
      %dma_start3A_1119 = tpu.memref_slice %arg7[%dma_start3A_1117, %dma_start3A_1118] : memref<40x128xi32, #tpu.memory_space<vmem>> -> memref<1x128xi32, #tpu.memory_space<vmem>>
      %dma_start3A_1120 = tpu.memref_squeeze %dma_start3A_1119 : memref<1x128xi32, #tpu.memory_space<vmem>> -> memref<128xi32, #tpu.memory_space<vmem>>
      %dma_start3A_1121 = arith.constant 0 : i32
      %dma_start3A_1122 = arith.constant 0 : i32
      %dma_start3A_1123 = tpu.memref_slice %arg6[%dma_start3A_1121, %dma_start3A_1122] : memref<10112x128xf32, #tpu.memory_space<vmem_shared>> -> memref<10112x128xf32, #tpu.memory_space<vmem_shared>>
      tpu.enqueue_indirect_dma source(%arg10 : memref<128x128xf32, #tpu.memory_space<vmem>>) target(%dma_start3A_1123 : memref<10112x128xf32, #tpu.memory_space<vmem_shared>>) offsets(%dma_start3A_1120 : memref<128xi32, #tpu.memory_space<vmem>>) semaphore(%arg14 : memref<!tpu.dma_semaphore, #tpu.memory_space<semaphore_mem>>) {add = true}
      %dma_wait3A_1124 = arith.constant 38 : i32
      %dma_wait3A_1125 = arith.constant 0 : i32
      %dma_wait3A_1126 = tpu.memref_slice %arg7[%dma_wait3A_1124, %dma_wait3A_1125] : memref<40x128xi32, #tpu.memory_space<vmem>> -> memref<1x128xi32, #tpu.memory_space<vmem>>
      %dma_wait3A_1127 = tpu.memref_squeeze %dma_wait3A_1126 : memref<1x128xi32, #tpu.memory_space<vmem>> -> memref<128xi32, #tpu.memory_space<vmem>>
      %dma_wait3A_1128 = arith.constant 0 : i32
      %dma_wait3A_1129 = arith.constant 0 : i32
      %dma_wait3A_1130 = tpu.memref_slice %arg6[%dma_wait3A_1128, %dma_wait3A_1129] : memref<10112x128xf32, #tpu.memory_space<vmem_shared>> -> memref<10112x128xf32, #tpu.memory_space<vmem_shared>>
      tpu.wait_indirect_dma semaphore(%arg13 : memref<!tpu.dma_semaphore, #tpu.memory_space<semaphore_mem>>) src(%arg9 : memref<128x128xf32, #tpu.memory_space<vmem>>) dst(%dma_wait3A_1130 : memref<10112x128xf32, #tpu.memory_space<vmem_shared>>)
      %dma_wait3A_1131 = arith.constant 39 : i32
      %dma_wait3A_1132 = arith.constant 0 : i32
      %dma_wait3A_1133 = tpu.memref_slice %arg7[%dma_wait3A_1131, %dma_wait3A_1132] : memref<40x128xi32, #tpu.memory_space<vmem>> -> memref<1x128xi32, #tpu.memory_space<vmem>>
      %dma_wait3A_1134 = tpu.memref_squeeze %dma_wait3A_1133 : memref<1x128xi32, #tpu.memory_space<vmem>> -> memref<128xi32, #tpu.memory_space<vmem>>
      %dma_wait3A_1135 = arith.constant 0 : i32
      %dma_wait3A_1136 = arith.constant 0 : i32
      %dma_wait3A_1137 = tpu.memref_slice %arg6[%dma_wait3A_1135, %dma_wait3A_1136] : memref<10112x128xf32, #tpu.memory_space<vmem_shared>> -> memref<10112x128xf32, #tpu.memory_space<vmem_shared>>
      tpu.wait_indirect_dma semaphore(%arg14 : memref<!tpu.dma_semaphore, #tpu.memory_space<semaphore_mem>>) src(%arg10 : memref<128x128xf32, #tpu.memory_space<vmem>>) dst(%dma_wait3A_1137 : memref<10112x128xf32, #tpu.memory_space<vmem_shared>>)
    }
    %scan3A_9 = arith.constant 4 : i32
    %barrier3A_10 = arith.constant 0 : index
    tpu.barrier barrier_id(%barrier3A_10)
    %mul3A_11 = arith.constant 632 : i32
    %mul3A_12 = arith.muli %arg1, %mul3A_11 : i32
    %mul3A_13 = arith.constant 632 : i32
    %mul3A_14 = arith.muli %arg1, %mul3A_13 : i32
    "tpu.region"() ({
      %run_scoped3A = tpu.sem_alloc : memref<!tpu.dma_semaphore, #tpu.memory_space<semaphore_mem>>
      %dma_start3A = arith.constant 0 : i32
      %dma_start3A_15 = tpu.memref_slice %arg5[%arg0, %mul3A_14, %dma_start3A] : memref<2x10112x128xf32, #tpu.memory_space<hbm>> -> memref<1x632x128xf32, #tpu.memory_space<hbm>>
      %dma_start3A_16 = tpu.memref_squeeze %dma_start3A_15 : memref<1x632x128xf32, #tpu.memory_space<hbm>> -> memref<632x128xf32, #tpu.memory_space<hbm>>
      %dma_start3A_17 = arith.constant 0 : i32
      %dma_start3A_18 = tpu.memref_slice %arg6[%mul3A_12, %dma_start3A_17] : memref<10112x128xf32, #tpu.memory_space<vmem_shared>> -> memref<632x128xf32, #tpu.memory_space<vmem_shared>>
      tpu.enqueue_dma source(%dma_start3A_18 : memref<632x128xf32, #tpu.memory_space<vmem_shared>>) target(%dma_start3A_16 : memref<632x128xf32, #tpu.memory_space<hbm>>) target_semaphore(%run_scoped3A : memref<!tpu.dma_semaphore, #tpu.memory_space<semaphore_mem>>)
      %dma_wait3A = arith.constant 0 : i32
      %dma_wait3A_19 = tpu.memref_slice %arg5[%arg0, %mul3A_14, %dma_wait3A] : memref<2x10112x128xf32, #tpu.memory_space<hbm>> -> memref<1x632x128xf32, #tpu.memory_space<hbm>>
      %dma_wait3A_20 = tpu.memref_squeeze %dma_wait3A_19 : memref<1x632x128xf32, #tpu.memory_space<hbm>> -> memref<632x128xf32, #tpu.memory_space<hbm>>
      %dma_wait3A_21 = arith.constant 0 : i32
      %dma_wait3A_22 = tpu.memref_slice %arg6[%mul3A_12, %dma_wait3A_21] : memref<10112x128xf32, #tpu.memory_space<vmem_shared>> -> memref<632x128xf32, #tpu.memory_space<vmem_shared>>
      tpu.wait_dma2 semaphore(%run_scoped3A : memref<!tpu.dma_semaphore, #tpu.memory_space<semaphore_mem>>) src(%dma_wait3A_22 : memref<632x128xf32, #tpu.memory_space<vmem_shared>>) dst(%dma_wait3A_20 : memref<632x128xf32, #tpu.memory_space<hbm>>)
      tpu.yield
    }) : () -> ()
    return
  }
}

module attributes {stable_mosaic.version = 14 : i64} {
  func.func @body(%arg0: i32, %arg1: i32, %arg2: memref<2528x128xf32, #tpu.memory_space<vmem>>, %arg3: memref<1x128x128xf32, #tpu.memory_space<vmem>>, %arg4: memref<1x1x128xf32, #tpu.memory_space<vmem>>, %arg5: memref<1x2528x128xf32, #tpu.memory_space<vmem>>) attributes {dimension_semantics = [#tpu.dimension_semantics<arbitrary>, #tpu.dimension_semantics<arbitrary>], iteration_bounds = array<i64: 3, 4>, scalar_prefetch = 0 : i64, scratch_operands = 0 : i64, tpu.core_type = #tpu.core_type<tc>, window_params = [{transform_indices = @transform_0, window_bounds = array<i64: 2528, 128>}, {transform_indices = @transform_1, window_bounds = array<i64: 1, 128, 128>}, {transform_indices = @transform_2, window_bounds = array<i64: 1, 1, 128>}, {transform_indices = @transform_3, window_bounds = array<i64: 1, 2528, 128>}]} {
    %get3A = arith.constant 0 : index
    %get3A_0 = arith.constant 0 : index
    %get3A_1 = vector.load %arg2[%get3A, %get3A_0] : memref<2528x128xf32, #tpu.memory_space<vmem>>, vector<2528x128xf32>
    %get3A_2 = arith.constant 0 : index
    %get3A_3 = arith.constant 0 : index
    %get3A_4 = arith.constant 0 : index
    %get3A_5 = vector.load %arg3[%get3A_2, %get3A_3, %get3A_4] : memref<1x128x128xf32, #tpu.memory_space<vmem>>, vector<1x128x128xf32>
    %get3A_6 = vector.shape_cast %get3A_5 : vector<1x128x128xf32> to vector<128x128xf32>
    %dot_general3A = arith.constant dense<0.000000e+00> : vector<2528x128xf32>
    %dot_general3A_7 = tpu.matmul %get3A_1, %get3A_6, %dot_general3A {dimension_numbers = #tpu.dot_dimension_numbers<[1], [0], [0], [1], [0, 0, 1, 1], [], []>, transpose_lhs_hint = false} : vector<2528x128xf32>, vector<128x128xf32>, vector<2528x128xf32> -> vector<2528x128xf32>
    %get3A_8 = arith.constant 0 : index
    %get3A_9 = arith.constant 0 : index
    %get3A_10 = arith.constant 0 : index
    %get3A_11 = vector.load %arg4[%get3A_8, %get3A_9, %get3A_10] : memref<1x1x128xf32, #tpu.memory_space<vmem>>, vector<1x1x128xf32>
    %get3A_12 = vector.shape_cast %get3A_11 : vector<1x1x128xf32> to vector<1x128xf32>
    %add3A = vector.broadcast %get3A_12 : vector<1x128xf32> to vector<2528x128xf32>
    %add3A_13 = arith.addf %dot_general3A_7, %add3A : vector<2528x128xf32>
    %swap3A = arith.constant 0 : index
    %swap3A_14 = arith.constant 0 : index
    %swap3A_15 = arith.constant 0 : index
    %swap3A_16 = vector.load %arg5[%swap3A, %swap3A_14, %swap3A_15] : memref<1x2528x128xf32, #tpu.memory_space<vmem>>, vector<1x2528x128xf32>
    %swap3A_17 = vector.shape_cast %swap3A_16 : vector<1x2528x128xf32> to vector<2528x128xf32>
    %swap3A_18 = vector.shape_cast %add3A_13 : vector<2528x128xf32> to vector<1x2528x128xf32>
    tpu.vector_store %arg5[%swap3A, %swap3A_14, %swap3A_15], %swap3A_18 {strides = array<i32>} : memref<1x2528x128xf32, #tpu.memory_space<vmem>>, vector<1x2528x128xf32>,
    return
  }
  func.func @transform_0(%arg0: i32, %arg1: i32) -> (i32, i32) {
    %c0_i32 = arith.constant 0 : i32
    %c0_i32_0 = arith.constant 0 : i32
    return %arg1, %c0_i32 : i32, i32
  }
  func.func @transform_1(%arg0: i32, %arg1: i32) -> (i32, i32, i32) {
    %c0_i32 = arith.constant 0 : i32
    %c0_i32_0 = arith.constant 0 : i32
    %c0_i32_1 = arith.constant 0 : i32
    return %arg0, %c0_i32, %c0_i32_0 : i32, i32, i32
  }
  func.func @transform_2(%arg0: i32, %arg1: i32) -> (i32, i32, i32) {
    %c0_i32 = arith.constant 0 : i32
    %c0_i32_0 = arith.constant 0 : i32
    %c0_i32_1 = arith.constant 0 : i32
    return %arg0, %c0_i32, %c0_i32_0 : i32, i32, i32
  }
  func.func @transform_3(%arg0: i32, %arg1: i32) -> (i32, i32, i32) {
    %c0_i32 = arith.constant 0 : i32
    %c0_i32_0 = arith.constant 0 : i32
    return %arg0, %arg1, %c0_i32 : i32, i32, i32
  }
}

module attributes {stable_mosaic.version = 14 : i64} {
  func.func @body(%arg0: i32, %arg1: memref<2000x128xf32, #tpu.memory_space<vmem>>, %arg2: memref<2000x128xf32, #tpu.memory_space<vmem>>, %arg3: memref<2000x128xf32, #tpu.memory_space<vmem>>) attributes {dimension_semantics = [#tpu.dimension_semantics<arbitrary>], iteration_bounds = array<i64: 5>, scalar_prefetch = 0 : i64, scratch_operands = 0 : i64, tpu.core_type = #tpu.core_type<tc>, window_params = [{transform_indices = @transform_0, window_bounds = array<i64: 2000, 128>}, {transform_indices = @transform_1, window_bounds = array<i64: 2000, 128>}, {transform_indices = @transform_2, window_bounds = array<i64: 2000, 128>}]} {
    %get3A = arith.constant 0 : index
    %get3A_0 = arith.constant 0 : index
    %get3A_1 = vector.load %arg1[%get3A, %get3A_0] : memref<2000x128xf32, #tpu.memory_space<vmem>>, vector<2000x128xf32>
    %get3A_2 = arith.constant 0 : index
    %get3A_3 = arith.constant 0 : index
    %get3A_4 = vector.load %arg2[%get3A_2, %get3A_3] : memref<2000x128xf32, #tpu.memory_space<vmem>>, vector<2000x128xf32>
    %add3A = arith.addf %get3A_1, %get3A_4 : vector<2000x128xf32>
    %swap3A = arith.constant 0 : index
    %swap3A_5 = arith.constant 0 : index
    %swap3A_6 = vector.load %arg3[%swap3A, %swap3A_5] : memref<2000x128xf32, #tpu.memory_space<vmem>>, vector<2000x128xf32>
    tpu.vector_store %arg3[%swap3A, %swap3A_5], %add3A {strides = array<i32>} : memref<2000x128xf32, #tpu.memory_space<vmem>>, vector<2000x128xf32>,
    return
  }
  func.func @transform_0(%arg0: i32) -> (i32, i32) {
    %c0_i32 = arith.constant 0 : i32
    %c0_i32_0 = arith.constant 0 : i32
    return %arg0, %c0_i32 : i32, i32
  }
  func.func @transform_1(%arg0: i32) -> (i32, i32) {
    %c0_i32 = arith.constant 0 : i32
    %c0_i32_0 = arith.constant 0 : i32
    return %arg0, %c0_i32 : i32, i32
  }
  func.func @transform_2(%arg0: i32) -> (i32, i32) {
    %c0_i32 = arith.constant 0 : i32
    %c0_i32_0 = arith.constant 0 : i32
    return %arg0, %c0_i32 : i32, i32
  }
}

</mosaic_0001>

<sc_bundles>
// kernel: kernel.5.cloned.1.call-start
scs
__scs_entry_jumppad:
0x0: {  	(pc) =	sbr.rel $0x88, $3  }
0x1: {  	(tag) =	ssettag $0x0;
	lr =	simm.s32 $0x1  }
0x2: {  	[smem:$0x3F9B] =	sst lr;
	_ =	strace $0xD0000000  }
0x3: {  	_ = 	snop  }
0x4: {  	_ = 	snop  }
0x5: {  	_ = 	snop  }
0x6: {  	_ = 	snop  }
0x7: {  	_ = 	snop  }
__scs_overlays_trampoline_lowered:
0x8: {  	[smem:$0x3FAA] =	sst s0  }
0x9: {  	[smem:$0x3FAB] =	sst s1  }
0xa: {  	[smem:$0x3FAC] =	sst s2  }
0xb: {  	[smem:$0x3FAD] =	sst s3  }
0xc: {  	[smem:$0x3FAE] =	sst s4  }
0xd: {  	[smem:$0x3FAF] =	sst s5  }
0xe: {  	[smem:$0x3FB0] =	sst s6  }
0xf: {  	[smem:$0x3FB1] =	sst s7  }
0x10: {  	[smem:$0x3FB2] =	sst s8  }
0x11: {  	[smem:$0x3FB3] =	sst s9;
	s0 =	simm.s32 @!p0 $0x0  }
0x12: {  	s1 =	sld [smem:$0x3F99];
	s0 =	simm.s32 @p0 $0x1  }
0x13: {  	[smem:$0x3FB4] =	sst s0;
	s0 =	simm.s32 @!p1 $0x0  }
0x14: {  	s2 =	sld [smem:$0x3F98];
	s0 =	simm.s32 @p1 $0x1  }
0x15: {  	[smem:$0x3FB5] =	sst s0;
	s0 =	simm.s32 @!p2 $0x0  }
0x16: {  	s3 =	sld [smem:$0x3FDB];
	s0 =	simm.s32 @p2 $0x1  }
0x17: {  	s4 =	simm.s32 $0x1BF5;
	[smem:$0x3FB7] =	sst s0  }
0x18: {  	s0 =	sld [smem:$0x3F9A];
	_ =	swait.ge [sflag:s4], $0x0  }
0x19: {  	s7 =	sld [smem:$0x3F9B]  }
0x1a: {  	s8 =	sadd.s32 $0xFFFFE003, lr  }
0x1b: {  	s9 =	sadd.s32 $0xFFFFFEF7, lr;
	s5 =	simm.s32 $0xFFFFFFFF;
	p2 =	slt.u32 s8, $0xFFFFF086  }
0x1c: {  	p1 =	slt.u32 s9, $0xF7A;
	s5 =	simm.s32 @!p2 $0x0  }
0x1d: {  	s5 =	simm.s32 @p1 $0x1;
	p0 =	seq.s32 s7, s2  }
0x1e: {  	s7 =	smul.u32 @!p0 $0xF7A, s2;
	p2 =	seq.s32 @!p0 s5, $0x0  }
0x1f: {  	s9 =	smul.u32 $0xF7A, s1;
	s8 =	simm.s32 @!p0 $0x1BF5;
	p2 =	por !p2, p0  }
0x20: {  	[sflag:s8] =	ssyncset.s32 @!p0 $0xFFFFF086;
	s6 =	sadd.s32 @!p0 s3, s7;
	s7 =	simm.s32 @!p0 $0x108  }
0x21: {  	s3 =	sadd.s32 s3, s9;
	s6 =	sadd.s32 @!p0 $0x88, s6;
	s7 =	simm.s32 @p2 $0x1082  }
0x22: {  	[simem:s7], [sflag:s8] =	dma.local @!p0 [hbm:s6], $0xF7A  }
0x23: {  	s9 =	sor.u32 $0xD0000000, s2;
	s6 =	simm.s32 $0x108;
	_ =	swait.ge @!p0 [sflag:s8], $0x0  }
0x24: {  	s3 =	sadd.s32 $0x88, s3;
	s6 =	simm.s32 @!p1 $0x1082;
	[sflag:s4] =	ssyncset.s32 $0xFFFFF086  }
0x25: {  	[simem:s6], [sflag:s4] =	dma.local [hbm:s3], $0xF7A  }
0x26: {  	[smem:$0x3F9B] =	sst s1;
	(tag) =	ssettag s2;
	_ =	strace s9  }
0x27: {  	s1 =	sld [smem:$0x3FAB]  }
0x28: {  	s2 =	sld [smem:$0x3FAC]  }
0x29: {  	s4 =	sld [smem:$0x3FAE]  }
0x2a: {  	p0 =	seq.s32 s5, $0x0;
	s5 =	sld [smem:$0x3FAF]  }
0x2b: {  	s6 =	sld [smem:$0x3FB0]  }
0x2c: {  	s7 =	sld [smem:$0x3FB1]  }
0x2d: {  	s3 =	simm.s32 $0x108;
	s8 =	sld [smem:$0x3FB2]  }
0x2e: {  	s3 =	simm.s32 @!p0 $0x1082;
	s9 =	sld [smem:$0x3FB3]  }
0x2f: {  	lr =	sadd.s32 s0, s3;
	s0 =	sld [smem:$0x3FAA]  }
0x30: {  	s3 =	sld [smem:$0x3FAD]  }
0x31: {  	[smem:$0x3FB6] =	sst s10  }
0x32: {  	s10 =	sld [smem:$0x3FB4];
	_ =	sdelay $0x3  }
0x33: {  	p0 =	seq.s32 s10, $0x1;
	s10 =	sld [smem:$0x3FB6];
	_ =	sdelay $0x3  }
0x34: {  	[smem:$0x3FB6] =	sst s10  }
0x35: {  	s10 =	sld [smem:$0x3FB5];
	_ =	sdelay $0x3  }
0x36: {  	p1 =	seq.s32 s10, $0x1;
	s10 =	sld [smem:$0x3FB6];
	_ =	sdelay $0x3  }
0x37: {  	[smem:$0x3FB6] =	sst s10  }
0x38: {  	s10 =	sld [smem:$0x3FB7]  }
0x39: {  	_ = 	snop;
	(pc) =	sbr.ind lr, $3  }
0x3a: {  	_ = 	snop  }
0x3b: {  	_ = 	snop  }
0x3c: {  	p2 =	seq.s32 s10, $0x1;
	s10 =	sld [smem:$0x3FB6]  }
0x3d: {  	_ =	shalt  }
0x3e: {  	_ =	shalt  }
0x3f: {  	_ =	shalt  }
0x40: {  	_ =	shalt  }
0x41: {  	_ =	shalt  }
0x42: {  	_ =	shalt  }
0x43: {  	_ =	shalt  }
0x44: {  	_ =	shalt  }
0x45: {  	_ =	shalt  }
0x46: {  	_ =	shalt  }
0x47: {  	_ =	shalt  }
0x48: {  	_ =	shalt  }
0x49: {  	_ =	shalt  }
0x4a: {  	_ =	shalt  }
0x4b: {  	_ =	shalt  }
0x4c: {  	_ =	shalt  }
0x4d: {  	_ =	shalt  }
0x4e: {  	_ =	shalt  }
0x4f: {  	_ =	shalt  }
0x50: {  	_ =	shalt  }
0x51: {  	_ =	shalt  }
0x52: {  	_ =	shalt  }
0x53: {  	_ =	shalt  }
0x54: {  	_ =	shalt  }
0x55: {  	_ =	shalt  }
0x56: {  	_ =	shalt  }
0x57: {  	_ =	shalt  }
0x58: {  	_ =	shalt  }
0x59: {  	_ =	shalt  }
0x5a: {  	_ =	shalt  }
0x5b: {  	_ =	shalt  }
0x5c: {  	_ =	shalt  }
0x5d: {  	_ =	shalt  }
0x5e: {  	_ =	shalt  }
0x5f: {  	_ =	shalt  }
0x60: {  	_ =	shalt  }
0x61: {  	_ =	shalt  }
0x62: {  	_ =	shalt  }
0x63: {  	_ =	shalt  }
0x64: {  	_ =	shalt  }
0x65: {  	_ =	shalt  }
0x66: {  	_ =	shalt  }
0x67: {  	_ =	shalt  }
0x68: {  	_ =	shalt  }
0x69: {  	_ =	shalt  }
0x6a: {  	_ =	shalt  }
0x6b: {  	_ =	shalt  }
0x6c: {  	_ =	shalt  }
0x6d: {  	_ =	shalt  }
0x6e: {  	_ =	shalt  }
0x6f: {  	_ =	shalt  }
0x70: {  	_ =	shalt  }
0x71: {  	_ =	shalt  }
0x72: {  	_ =	shalt  }
0x73: {  	_ =	shalt  }
0x74: {  	_ =	shalt  }
0x75: {  	_ =	shalt  }
0x76: {  	_ =	shalt  }
0x77: {  	_ =	shalt  }
0x78: {  	_ =	shalt  }
0x79: {  	_ =	shalt  }
0x7a: {  	_ =	shalt  }
0x7b: {  	_ =	shalt  }
0x7c: {  	_ =	shalt  }
0x7d: {  	_ =	shalt  }
0x7e: {  	_ =	shalt  }
0x7f: {  	_ =	shalt  }
0x80: {  	_ =	shalt  }
0x81: {  	_ =	shalt  }
0x82: {  	_ =	shalt  }
0x83: {  	_ =	shalt  }
0x84: {  	_ =	shalt  }
0x85: {  	_ =	shalt  }
0x86: {  	_ =	shalt  }
0x87: {  	_ =	shalt  }
.Lfunc_end0:
.L_simem_size_0:
called_computation_lowered:
.L_overlay_start_0:
0x88: {  	s2 =	sld [smem:$0x3FD9]  }
0x89: {  	s3 =	sld [smem:$0x3FFE];
	_ =	sdelay $0x1  }
0x8a: {  	s1 =	srdreg.scid  }
0x8b: {  	s0 =	sand.u32 $0x1, s1  }
0x8c: {  	s17 =	sshll.u32 s0, $0xA;
	s2 =	sadd.s32 s3, s2  }
0x8d: {  	s2 =	sadd.s32 s2, s17  }
0x8e: {  	[smem:$0x3FC2] =	sst s2  }
0x8f: {  	_ = 	snop  }
0x90: {  	s2 =	sld [smem:$0x3FD0];
	(tm) =	ssettm $0x1  }
0x91: {  	s18 =	sld [smem:$0x3FFB];
	_ =	sdelay $0x3  }
0x92: {  	_ =	strace s18  }
0x93: {  	s3 =	sld [smem:$0x3FFC];
	_ =	sdelay $0x3  }
0x94: {  	_ =	strace s3  }
0x95: {  	s3 =	sld [smem:$0x3FFD];
	_ =	sdelay $0x3  }
0x96: {  	_ =	strace s3  }
0x97: {  	_ =	strace $0x8FFFFFFF  }
0x98: {  	s19 =	sld [smem:$0x3FDB];
	_ =	sdelay $0x1  }
0x99: {  	s4 =	simm.s32 $_scs_section_size  }
0x9a: {  	s5 =	simm.s32 $_size__tile_overlayer_lowered;
	s6 =	simm.s32 $_tile_overlayer_lowered  }
0x9b: {  	s22 =	simm.s32 $0x1BFF;
	s21 =	sshll.u32 s6, $0x1;
	s3 =	sadd.s32 s4, s19  }
0x9c: {  	s7 =	simm.s32 $0x0;
	s20 =	sshll.u32 s5, $0x1;
	s5 =	sadd.s32 s21, s3  }
0x9d: {  	[timem:s7], [sflag:s22] =	dma.local [hbm:s5], s20  }
0x9e: {  	_ =	swait.ge [sflag:s22], s20  }
0x9f: {  	s4 =	ssub.s32 $0x0, s20;
	[sflag:s22] =	ssyncset.done $0x0  }
0xa0: {  	[sflag:s22] =	ssyncadd.s32 s4;
	_ =	sdelay $0x1  }
0xa1: {  	s23 =	simm.s32 $0x1B8B  }
0xa2: {  	_ =	swait.ge [sflag:s23], $0x1  }
0xa3: {  	[sflag:s23] =	ssyncset.done $0x0  }
0xa4: {  	s25 =	simm.s32 $0x1B8E;
	s24 =	sld [smem:$0x3FFE];
	[sflag:s23] =	ssyncadd.s32 $0xFFFFFFFF  }
0xa5: {  	s26 =	simm.s32 $execute0_lowered;
	[smem:$0x3FD2] =	sst s25  }
0xa6: {  	s5 =	sshll.u32 s26, $0x1;
	_ =	strace $0x80000046;
	[dreg:$0x1] =	wrdreg $0xFFFFFFFF  }
0xa7: {  	s28 =	simm.s32 $_size_execute0_lowered;
	s3 =	sadd.s32 s3, s5;
	[dreg:$0x0] =	wrdreg $0x0  }
0xa8: {  	s5 =	sshll.u32 s28, $0x1;
	[dreg:$0x2] =	wrdreg s3  }
0xa9: {  	[dreg:$0x3] =	wrdreg s5  }
0xaa: {  	[dreg:$0x4] =	wrdreg $0xC0  }
0xab: {  	_ =	task [dreg:s7], $0x5FFFF  }
0xac: {  	[dreg:$0x1] =	wrdreg $0xFFFFFFFF  }
0xad: {  	[dreg:$0x0] =	wrdreg $0x60  }
0xae: {  	[dreg:$0x2] =	wrdreg s24  }
0xaf: {  	[dreg:$0x3] =	wrdreg s2  }
0xb0: {  	[dreg:$0x4] =	wrdreg $0x0  }
0xb1: {  	[dreg:$0x5] =	wrdreg $0x9  }
0xb2: {  	_ =	task.clear_ibuf [dreg:s7], $0x6FFFF;
	_ =	strace $0x90000046  }
0xb3: {  	s29 =	simm.s32 $0x9;
	_ =	strace $0x80000048  }
0xb4: {  	_ =	swait.ge [sflag:s29], $0x1  }
0xb5: {  	[sflag:s29] =	ssyncadd.s32 $0xFFFFFFFF  }
0xb6: {  	_ =	strace $0x90000048  }
0xb7: {  	_ =	sfence  }
0xb8: {  	s30 =	sld [smem:$0x0];
	_ =	sdelay $0x2  }
0xb9: {  	s31 =	sshll.u32 s1, $0xD;
	s1 =	sshrl.u32 s1, $0x2  }
0xba: {  	s3 =	sand.u32 $0x4000, s31;
	s1 =	sadd.s32 s1, s30  }
0xbb: {  	s0 =	sor.u32 s3, s0;
	s1 =	sshll.u32 s1, $0x11  }
0xbc: {  	s0 =	sor.u32 s1, s0  }
0xbd: {  	s0 =	sadd.s32 $0x8F2B, s0  }
0xbe: {  	[sflag:s0] =	ssyncadd.remote.s32 $0x1  }
0xbf: {  	_ =	sfence.sel $0xFFFF  }
0xc0: {  	[dreg:$0x0] =	wrdreg $0xFFFFFFFF;
	(pc) =	sbr.abs _section_cstart, $3  }
0xc1: {  	[dreg:$0x1] =	wrdreg $0xFFFFFFFF  }
0xc2: {  	_ =	task.clear_ibuf [dreg:s7], $0x2FFFF;
	_ =	strace $0x9FFFFFFF  }
0xc3: {  	(tm) =	ssettm $0x7FFFFFFF  }
tec
execute0_lowered:
.L_overlay_start_1:
0x0: {  	(tag) =	ssettag $0x1  }
0x1: {  	s1 =	rddreg [dreg:$0x0]  }
0x2: {  	s5 =	rddreg [dreg:$0x1]  }
0x3: {  	s2 =	rddreg [dreg:$0x2];
	s3 =	simm.s32 $0x0  }
0x4: {  	s14 =	simm.s32 $0x15080;
	[smem:$0x7FF] =	sst s3  }
0x5: {  	s15 =	simm.s32 $0x15100;
	_ =	strace $0x80000047;
	[dreg:$0x6] =	wrdreg s14  }
0x6: {  	s16 =	simm.s32 $0x13C80;
	[dreg:$0x7] =	wrdreg s15  }
0x7: {  	s17 =	simm.s32 $0x15180;
	[dreg:$0x8] =	wrdreg s16  }
0x8: {  	s18 =	simm.s32 $0x13D00;
	[dreg:$0x9] =	wrdreg s17  }
0x9: {  	s19 =	simm.s32 $0x15200;
	[dreg:$0xa] =	wrdreg s18  }
0xa: {  	s20 =	simm.s32 $0x13D80;
	[dreg:$0xb] =	wrdreg s19  }
0xb: {  	s21 =	simm.s32 $0x15280;
	[dreg:$0xc] =	wrdreg s20  }
0xc: {  	s22 =	simm.s32 $0x13E00;
	[dreg:$0xd] =	wrdreg s21  }
0xd: {  	s23 =	simm.s32 $0x15300;
	[dreg:$0xe] =	wrdreg s22  }
0xe: {  	s24 =	simm.s32 $0x13E80;
	[dreg:$0xf] =	wrdreg s23  }
0xf: {  	s25 =	simm.s32 $0x15380;
	[dreg:$0x10] =	wrdreg s24  }
0x10: {  	s26 =	simm.s32 $0x13F00;
	[dreg:$0x11] =	wrdreg s25  }
0x11: {  	s7 =	simm.s32 $0x15480;
	[dreg:$0x12] =	wrdreg s26  }
0x12: {  	s8 =	simm.s32 $0x14000;
	[dreg:$0x15] =	wrdreg s7  }
0x13: {  	s10 =	simm.s32 $0x15500;
	[dreg:$0x16] =	wrdreg s8  }
0x14: {  	s11 =	simm.s32 $0x14080;
	[dreg:$0x17] =	wrdreg s10  }
0x15: {  	[dreg:$0x18] =	wrdreg s11;
	s14 =	simm.s32 $0x15600  }
0x16: {  	s15 =	simm.s32 $0x14180;
	[dreg:$0x1b] =	wrdreg s14  }
0x17: {  	s16 =	simm.s32 $0x15680;
	[dreg:$0x1c] =	wrdreg s15  }
0x18: {  	s17 =	simm.s32 $0x14200;
	[dreg:$0x1d] =	wrdreg s16  }
0x19: {  	s18 =	simm.s32 $0x15700;
	[dreg:$0x1e] =	wrdreg s17  }
0x1a: {  	s19 =	simm.s32 $0x14280;
	[dreg:$0x1f] =	wrdreg s18  }
0x1b: {  	s20 =	simm.s32 $0x15780;
	[smem:$0x7D3] =	sst s19  }
0x1c: {  	s21 =	simm.s32 $0x14300;
	[smem:$0x7D4] =	sst s20  }
0x1d: {  	s22 =	simm.s32 $0x15800;
	[smem:$0x7D5] =	sst s21  }
0x1e: {  	s23 =	simm.s32 $0x14380;
	[smem:$0x7D6] =	sst s22  }
0x1f: {  	s24 =	simm.s32 $0x15880;
	[smem:$0x7D7] =	sst s23  }
0x20: {  	s25 =	simm.s32 $0x14400;
	[smem:$0x7D8] =	sst s24  }
0x21: {  	s26 =	simm.s32 $0x15900;
	[smem:$0x7D9] =	sst s25  }
0x22: {  	s0 =	srdreg.scid;
	s8 =	simm.s32 $0x15980;
	[smem:$0x7DA] =	sst s26  }
0x23: {  	s9 =	stileid.u32;
	s7 =	simm.s32 $0x14500;
	[smem:$0x7DC] =	sst s8  }
0x24: {  	s28 =	simm.s32 $0x16280;
	s11 =	simm.s32 $0x15A00;
	[smem:$0x7DD] =	sst s7  }
0x25: {  	s29 =	simm.s32 $0x14E00;
	[smem:$0x7DE] =	sst s11;
	s14 =	simm.s32 $0x14600  }
0x26: {  	s30 =	simm.s32 $0x16300;
	s16 =	simm.s32 $0x15B00;
	[smem:$0x7E1] =	sst s14  }
0x27: {  	s31 =	simm.s32 $0x14E80;
	s18 =	simm.s32 $0x14680;
	[smem:$0x7E2] =	sst s16  }
0x28: {  	s0 =	sand.u32 $0x1, s0;
	s19 =	simm.s32 $0x15B80;
	[smem:$0x7E3] =	sst s18  }
0x29: {  	s6 =	smul.u32 $0x5000, s9;
	s20 =	simm.s32 $0x14700;
	[smem:$0x7E4] =	sst s19  }
0x2a: {  	s4 =	smul.u32 $0x50000, s0;
	s22 =	simm.s32 $0x15C00;
	[smem:$0x7E5] =	sst s20  }
0x2b: {  	s10 =	smul.u32 $0x13C00, s9;
	s23 =	simm.s32 $0x14780;
	[smem:$0x7E6] =	sst s22  }
0x2c: {  	s15 =	ssub.s32 $0x2, s0;
	s25 =	simm.s32 $0x15C80;
	[smem:$0x7E7] =	sst s23  }
0x2d: {  	s8 =	smul.u32 $0x4F000, s9;
	s26 =	simm.s32 $0x14800;
	[smem:$0x7E8] =	sst s25  }
0x2e: {  	s24 =	smul.u32 $0x2780, s9;
	s11 =	simm.s32 $0x14880;
	[smem:$0x7E9] =	sst s26  }
0x2f: {  	s4 =	sadd.s32 s6, s4;
	s6 =	simm.s32 $0x13F80;
	[smem:$0x7EC] =	sst s11  }
0x30: {  	s17 =	sshrl.u32 s15, $0x1;
	s14 =	simm.s32 $0x14900;
	[dreg:$0x14] =	wrdreg s6  }
0x31: {  	s18 =	simm.s32 $0x15E80;
	s19 =	simm.s32 $0x14A00;
	[smem:$0x7EF] =	sst s14  }
0x32: {  	s11 =	simm.s32 $0x13C00;
	s20 =	simm.s32 $0x15F00;
	[smem:$0x7F3] =	sst s18  }
0x33: {  	s22 =	simm.s32 $0x15F80;
	s23 =	simm.s32 $0x14B00;
	[smem:$0x7F4] =	sst s19  }
0x34: {  	s25 =	simm.s32 $0x14B80;
	s26 =	simm.s32 $0x16080;
	[smem:$0x7F5] =	sst s20  }
0x35: {  	s4 =	sshrl.u32 s4, $0x3;
	s6 =	smul.u32 $0x13C000, s0;
	[smem:$0x7F7] =	sst s22  }
0x36: {  	s21 =	sshrl.u32 s8, $0x2;
	s0 =	smul.u32 $0x27800, s0;
	[smem:$0x7F8] =	sst s23  }
0x37: {  	s14 =	simm.s32 $0x16400;
	[smem:$0x7FA] =	sst s25;
	s18 =	simm.s32 $0x2  }
0x38: {  	s19 =	simm.s32 $0x4;
	[smem:$0x7FB] =	sst s26;
	s20 =	simm.s32 $0x14C00  }
0x39: {  	s22 =	simm.s32 $0x14C80;
	s12 =	sadd.s32 s4, s1;
	s4 =	sadd.s32 s4, s5  }
0x3a: {  	s23 =	simm.s32 $0x16180;
	s5 =	simm.s32 $0x15400;
	[dreg:$0x4] =	wrdreg s4  }
0x3b: {  	s7 =	sadd.s32 s21, s2;
	s21 =	simm.s32 $0x14A80;
	[dreg:$0x13] =	wrdreg s5  }
0x3c: {  	s25 =	simm.s32 $0x16200;
	s13 =	sadd.s32 $0x800, s12;
	[smem:$0x7F6] =	sst s21  }
0x3d: {  	s26 =	simm.s32 $0x14D80;
	s12 =	simm.s32 $0x15580;
	[dreg:$0x5] =	wrdreg s13  }
0x3e: {  	s5 =	simm.s32 $0x14480;
	s4 =	sadd.s32 $0x14800, s1;
	[dreg:$0x19] =	wrdreg s12  }
0x3f: {  	s0 =	sadd.s32 s24, s0;
	s24 =	simm.s32 $0x16000;
	[smem:$0x7DB] =	sst s5  }
0x40: {  	s7 =	sshrl.u32 s7, $0x3;
	s21 =	simm.s32 $0x16100;
	[smem:$0x7F9] =	sst s24  }
0x41: {  	s13 =	simm.s32 $0x14100;
	s5 =	sadd.s32 s10, s6;
	[smem:$0x7FD] =	sst s7  }
0x42: {  	s12 =	simm.s32 $0x14580;
	s6 =	ssub.s32 s15, s17;
	[dreg:$0x1a] =	wrdreg s13  }
0x43: {  	s10 =	simm.s32 $0x15D00;
	s0 =	sadd.s32 s4, s0;
	[smem:$0x7DF] =	sst s12  }
0x44: {  	s15 =	simm.s32 $0x15E00;
	s17 =	simm.s32 $0x14980;
	[smem:$0x7EA] =	sst s0  }
0x45: {  	s24 =	simm.s32 $0x14D00;
	s5 =	sshrl.u32 s5, $0x3;
	[smem:$0x7EB] =	sst s10  }
0x46: {  	s13 =	simm.s32 $0x15A80;
	s12 =	sshll.u32 s9, $0x6;
	[smem:$0x7F1] =	sst s15  }
0x47: {  	s16 =	smax.u32 s6, $0x1;
	[smem:$0x7F2] =	sst s17;
	s10 =	simm.s32 $0x5  }
0x48: {  	s15 =	simm.s32 $0x1A400;
	s17 =	simm.s32 $0x3;
	s0 =	simm.s32 $0x14F00  }
0x49: {  	s9 =	simm.s32 $0x0;
	s1 =	sadd.s32 s5, s1;
	[smem:$0x7E0] =	sst s13  }
0x4a: {  	s13 =	simm.s32 $0x15D80;
	s8 =	sor.u32 $0x1C05, s12;
	[smem:$0x7F0] =	sst s16  }
0x4b: {  	s12 =	simm.s32 $0x15000;
	s16 =	simm.s32 $0x1;
	[smem:$0x7ED] =	sst s13  }
0x4c: {  	s5 =	simm.s32 $0x14F80;
	s1 =	sadd.s32 $0x8B000, s1;
	[smem:$0x7FC] =	sst s8  }
0x4d: {  	s13 =	simm.s32 $0x80;
	[smem:$0x7EE] =	sst s1;
	s1 =	simm.s32 $0x16380  }
.LBB2_1:
0x4e: {  	s6 =	sld [smem:$0x7EA];
	_ =	sdelay $0x1  }
0x4f: {  	[smem:$0x7D2] =	sst s9  }
0x50: {  	[spmem:s7], [sflag:s8] =	dma.local [hbm:s6], $0x2780  }
0x51: {  	_ =	swait.ge [sflag:s10], $0x2780  }
0x52: {  	[sflag:s10] =	ssyncset.done $0x0  }
0x53: {  	[sflag:s10] =	ssyncadd.s32 $0xFFFFD880  }
0x54: {  	[bflag:$0x0] =	sbarrier.arrive $0xFFFF  }
0x55: {  	s7 =	rddreg [dreg:$0x5]  }
0x56: {  	s6 =	sadd.s32 $0x0, s7  }
0x57: {  	[tilespmem:s11], [sflag:$0x5] =	stream.linear.gather [hbm4b:s6+s3], $0x1400, $0x38;
	[tilespmem:$0x1E400] =	vst v63  }
0x58: {  	_ =	swait.ge [sflag:s10], $0x1400  }
0x59: {  	s8 =	rddreg [dreg:$0x4];
	[sflag:s10] =	ssyncset.done $0x0  }
0x5a: {  	[sflag:s10] =	ssyncadd.s32 $0xFFFFEC00;
	s6 =	sadd.s32 $0x0, s8  }
0x5b: {  	[tilespmem:s12], [sflag:$0x5] =	stream.linear.gather [hbm4b:s6+s3], $0x1400, $0x38;
	[tilespmem:$0x1E400] =	vst v63  }
0x5c: {  	_ =	swait.ge [sflag:s10], $0x1400  }
0x5d: {  	[sflag:s10] =	ssyncset.done $0x0  }
0x5e: {  	[sflag:s10] =	ssyncadd.s32 $0xFFFFEC00  }
0x5f: {  	[tilespmem:s14], [sflag:$0x1] =	stream.indirect.gather [hbm4b:s4+s13], $0x80, s12, s13, $0xb8;
	[tilespmem:$0x1E400] =	vst v63  }
0x60: {  	s9 =	rddreg [dreg:$0x6]  }
0x61: {  	[tilespmem:s15], [sflag:$0x2] =	stream.indirect.gather [hbm4b:s4+s13], $0x80, s9, s13, $0xb8;
	[tilespmem:$0x1E400] =	vst v63  }
0x62: {  	_ =	swait.ge [sflag:s16], $0x4000  }
0x63: {  	[sflag:s16] =	ssyncset.done $0x0  }
0x64: {  	[sflag:s16] =	ssyncadd.s32 $0xFFFFC000  }
0x65: {  	[spmem:s2] =	stream.indirect.scatter.add.f32 [tilespmem:s14], [sflag:$0x3], $0x80, s11, s13, $0xb8;
	[tilespmem:$0x1E400] =	vst v63  }
0x66: {  	_ =	swait.ge [sflag:s17], $0x4000  }
0x67: {  	[sflag:s17] =	ssyncset.done $0x0  }
0x68: {  	s7 =	rddreg [dreg:$0x7];
	[sflag:s17] =	ssyncadd.s32 $0xFFFFC000  }
0x69: {  	[tilespmem:s14], [sflag:$0x1] =	stream.indirect.gather [hbm4b:s4+s13], $0x80, s7, s13, $0xb8;
	[tilespmem:$0x1E400] =	vst v63  }
0x6a: {  	_ =	swait.ge [sflag:s18], $0x4000  }
0x6b: {  	[sflag:s18] =	ssyncset.done $0x0  }
0x6c: {  	s8 =	rddreg [dreg:$0x8];
	[sflag:s18] =	ssyncadd.s32 $0xFFFFC000  }
0x6d: {  	[spmem:s2] =	stream.indirect.scatter.add.f32 [tilespmem:s15], [sflag:$0x4], $0x80, s8, s13, $0xb8;
	[tilespmem:$0x1E400] =	vst v63  }
0x6e: {  	_ =	swait.ge [sflag:s19], $0x4000  }
0x6f: {  	[sflag:s19] =	ssyncset.done $0x0  }
0x70: {  	s9 =	rddreg [dreg:$0x9];
	[sflag:s19] =	ssyncadd.s32 $0xFFFFC000  }
0x71: {  	[tilespmem:s15], [sflag:$0x2] =	stream.indirect.gather [hbm4b:s4+s13], $0x80, s9, s13, $0xb8;
	[tilespmem:$0x1E400] =	vst v63  }
0x72: {  	_ =	swait.ge [sflag:s16], $0x4000  }
0x73: {  	[sflag:s16] =	ssyncset.done $0x0  }
0x74: {  	s7 =	rddreg [dreg:$0xa];
	[sflag:s16] =	ssyncadd.s32 $0xFFFFC000  }
0x75: {  	[spmem:s2] =	stream.indirect.scatter.add.f32 [tilespmem:s14], [sflag:$0x3], $0x80, s7, s13, $0xb8;
	[tilespmem:$0x1E400] =	vst v63  }
0x76: {  	_ =	swait.ge [sflag:s17], $0x4000  }
0x77: {  	[sflag:s17] =	ssyncset.done $0x0  }
0x78: {  	s8 =	rddreg [dreg:$0xb];
	[sflag:s17] =	ssyncadd.s32 $0xFFFFC000  }
0x79: {  	[tilespmem:s14], [sflag:$0x1] =	stream.indirect.gather [hbm4b:s4+s13], $0x80, s8, s13, $0xb8;
	[tilespmem:$0x1E400] =	vst v63  }
0x7a: {  	_ =	swait.ge [sflag:s18], $0x4000  }
0x7b: {  	[sflag:s18] =	ssyncset.done $0x0  }
0x7c: {  	s9 =	rddreg [dreg:$0xc];
	[sflag:s18] =	ssyncadd.s32 $0xFFFFC000  }
0x7d: {  	[spmem:s2] =	stream.indirect.scatter.add.f32 [tilespmem:s15], [sflag:$0x4], $0x80, s9, s13, $0xb8;
	[tilespmem:$0x1E400] =	vst v63  }
0x7e: {  	_ =	swait.ge [sflag:s19], $0x4000  }
0x7f: {  	[sflag:s19] =	ssyncset.done $0x0  }
0x80: {  	s7 =	rddreg [dreg:$0xd];
	[sflag:s19] =	ssyncadd.s32 $0xFFFFC000  }
0x81: {  	[tilespmem:s15], [sflag:$0x2] =	stream.indirect.gather [hbm4b:s4+s13], $0x80, s7, s13, $0xb8;
	[tilespmem:$0x1E400] =	vst v63  }
0x82: {  	_ =	swait.ge [sflag:s16], $0x4000  }
0x83: {  	[sflag:s16] =	ssyncset.done $0x0  }
0x84: {  	s8 =	rddreg [dreg:$0xe];
	[sflag:s16] =	ssyncadd.s32 $0xFFFFC000  }
0x85: {  	[spmem:s2] =	stream.indirect.scatter.add.f32 [tilespmem:s14], [sflag:$0x3], $0x80, s8, s13, $0xb8;
	[tilespmem:$0x1E400] =	vst v63  }
0x86: {  	_ =	swait.ge [sflag:s17], $0x4000  }
0x87: {  	[sflag:s17] =	ssyncset.done $0x0  }
0x88: {  	s9 =	rddreg [dreg:$0xf];
	[sflag:s17] =	ssyncadd.s32 $0xFFFFC000  }
0x89: {  	[tilespmem:s14], [sflag:$0x1] =	stream.indirect.gather [hbm4b:s4+s13], $0x80, s9, s13, $0xb8;
	[tilespmem:$0x1E400] =	vst v63  }
0x8a: {  	_ =	swait.ge [sflag:s18], $0x4000  }
0x8b: {  	[sflag:s18] =	ssyncset.done $0x0  }
0x8c: {  	s7 =	rddreg [dreg:$0x10];
	[sflag:s18] =	ssyncadd.s32 $0xFFFFC000  }
0x8d: {  	[spmem:s2] =	stream.indirect.scatter.add.f32 [tilespmem:s15], [sflag:$0x4], $0x80, s7, s13, $0xb8;
	[tilespmem:$0x1E400] =	vst v63  }
0x8e: {  	_ =	swait.ge [sflag:s19], $0x4000  }
0x8f: {  	[sflag:s19] =	ssyncset.done $0x0  }
0x90: {  	s8 =	rddreg [dreg:$0x11];
	[sflag:s19] =	ssyncadd.s32 $0xFFFFC000  }
0x91: {  	[tilespmem:s15], [sflag:$0x2] =	stream.indirect.gather [hbm4b:s4+s13], $0x80, s8, s13, $0xb8;
	[tilespmem:$0x1E400] =	vst v63  }
0x92: {  	_ =	swait.ge [sflag:s16], $0x4000  }
0x93: {  	[sflag:s16] =	ssyncset.done $0x0  }
0x94: {  	s9 =	rddreg [dreg:$0x12];
	[sflag:s16] =	ssyncadd.s32 $0xFFFFC000  }
0x95: {  	[spmem:s2] =	stream.indirect.scatter.add.f32 [tilespmem:s14], [sflag:$0x3], $0x80, s9, s13, $0xb8;
	[tilespmem:$0x1E400] =	vst v63  }
0x96: {  	_ =	swait.ge [sflag:s17], $0x4000  }
0x97: {  	[sflag:s17] =	ssyncset.done $0x0  }
0x98: {  	s7 =	rddreg [dreg:$0x13];
	[sflag:s17] =	ssyncadd.s32 $0xFFFFC000  }
0x99: {  	[tilespmem:s14], [sflag:$0x1] =	stream.indirect.gather [hbm4b:s4+s13], $0x80, s7, s13, $0xb8;
	[tilespmem:$0x1E400] =	vst v63  }
0x9a: {  	_ =	swait.ge [sflag:s18], $0x4000  }
0x9b: {  	[sflag:s18] =	ssyncset.done $0x0  }
0x9c: {  	s8 =	rddreg [dreg:$0x14];
	[sflag:s18] =	ssyncadd.s32 $0xFFFFC000  }
0x9d: {  	[spmem:s2] =	stream.indirect.scatter.add.f32 [tilespmem:s15], [sflag:$0x4], $0x80, s8, s13, $0xb8;
	[tilespmem:$0x1E400] =	vst v63  }
0x9e: {  	_ =	swait.ge [sflag:s19], $0x4000  }
0x9f: {  	[sflag:s19] =	ssyncset.done $0x0  }
0xa0: {  	s9 =	rddreg [dreg:$0x15];
	[sflag:s19] =	ssyncadd.s32 $0xFFFFC000  }
0xa1: {  	[tilespmem:s15], [sflag:$0x2] =	stream.indirect.gather [hbm4b:s4+s13], $0x80, s9, s13, $0xb8;
	[tilespmem:$0x1E400] =	vst v63  }
0xa2: {  	_ =	swait.ge [sflag:s16], $0x4000  }
0xa3: {  	[sflag:s16] =	ssyncset.done $0x0  }
0xa4: {  	s7 =	rddreg [dreg:$0x16];
	[sflag:s16] =	ssyncadd.s32 $0xFFFFC000  }
0xa5: {  	[spmem:s2] =	stream.indirect.scatter.add.f32 [tilespmem:s14], [sflag:$0x3], $0x80, s7, s13, $0xb8;
	[tilespmem:$0x1E400] =	vst v63  }
0xa6: {  	_ =	swait.ge [sflag:s17], $0x4000  }
0xa7: {  	[sflag:s17] =	ssyncset.done $0x0  }
0xa8: {  	s8 =	rddreg [dreg:$0x17];
	[sflag:s17] =	ssyncadd.s32 $0xFFFFC000  }
0xa9: {  	[tilespmem:s14], [sflag:$0x1] =	stream.indirect.gather [hbm4b:s4+s13], $0x80, s8, s13, $0xb8;
	[tilespmem:$0x1E400] =	vst v63  }
0xaa: {  	_ =	swait.ge [sflag:s18], $0x4000  }
0xab: {  	[sflag:s18] =	ssyncset.done $0x0  }
0xac: {  	s9 =	rddreg [dreg:$0x18];
	[sflag:s18] =	ssyncadd.s32 $0xFFFFC000  }
0xad: {  	[spmem:s2] =	stream.indirect.scatter.add.f32 [tilespmem:s15], [sflag:$0x4], $0x80, s9, s13, $0xb8;
	[tilespmem:$0x1E400] =	vst v63  }
0xae: {  	_ =	swait.ge [sflag:s19], $0x4000  }
0xaf: {  	[sflag:s19] =	ssyncset.done $0x0  }
0xb0: {  	s7 =	rddreg [dreg:$0x19];
	[sflag:s19] =	ssyncadd.s32 $0xFFFFC000  }
0xb1: {  	[tilespmem:s15], [sflag:$0x2] =	stream.indirect.gather [hbm4b:s4+s13], $0x80, s7, s13, $0xb8;
	[tilespmem:$0x1E400] =	vst v63  }
0xb2: {  	_ =	swait.ge [sflag:s16], $0x4000  }
0xb3: {  	[sflag:s16] =	ssyncset.done $0x0  }
0xb4: {  	s8 =	rddreg [dreg:$0x1a];
	[sflag:s16] =	ssyncadd.s32 $0xFFFFC000  }
0xb5: {  	[spmem:s2] =	stream.indirect.scatter.add.f32 [tilespmem:s14], [sflag:$0x3], $0x80, s8, s13, $0xb8;
	[tilespmem:$0x1E400] =	vst v63  }
0xb6: {  	_ =	swait.ge [sflag:s17], $0x4000  }
0xb7: {  	[sflag:s17] =	ssyncset.done $0x0  }
0xb8: {  	s9 =	rddreg [dreg:$0x1b];
	[sflag:s17] =	ssyncadd.s32 $0xFFFFC000  }
0xb9: {  	[tilespmem:s14], [sflag:$0x1] =	stream.indirect.gather [hbm4b:s4+s13], $0x80, s9, s13, $0xb8;
	[tilespmem:$0x1E400] =	vst v63  }
0xba: {  	_ =	swait.ge [sflag:s18], $0x4000  }
0xbb: {  	[sflag:s18] =	ssyncset.done $0x0  }
0xbc: {  	s7 =	rddreg [dreg:$0x1c];
	[sflag:s18] =	ssyncadd.s32 $0xFFFFC000  }
0xbd: {  	[spmem:s2] =	stream.indirect.scatter.add.f32 [tilespmem:s15], [sflag:$0x4], $0x80, s7, s13, $0xb8;
	[tilespmem:$0x1E400] =	vst v63  }
0xbe: {  	_ =	swait.ge [sflag:s19], $0x4000  }
0xbf: {  	[sflag:s19] =	ssyncset.done $0x0  }
0xc0: {  	s8 =	rddreg [dreg:$0x1d];
	[sflag:s19] =	ssyncadd.s32 $0xFFFFC000  }
0xc1: {  	[tilespmem:s15], [sflag:$0x2] =	stream.indirect.gather [hbm4b:s4+s13], $0x80, s8, s13, $0xb8;
	[tilespmem:$0x1E400] =	vst v63  }
0xc2: {  	_ =	swait.ge [sflag:s16], $0x4000  }
0xc3: {  	[sflag:s16] =	ssyncset.done $0x0  }
0xc4: {  	s9 =	rddreg [dreg:$0x1e];
	[sflag:s16] =	ssyncadd.s32 $0xFFFFC000  }
0xc5: {  	[spmem:s2] =	stream.indirect.scatter.add.f32 [tilespmem:s14], [sflag:$0x3], $0x80, s9, s13, $0xb8;
	[tilespmem:$0x1E400] =	vst v63  }
0xc6: {  	_ =	swait.ge [sflag:s17], $0x4000  }
0xc7: {  	[sflag:s17] =	ssyncset.done $0x0  }
0xc8: {  	s7 =	rddreg [dreg:$0x1f];
	[sflag:s17] =	ssyncadd.s32 $0xFFFFC000  }
0xc9: {  	[tilespmem:s14], [sflag:$0x1] =	stream.indirect.gather [hbm4b:s4+s13], $0x80, s7, s13, $0xb8;
	[tilespmem:$0x1E400] =	vst v63  }
0xca: {  	_ =	swait.ge [sflag:s18], $0x4000  }
0xcb: {  	s8 =	sld [smem:$0x7D3]  }
0xcc: {  	[sflag:s18] =	ssyncset.done $0x0  }
0xcd: {  	[sflag:s18] =	ssyncadd.s32 $0xFFFFC000  }
0xce: {  	[spmem:s2] =	stream.indirect.scatter.add.f32 [tilespmem:s15], [sflag:$0x4], $0x80, s8, s13, $0xb8;
	[tilespmem:$0x1E400] =	vst v63  }
0xcf: {  	_ =	swait.ge [sflag:s19], $0x4000  }
0xd0: {  	s9 =	sld [smem:$0x7D4]  }
0xd1: {  	[sflag:s19] =	ssyncset.done $0x0  }
0xd2: {  	[sflag:s19] =	ssyncadd.s32 $0xFFFFC000  }
0xd3: {  	[tilespmem:s15], [sflag:$0x2] =	stream.indirect.gather [hbm4b:s4+s13], $0x80, s9, s13, $0xb8;
	[tilespmem:$0x1E400] =	vst v63  }
0xd4: {  	_ =	swait.ge [sflag:s16], $0x4000  }
0xd5: {  	s7 =	sld [smem:$0x7D5]  }
0xd6: {  	[sflag:s16] =	ssyncset.done $0x0  }
0xd7: {  	[sflag:s16] =	ssyncadd.s32 $0xFFFFC000  }
0xd8: {  	[spmem:s2] =	stream.indirect.scatter.add.f32 [tilespmem:s14], [sflag:$0x3], $0x80, s7, s13, $0xb8;
	[tilespmem:$0x1E400] =	vst v63  }
0xd9: {  	_ =	swait.ge [sflag:s17], $0x4000  }
0xda: {  	s8 =	sld [smem:$0x7D6]  }
0xdb: {  	[sflag:s17] =	ssyncset.done $0x0  }
0xdc: {  	[sflag:s17] =	ssyncadd.s32 $0xFFFFC000  }
0xdd: {  	[tilespmem:s14], [sflag:$0x1] =	stream.indirect.gather [hbm4b:s4+s13], $0x80, s8, s13, $0xb8;
	[tilespmem:$0x1E400] =	vst v63  }
0xde: {  	_ =	swait.ge [sflag:s18], $0x4000  }
0xdf: {  	s9 =	sld [smem:$0x7D7]  }
0xe0: {  	[sflag:s18] =	ssyncset.done $0x0  }
0xe1: {  	[sflag:s18] =	ssyncadd.s32 $0xFFFFC000  }
0xe2: {  	[spmem:s2] =	stream.indirect.scatter.add.f32 [tilespmem:s15], [sflag:$0x4], $0x80, s9, s13, $0xb8;
	[tilespmem:$0x1E400] =	vst v63  }
0xe3: {  	_ =	swait.ge [sflag:s19], $0x4000  }
0xe4: {  	s7 =	sld [smem:$0x7D8]  }
0xe5: {  	[sflag:s19] =	ssyncset.done $0x0  }
0xe6: {  	[sflag:s19] =	ssyncadd.s32 $0xFFFFC000  }
0xe7: {  	[tilespmem:s15], [sflag:$0x2] =	stream.indirect.gather [hbm4b:s4+s13], $0x80, s7, s13, $0xb8;
	[tilespmem:$0x1E400] =	vst v63  }
0xe8: {  	_ =	swait.ge [sflag:s16], $0x4000  }
0xe9: {  	s8 =	sld [smem:$0x7D9]  }
0xea: {  	[sflag:s16] =	ssyncset.done $0x0  }
0xeb: {  	[sflag:s16] =	ssyncadd.s32 $0xFFFFC000  }
0xec: {  	[spmem:s2] =	stream.indirect.scatter.add.f32 [tilespmem:s14], [sflag:$0x3], $0x80, s8, s13, $0xb8;
	[tilespmem:$0x1E400] =	vst v63  }
0xed: {  	_ =	swait.ge [sflag:s17], $0x4000  }
0xee: {  	s9 =	sld [smem:$0x7DA]  }
0xef: {  	[sflag:s17] =	ssyncset.done $0x0  }
0xf0: {  	[sflag:s17] =	ssyncadd.s32 $0xFFFFC000  }
0xf1: {  	[tilespmem:s14], [sflag:$0x1] =	stream.indirect.gather [hbm4b:s4+s13], $0x80, s9, s13, $0xb8;
	[tilespmem:$0x1E400] =	vst v63  }
0xf2: {  	_ =	swait.ge [sflag:s18], $0x4000  }
0xf3: {  	s7 =	sld [smem:$0x7DB]  }
0xf4: {  	[sflag:s18] =	ssyncset.done $0x0  }
0xf5: {  	[sflag:s18] =	ssyncadd.s32 $0xFFFFC000  }
0xf6: {  	[spmem:s2] =	stream.indirect.scatter.add.f32 [tilespmem:s15], [sflag:$0x4], $0x80, s7, s13, $0xb8;
	[tilespmem:$0x1E400] =	vst v63  }
0xf7: {  	_ =	swait.ge [sflag:s19], $0x4000  }
0xf8: {  	s8 =	sld [smem:$0x7DC]  }
0xf9: {  	[sflag:s19] =	ssyncset.done $0x0  }
0xfa: {  	[sflag:s19] =	ssyncadd.s32 $0xFFFFC000  }
0xfb: {  	[tilespmem:s15], [sflag:$0x2] =	stream.indirect.gather [hbm4b:s4+s13], $0x80, s8, s13, $0xb8;
	[tilespmem:$0x1E400] =	vst v63  }
0xfc: {  	_ =	swait.ge [sflag:s16], $0x4000  }
0xfd: {  	s9 =	sld [smem:$0x7DD]  }
0xfe: {  	[sflag:s16] =	ssyncset.done $0x0  }
0xff: {  	[sflag:s16] =	ssyncadd.s32 $0xFFFFC000  }
0x100: {  	[spmem:s2] =	stream.indirect.scatter.add.f32 [tilespmem:s14], [sflag:$0x3], $0x80, s9, s13, $0xb8;
	[tilespmem:$0x1E400] =	vst v63  }
0x101: {  	_ =	swait.ge [sflag:s17], $0x4000  }
0x102: {  	s7 =	sld [smem:$0x7DE]  }
0x103: {  	[sflag:s17] =	ssyncset.done $0x0  }
0x104: {  	[sflag:s17] =	ssyncadd.s32 $0xFFFFC000  }
0x105: {  	[tilespmem:s14], [sflag:$0x1] =	stream.indirect.gather [hbm4b:s4+s13], $0x80, s7, s13, $0xb8;
	[tilespmem:$0x1E400] =	vst v63  }
0x106: {  	_ =	swait.ge [sflag:s18], $0x4000  }
0x107: {  	s8 =	sld [smem:$0x7DF]  }
0x108: {  	[sflag:s18] =	ssyncset.done $0x0  }
0x109: {  	[sflag:s18] =	ssyncadd.s32 $0xFFFFC000  }
0x10a: {  	[spmem:s2] =	stream.indirect.scatter.add.f32 [tilespmem:s15], [sflag:$0x4], $0x80, s8, s13, $0xb8;
	[tilespmem:$0x1E400] =	vst v63  }
0x10b: {  	_ =	swait.ge [sflag:s19], $0x4000  }
0x10c: {  	s9 =	sld [smem:$0x7E0]  }
0x10d: {  	[sflag:s19] =	ssyncset.done $0x0  }
0x10e: {  	[sflag:s19] =	ssyncadd.s32 $0xFFFFC000  }
0x10f: {  	[tilespmem:s15], [sflag:$0x2] =	stream.indirect.gather [hbm4b:s4+s13], $0x80, s9, s13, $0xb8;
	[tilespmem:$0x1E400] =	vst v63  }
0x110: {  	_ =	swait.ge [sflag:s16], $0x4000  }
0x111: {  	s7 =	sld [smem:$0x7E1]  }
0x112: {  	[sflag:s16] =	ssyncset.done $0x0  }
0x113: {  	[sflag:s16] =	ssyncadd.s32 $0xFFFFC000  }
0x114: {  	[spmem:s2] =	stream.indirect.scatter.add.f32 [tilespmem:s14], [sflag:$0x3], $0x80, s7, s13, $0xb8;
	[tilespmem:$0x1E400] =	vst v63  }
0x115: {  	_ =	swait.ge [sflag:s17], $0x4000  }
0x116: {  	s8 =	sld [smem:$0x7E2]  }
0x117: {  	[sflag:s17] =	ssyncset.done $0x0  }
0x118: {  	[sflag:s17] =	ssyncadd.s32 $0xFFFFC000  }
0x119: {  	[tilespmem:s14], [sflag:$0x1] =	stream.indirect.gather [hbm4b:s4+s13], $0x80, s8, s13, $0xb8;
	[tilespmem:$0x1E400] =	vst v63  }
0x11a: {  	_ =	swait.ge [sflag:s18], $0x4000  }
0x11b: {  	s9 =	sld [smem:$0x7E3]  }
0x11c: {  	[sflag:s18] =	ssyncset.done $0x0  }
0x11d: {  	[sflag:s18] =	ssyncadd.s32 $0xFFFFC000  }
0x11e: {  	[spmem:s2] =	stream.indirect.scatter.add.f32 [tilespmem:s15], [sflag:$0x4], $0x80, s9, s13, $0xb8;
	[tilespmem:$0x1E400] =	vst v63  }
0x11f: {  	_ =	swait.ge [sflag:s19], $0x4000  }
0x120: {  	s7 =	sld [smem:$0x7E4]  }
0x121: {  	[sflag:s19] =	ssyncset.done $0x0  }
0x122: {  	[sflag:s19] =	ssyncadd.s32 $0xFFFFC000  }
0x123: {  	[tilespmem:s15], [sflag:$0x2] =	stream.indirect.gather [hbm4b:s4+s13], $0x80, s7, s13, $0xb8;
	[tilespmem:$0x1E400] =	vst v63  }
0x124: {  	_ =	swait.ge [sflag:s16], $0x4000  }
0x125: {  	s8 =	sld [smem:$0x7E5]  }
0x126: {  	[sflag:s16] =	ssyncset.done $0x0  }
0x127: {  	[sflag:s16] =	ssyncadd.s32 $0xFFFFC000  }
0x128: {  	[spmem:s2] =	stream.indirect.scatter.add.f32 [tilespmem:s14], [sflag:$0x3], $0x80, s8, s13, $0xb8;
	[tilespmem:$0x1E400] =	vst v63  }
0x129: {  	_ =	swait.ge [sflag:s17], $0x4000  }
0x12a: {  	s9 =	sld [smem:$0x7E6]  }
0x12b: {  	[sflag:s17] =	ssyncset.done $0x0  }
0x12c: {  	[sflag:s17] =	ssyncadd.s32 $0xFFFFC000  }
0x12d: {  	[tilespmem:s14], [sflag:$0x1] =	stream.indirect.gather [hbm4b:s4+s13], $0x80, s9, s13, $0xb8;
	[tilespmem:$0x1E400] =	vst v63  }
0x12e: {  	_ =	swait.ge [sflag:s18], $0x4000  }
0x12f: {  	s7 =	sld [smem:$0x7E7]  }
0x130: {  	[sflag:s18] =	ssyncset.done $0x0  }
0x131: {  	[sflag:s18] =	ssyncadd.s32 $0xFFFFC000  }
0x132: {  	[spmem:s2] =	stream.indirect.scatter.add.f32 [tilespmem:s15], [sflag:$0x4], $0x80, s7, s13, $0xb8;
	[tilespmem:$0x1E400] =	vst v63  }
0x133: {  	_ =	swait.ge [sflag:s19], $0x4000  }
0x134: {  	s8 =	sld [smem:$0x7E8]  }
0x135: {  	[sflag:s19] =	ssyncset.done $0x0  }
0x136: {  	[sflag:s19] =	ssyncadd.s32 $0xFFFFC000  }
0x137: {  	[tilespmem:s15], [sflag:$0x2] =	stream.indirect.gather [hbm4b:s4+s13], $0x80, s8, s13, $0xb8;
	[tilespmem:$0x1E400] =	vst v63  }
0x138: {  	_ =	swait.ge [sflag:s16], $0x4000  }
0x139: {  	s9 =	sld [smem:$0x7E9]  }
0x13a: {  	[sflag:s16] =	ssyncset.done $0x0  }
0x13b: {  	[sflag:s16] =	ssyncadd.s32 $0xFFFFC000  }
0x13c: {  	[spmem:s2] =	stream.indirect.scatter.add.f32 [tilespmem:s14], [sflag:$0x3], $0x80, s9, s13, $0xb8;
	[tilespmem:$0x1E400] =	vst v63  }
0x13d: {  	_ =	swait.ge [sflag:s17], $0x4000  }
0x13e: {  	s7 =	sld [smem:$0x7EB]  }
0x13f: {  	[sflag:s17] =	ssyncset.done $0x0  }
0x140: {  	[sflag:s17] =	ssyncadd.s32 $0xFFFFC000  }
0x141: {  	[tilespmem:s14], [sflag:$0x1] =	stream.indirect.gather [hbm4b:s4+s13], $0x80, s7, s13, $0xb8;
	[tilespmem:$0x1E400] =	vst v63  }
0x142: {  	_ =	swait.ge [sflag:s18], $0x4000  }
0x143: {  	s8 =	sld [smem:$0x7EC]  }
0x144: {  	[sflag:s18] =	ssyncset.done $0x0  }
0x145: {  	[sflag:s18] =	ssyncadd.s32 $0xFFFFC000  }
0x146: {  	[spmem:s2] =	stream.indirect.scatter.add.f32 [tilespmem:s15], [sflag:$0x4], $0x80, s8, s13, $0xb8;
	[tilespmem:$0x1E400] =	vst v63  }
0x147: {  	_ =	swait.ge [sflag:s19], $0x4000  }
0x148: {  	s9 =	sld [smem:$0x7ED]  }
0x149: {  	[sflag:s19] =	ssyncset.done $0x0  }
0x14a: {  	[sflag:s19] =	ssyncadd.s32 $0xFFFFC000  }
0x14b: {  	[tilespmem:s15], [sflag:$0x2] =	stream.indirect.gather [hbm4b:s4+s13], $0x80, s9, s13, $0xb8;
	[tilespmem:$0x1E400] =	vst v63  }
0x14c: {  	_ =	swait.ge [sflag:s16], $0x4000  }
0x14d: {  	s7 =	sld [smem:$0x7EF]  }
0x14e: {  	[sflag:s16] =	ssyncset.done $0x0  }
0x14f: {  	[sflag:s16] =	ssyncadd.s32 $0xFFFFC000  }
0x150: {  	[spmem:s2] =	stream.indirect.scatter.add.f32 [tilespmem:s14], [sflag:$0x3], $0x80, s7, s13, $0xb8;
	[tilespmem:$0x1E400] =	vst v63  }
0x151: {  	_ =	swait.ge [sflag:s17], $0x4000  }
0x152: {  	s8 =	sld [smem:$0x7F1]  }
0x153: {  	[sflag:s17] =	ssyncset.done $0x0  }
0x154: {  	[sflag:s17] =	ssyncadd.s32 $0xFFFFC000  }
0x155: {  	[tilespmem:s14], [sflag:$0x1] =	stream.indirect.gather [hbm4b:s4+s13], $0x80, s8, s13, $0xb8;
	[tilespmem:$0x1E400] =	vst v63  }
0x156: {  	_ =	swait.ge [sflag:s18], $0x4000  }
0x157: {  	s9 =	sld [smem:$0x7F2]  }
0x158: {  	[sflag:s18] =	ssyncset.done $0x0  }
0x159: {  	[sflag:s18] =	ssyncadd.s32 $0xFFFFC000  }
0x15a: {  	[spmem:s2] =	stream.indirect.scatter.add.f32 [tilespmem:s15], [sflag:$0x4], $0x80, s9, s13, $0xb8;
	[tilespmem:$0x1E400] =	vst v63  }
0x15b: {  	_ =	swait.ge [sflag:s19], $0x4000  }
0x15c: {  	s7 =	sld [smem:$0x7F3]  }
0x15d: {  	[sflag:s19] =	ssyncset.done $0x0  }
0x15e: {  	[sflag:s19] =	ssyncadd.s32 $0xFFFFC000  }
0x15f: {  	[tilespmem:s15], [sflag:$0x2] =	stream.indirect.gather [hbm4b:s4+s13], $0x80, s7, s13, $0xb8;
	[tilespmem:$0x1E400] =	vst v63  }
0x160: {  	_ =	swait.ge [sflag:s16], $0x4000  }
0x161: {  	s8 =	sld [smem:$0x7F4]  }
0x162: {  	[sflag:s16] =	ssyncset.done $0x0  }
0x163: {  	[sflag:s16] =	ssyncadd.s32 $0xFFFFC000  }
0x164: {  	[spmem:s2] =	stream.indirect.scatter.add.f32 [tilespmem:s14], [sflag:$0x3], $0x80, s8, s13, $0xb8;
	[tilespmem:$0x1E400] =	vst v63  }
0x165: {  	_ =	swait.ge [sflag:s17], $0x4000  }
0x166: {  	s9 =	sld [smem:$0x7F5]  }
0x167: {  	[sflag:s17] =	ssyncset.done $0x0  }
0x168: {  	[sflag:s17] =	ssyncadd.s32 $0xFFFFC000  }
0x169: {  	[tilespmem:s14], [sflag:$0x1] =	stream.indirect.gather [hbm4b:s4+s13], $0x80, s9, s13, $0xb8;
	[tilespmem:$0x1E400] =	vst v63  }
0x16a: {  	_ =	swait.ge [sflag:s18], $0x4000  }
0x16b: {  	s7 =	sld [smem:$0x7F6]  }
0x16c: {  	[sflag:s18] =	ssyncset.done $0x0  }
0x16d: {  	[sflag:s18] =	ssyncadd.s32 $0xFFFFC000  }
0x16e: {  	[spmem:s2] =	stream.indirect.scatter.add.f32 [tilespmem:s15], [sflag:$0x4], $0x80, s7, s13, $0xb8;
	[tilespmem:$0x1E400] =	vst v63  }
0x16f: {  	_ =	swait.ge [sflag:s19], $0x4000  }
0x170: {  	s8 =	sld [smem:$0x7F7]  }
0x171: {  	[sflag:s19] =	ssyncset.done $0x0  }
0x172: {  	[sflag:s19] =	ssyncadd.s32 $0xFFFFC000  }
0x173: {  	[tilespmem:s15], [sflag:$0x2] =	stream.indirect.gather [hbm4b:s4+s13], $0x80, s8, s13, $0xb8;
	[tilespmem:$0x1E400] =	vst v63  }
0x174: {  	_ =	swait.ge [sflag:s16], $0x4000  }
0x175: {  	s9 =	sld [smem:$0x7F8]  }
0x176: {  	[sflag:s16] =	ssyncset.done $0x0  }
0x177: {  	[sflag:s16] =	ssyncadd.s32 $0xFFFFC000  }
0x178: {  	[spmem:s2] =	stream.indirect.scatter.add.f32 [tilespmem:s14], [sflag:$0x3], $0x80, s9, s13, $0xb8;
	[tilespmem:$0x1E400] =	vst v63  }
0x179: {  	_ =	swait.ge [sflag:s17], $0x4000  }
0x17a: {  	s7 =	sld [smem:$0x7F9]  }
0x17b: {  	[sflag:s17] =	ssyncset.done $0x0  }
0x17c: {  	[sflag:s17] =	ssyncadd.s32 $0xFFFFC000  }
0x17d: {  	[tilespmem:s14], [sflag:$0x1] =	stream.indirect.gather [hbm4b:s4+s13], $0x80, s7, s13, $0xb8;
	[tilespmem:$0x1E400] =	vst v63  }
0x17e: {  	_ =	swait.ge [sflag:s18], $0x4000  }
0x17f: {  	s8 =	sld [smem:$0x7FA]  }
0x180: {  	[sflag:s18] =	ssyncset.done $0x0  }
0x181: {  	[sflag:s18] =	ssyncadd.s32 $0xFFFFC000  }
0x182: {  	[spmem:s2] =	stream.indirect.scatter.add.f32 [tilespmem:s15], [sflag:$0x4], $0x80, s8, s13, $0xb8;
	[tilespmem:$0x1E400] =	vst v63  }
0x183: {  	_ =	swait.ge [sflag:s19], $0x4000  }
0x184: {  	s9 =	sld [smem:$0x7FB]  }
0x185: {  	[sflag:s19] =	ssyncset.done $0x0  }
0x186: {  	[sflag:s19] =	ssyncadd.s32 $0xFFFFC000  }
0x187: {  	[tilespmem:s15], [sflag:$0x2] =	stream.indirect.gather [hbm4b:s4+s13], $0x80, s9, s13, $0xb8;
	[tilespmem:$0x1E400] =	vst v63  }
0x188: {  	_ =	swait.ge [sflag:s16], $0x4000  }
0x189: {  	[sflag:s16] =	ssyncset.done $0x0  }
0x18a: {  	[sflag:s16] =	ssyncadd.s32 $0xFFFFC000  }
0x18b: {  	[spmem:s2] =	stream.indirect.scatter.add.f32 [tilespmem:s14], [sflag:$0x3], $0x80, s20, s13, $0xb8;
	[tilespmem:$0x1E400] =	vst v63  }
0x18c: {  	_ =	swait.ge [sflag:s17], $0x4000  }
0x18d: {  	[sflag:s17] =	ssyncset.done $0x0  }
0x18e: {  	[sflag:s17] =	ssyncadd.s32 $0xFFFFC000  }
0x18f: {  	[tilespmem:s14], [sflag:$0x1] =	stream.indirect.gather [hbm4b:s4+s13], $0x80, s21, s13, $0xb8;
	[tilespmem:$0x1E400] =	vst v63  }
0x190: {  	_ =	swait.ge [sflag:s18], $0x4000  }
0x191: {  	[sflag:s18] =	ssyncset.done $0x0  }
0x192: {  	[sflag:s18] =	ssyncadd.s32 $0xFFFFC000  }
0x193: {  	[spmem:s2] =	stream.indirect.scatter.add.f32 [tilespmem:s15], [sflag:$0x4], $0x80, s22, s13, $0xb8;
	[tilespmem:$0x1E400] =	vst v63  }
0x194: {  	_ =	swait.ge [sflag:s19], $0x4000  }
0x195: {  	[sflag:s19] =	ssyncset.done $0x0  }
0x196: {  	[sflag:s19] =	ssyncadd.s32 $0xFFFFC000  }
0x197: {  	[tilespmem:s15], [sflag:$0x2] =	stream.indirect.gather [hbm4b:s4+s13], $0x80, s23, s13, $0xb8;
	[tilespmem:$0x1E400] =	vst v63  }
0x198: {  	_ =	swait.ge [sflag:s16], $0x4000  }
0x199: {  	[sflag:s16] =	ssyncset.done $0x0  }
0x19a: {  	[sflag:s16] =	ssyncadd.s32 $0xFFFFC000  }
0x19b: {  	[spmem:s2] =	stream.indirect.scatter.add.f32 [tilespmem:s14], [sflag:$0x3], $0x80, s24, s13, $0xb8;
	[tilespmem:$0x1E400] =	vst v63  }
0x19c: {  	_ =	swait.ge [sflag:s17], $0x4000  }
0x19d: {  	[sflag:s17] =	ssyncset.done $0x0  }
0x19e: {  	[sflag:s17] =	ssyncadd.s32 $0xFFFFC000  }
0x19f: {  	[tilespmem:s14], [sflag:$0x1] =	stream.indirect.gather [hbm4b:s4+s13], $0x80, s25, s13, $0xb8;
	[tilespmem:$0x1E400] =	vst v63  }
0x1a0: {  	_ =	swait.ge [sflag:s18], $0x4000  }
0x1a1: {  	[sflag:s18] =	ssyncset.done $0x0  }
0x1a2: {  	[sflag:s18] =	ssyncadd.s32 $0xFFFFC000  }
0x1a3: {  	[spmem:s2] =	stream.indirect.scatter.add.f32 [tilespmem:s15], [sflag:$0x4], $0x80, s26, s13, $0xb8;
	[tilespmem:$0x1E400] =	vst v63  }
0x1a4: {  	_ =	swait.ge [sflag:s19], $0x4000  }
0x1a5: {  	[sflag:s19] =	ssyncset.done $0x0  }
0x1a6: {  	[sflag:s19] =	ssyncadd.s32 $0xFFFFC000  }
0x1a7: {  	[tilespmem:s15], [sflag:$0x2] =	stream.indirect.gather [hbm4b:s4+s13], $0x80, s28, s13, $0xb8;
	[tilespmem:$0x1E400] =	vst v63  }
0x1a8: {  	_ =	swait.ge [sflag:s16], $0x4000  }
0x1a9: {  	[sflag:s16] =	ssyncset.done $0x0  }
0x1aa: {  	[sflag:s16] =	ssyncadd.s32 $0xFFFFC000  }
0x1ab: {  	[spmem:s2] =	stream.indirect.scatter.add.f32 [tilespmem:s14], [sflag:$0x3], $0x80, s29, s13, $0xb8;
	[tilespmem:$0x1E400] =	vst v63  }
0x1ac: {  	_ =	swait.ge [sflag:s17], $0x4000  }
0x1ad: {  	[sflag:s17] =	ssyncset.done $0x0  }
0x1ae: {  	[sflag:s17] =	ssyncadd.s32 $0xFFFFC000  }
0x1af: {  	[tilespmem:s14], [sflag:$0x1] =	stream.indirect.gather [hbm4b:s4+s13], $0x80, s30, s13, $0xb8;
	[tilespmem:$0x1E400] =	vst v63  }
0x1b0: {  	_ =	swait.ge [sflag:s18], $0x4000  }
0x1b1: {  	[sflag:s18] =	ssyncset.done $0x0  }
0x1b2: {  	[sflag:s18] =	ssyncadd.s32 $0xFFFFC000  }
0x1b3: {  	[spmem:s2] =	stream.indirect.scatter.add.f32 [tilespmem:s15], [sflag:$0x4], $0x80, s31, s13, $0xb8;
	[tilespmem:$0x1E400] =	vst v63  }
0x1b4: {  	_ =	swait.ge [sflag:s19], $0x4000  }
0x1b5: {  	[sflag:s19] =	ssyncset.done $0x0  }
0x1b6: {  	[sflag:s19] =	ssyncadd.s32 $0xFFFFC000  }
0x1b7: {  	[tilespmem:s15], [sflag:$0x2] =	stream.indirect.gather [hbm4b:s4+s13], $0x80, s1, s13, $0xb8;
	[tilespmem:$0x1E400] =	vst v63  }
0x1b8: {  	_ =	swait.ge [sflag:s16], $0x4000  }
0x1b9: {  	[sflag:s16] =	ssyncset.done $0x0  }
0x1ba: {  	[sflag:s16] =	ssyncadd.s32 $0xFFFFC000  }
0x1bb: {  	[spmem:s2] =	stream.indirect.scatter.add.f32 [tilespmem:s14], [sflag:$0x3], $0x80, s0, s13, $0xb8;
	[tilespmem:$0x1E400] =	vst v63  }
0x1bc: {  	_ =	swait.ge [sflag:s18], $0x4000  }
0x1bd: {  	[sflag:s18] =	ssyncset.done $0x0  }
0x1be: {  	[sflag:s18] =	ssyncadd.s32 $0xFFFFC000  }
0x1bf: {  	[spmem:s2] =	stream.indirect.scatter.add.f32 [tilespmem:s15], [sflag:$0x4], $0x80, s5, s13, $0xb8;
	[tilespmem:$0x1E400] =	vst v63  }
0x1c0: {  	_ =	swait.ge [sflag:s17], $0x4000  }
0x1c1: {  	[sflag:s17] =	ssyncset.done $0x0  }
0x1c2: {  	[sflag:s17] =	ssyncadd.s32 $0xFFFFC000  }
0x1c3: {  	s6 =	simm.s32 $0x500;
	_ =	swait.ge [sflag:s19], $0x4000  }
0x1c4: {  	s8 =	simm.s32 $0x280;
	s9 =	rddreg [dreg:$0x5];
	[sflag:s19] =	ssyncset.done $0x0  }
.LBB2_2:
0x1c5: {  	[sflag:s19] =	ssyncadd.s32 $0xFFFFC000;
	s9 =	sadd.s32 s8, s9  }
0x1c6: {  	[tilespmem:s11], [sflag:$0x5] =	stream.linear.gather [hbm4b:s9+s3], $0x1400, $0x38;
	[tilespmem:$0x1E400] =	vst v63  }
0x1c7: {  	_ =	swait.ge [sflag:s10], $0x1400  }
0x1c8: {  	s9 =	rddreg [dreg:$0x4];
	[sflag:s10] =	ssyncset.done $0x0  }
0x1c9: {  	[sflag:s10] =	ssyncadd.s32 $0xFFFFEC00;
	s9 =	sadd.s32 s8, s9  }
0x1ca: {  	[tilespmem:s12], [sflag:$0x5] =	stream.linear.gather [hbm4b:s9+s3], $0x1400, $0x38;
	[tilespmem:$0x1E400] =	vst v63  }
0x1cb: {  	_ =	swait.ge [sflag:s10], $0x1400  }
0x1cc: {  	[sflag:s10] =	ssyncset.done $0x0  }
0x1cd: {  	[sflag:s10] =	ssyncadd.s32 $0xFFFFEC00  }
0x1ce: {  	[tilespmem:s14], [sflag:$0x1] =	stream.indirect.gather [hbm4b:s4+s13], $0x80, s12, s13, $0xb8;
	[tilespmem:$0x1E400] =	vst v63  }
0x1cf: {  	s9 =	rddreg [dreg:$0x6]  }
0x1d0: {  	[tilespmem:s15], [sflag:$0x2] =	stream.indirect.gather [hbm4b:s4+s13], $0x80, s9, s13, $0xb8;
	[tilespmem:$0x1E400] =	vst v63  }
0x1d1: {  	_ =	swait.ge [sflag:s16], $0x4000  }
0x1d2: {  	[sflag:s16] =	ssyncset.done $0x0  }
0x1d3: {  	[sflag:s16] =	ssyncadd.s32 $0xFFFFC000  }
0x1d4: {  	[spmem:s2] =	stream.indirect.scatter.add.f32 [tilespmem:s14], [sflag:$0x3], $0x80, s11, s13, $0xb8;
	[tilespmem:$0x1E400] =	vst v63  }
0x1d5: {  	_ =	swait.ge [sflag:s17], $0x4000  }
0x1d6: {  	[sflag:s17] =	ssyncset.done $0x0  }
0x1d7: {  	s9 =	rddreg [dreg:$0x7];
	[sflag:s17] =	ssyncadd.s32 $0xFFFFC000  }
0x1d8: {  	[tilespmem:s14], [sflag:$0x1] =	stream.indirect.gather [hbm4b:s4+s13], $0x80, s9, s13, $0xb8;
	[tilespmem:$0x1E400] =	vst v63  }
0x1d9: {  	_ =	swait.ge [sflag:s18], $0x4000  }
0x1da: {  	[sflag:s18] =	ssyncset.done $0x0  }
0x1db: {  	s9 =	rddreg [dreg:$0x8];
	[sflag:s18] =	ssyncadd.s32 $0xFFFFC000  }
0x1dc: {  	[spmem:s2] =	stream.indirect.scatter.add.f32 [tilespmem:s15], [sflag:$0x4], $0x80, s9, s13, $0xb8;
	[tilespmem:$0x1E400] =	vst v63  }
0x1dd: {  	_ =	swait.ge [sflag:s19], $0x4000  }
0x1de: {  	[sflag:s19] =	ssyncset.done $0x0  }
0x1df: {  	s9 =	rddreg [dreg:$0x9];
	[sflag:s19] =	ssyncadd.s32 $0xFFFFC000  }
0x1e0: {  	[tilespmem:s15], [sflag:$0x2] =	stream.indirect.gather [hbm4b:s4+s13], $0x80, s9, s13, $0xb8;
	[tilespmem:$0x1E400] =	vst v63  }
0x1e1: {  	_ =	swait.ge [sflag:s16], $0x4000  }
0x1e2: {  	[sflag:s16] =	ssyncset.done $0x0  }
0x1e3: {  	s9 =	rddreg [dreg:$0xa];
	[sflag:s16] =	ssyncadd.s32 $0xFFFFC000  }
0x1e4: {  	[spmem:s2] =	stream.indirect.scatter.add.f32 [tilespmem:s14], [sflag:$0x3], $0x80, s9, s13, $0xb8;
	[tilespmem:$0x1E400] =	vst v63  }
0x1e5: {  	_ =	swait.ge [sflag:s17], $0x4000  }
0x1e6: {  	[sflag:s17] =	ssyncset.done $0x0  }
0x1e7: {  	s9 =	rddreg [dreg:$0xb];
	[sflag:s17] =	ssyncadd.s32 $0xFFFFC000  }
0x1e8: {  	[tilespmem:s14], [sflag:$0x1] =	stream.indirect.gather [hbm4b:s4+s13], $0x80, s9, s13, $0xb8;
	[tilespmem:$0x1E400] =	vst v63  }
0x1e9: {  	_ =	swait.ge [sflag:s18], $0x4000  }
0x1ea: {  	[sflag:s18] =	ssyncset.done $0x0  }
0x1eb: {  	s9 =	rddreg [dreg:$0xc];
	[sflag:s18] =	ssyncadd.s32 $0xFFFFC000  }
0x1ec: {  	[spmem:s2] =	stream.indirect.scatter.add.f32 [tilespmem:s15], [sflag:$0x4], $0x80, s9, s13, $0xb8;
	[tilespmem:$0x1E400] =	vst v63  }
0x1ed: {  	_ =	swait.ge [sflag:s19], $0x4000  }
0x1ee: {  	[sflag:s19] =	ssyncset.done $0x0  }
0x1ef: {  	s9 =	rddreg [dreg:$0xd];
	[sflag:s19] =	ssyncadd.s32 $0xFFFFC000  }
0x1f0: {  	[tilespmem:s15], [sflag:$0x2] =	stream.indirect.gather [hbm4b:s4+s13], $0x80, s9, s13, $0xb8;
	[tilespmem:$0x1E400] =	vst v63  }
0x1f1: {  	_ =	swait.ge [sflag:s16], $0x4000  }
0x1f2: {  	[sflag:s16] =	ssyncset.done $0x0  }
0x1f3: {  	s9 =	rddreg [dreg:$0xe];
	[sflag:s16] =	ssyncadd.s32 $0xFFFFC000  }
0x1f4: {  	[spmem:s2] =	stream.indirect.scatter.add.f32 [tilespmem:s14], [sflag:$0x3], $0x80, s9, s13, $0xb8;
	[tilespmem:$0x1E400] =	vst v63  }
0x1f5: {  	_ =	swait.ge [sflag:s17], $0x4000  }
0x1f6: {  	[sflag:s17] =	ssyncset.done $0x0  }
0x1f7: {  	s9 =	rddreg [dreg:$0xf];
	[sflag:s17] =	ssyncadd.s32 $0xFFFFC000  }
0x1f8: {  	[tilespmem:s14], [sflag:$0x1] =	stream.indirect.gather [hbm4b:s4+s13], $0x80, s9, s13, $0xb8;
	[tilespmem:$0x1E400] =	vst v63  }
0x1f9: {  	_ =	swait.ge [sflag:s18], $0x4000  }
0x1fa: {  	[sflag:s18] =	ssyncset.done $0x0  }
0x1fb: {  	s9 =	rddreg [dreg:$0x10];
	[sflag:s18] =	ssyncadd.s32 $0xFFFFC000  }
0x1fc: {  	[spmem:s2] =	stream.indirect.scatter.add.f32 [tilespmem:s15], [sflag:$0x4], $0x80, s9, s13, $0xb8;
	[tilespmem:$0x1E400] =	vst v63  }
0x1fd: {  	_ =	swait.ge [sflag:s19], $0x4000  }
0x1fe: {  	[sflag:s19] =	ssyncset.done $0x0  }
0x1ff: {  	s9 =	rddreg [dreg:$0x11];
	[sflag:s19] =	ssyncadd.s32 $0xFFFFC000  }
0x200: {  	[tilespmem:s15], [sflag:$0x2] =	stream.indirect.gather [hbm4b:s4+s13], $0x80, s9, s13, $0xb8;
	[tilespmem:$0x1E400] =	vst v63  }
0x201: {  	_ =	swait.ge [sflag:s16], $0x4000  }
0x202: {  	[sflag:s16] =	ssyncset.done $0x0  }
0x203: {  	s9 =	rddreg [dreg:$0x12];
	[sflag:s16] =	ssyncadd.s32 $0xFFFFC000  }
0x204: {  	[spmem:s2] =	stream.indirect.scatter.add.f32 [tilespmem:s14], [sflag:$0x3], $0x80, s9, s13, $0xb8;
	[tilespmem:$0x1E400] =	vst v63  }
0x205: {  	_ =	swait.ge [sflag:s17], $0x4000  }
0x206: {  	[sflag:s17] =	ssyncset.done $0x0  }
0x207: {  	s9 =	rddreg [dreg:$0x13];
	[sflag:s17] =	ssyncadd.s32 $0xFFFFC000  }
0x208: {  	[tilespmem:s14], [sflag:$0x1] =	stream.indirect.gather [hbm4b:s4+s13], $0x80, s9, s13, $0xb8;
	[tilespmem:$0x1E400] =	vst v63  }
0x209: {  	_ =	swait.ge [sflag:s18], $0x4000  }
0x20a: {  	[sflag:s18] =	ssyncset.done $0x0  }
0x20b: {  	s9 =	rddreg [dreg:$0x14];
	[sflag:s18] =	ssyncadd.s32 $0xFFFFC000  }
0x20c: {  	[spmem:s2] =	stream.indirect.scatter.add.f32 [tilespmem:s15], [sflag:$0x4], $0x80, s9, s13, $0xb8;
	[tilespmem:$0x1E400] =	vst v63  }
0x20d: {  	_ =	swait.ge [sflag:s19], $0x4000  }
0x20e: {  	[sflag:s19] =	ssyncset.done $0x0  }
0x20f: {  	s9 =	rddreg [dreg:$0x15];
	[sflag:s19] =	ssyncadd.s32 $0xFFFFC000  }
0x210: {  	[tilespmem:s15], [sflag:$0x2] =	stream.indirect.gather [hbm4b:s4+s13], $0x80, s9, s13, $0xb8;
	[tilespmem:$0x1E400] =	vst v63  }
0x211: {  	_ =	swait.ge [sflag:s16], $0x4000  }
0x212: {  	[sflag:s16] =	ssyncset.done $0x0  }
0x213: {  	s9 =	rddreg [dreg:$0x16];
	[sflag:s16] =	ssyncadd.s32 $0xFFFFC000  }
0x214: {  	[spmem:s2] =	stream.indirect.scatter.add.f32 [tilespmem:s14], [sflag:$0x3], $0x80, s9, s13, $0xb8;
	[tilespmem:$0x1E400] =	vst v63  }
0x215: {  	_ =	swait.ge [sflag:s17], $0x4000  }
0x216: {  	[sflag:s17] =	ssyncset.done $0x0  }
0x217: {  	s9 =	rddreg [dreg:$0x17];
	[sflag:s17] =	ssyncadd.s32 $0xFFFFC000  }
0x218: {  	[tilespmem:s14], [sflag:$0x1] =	stream.indirect.gather [hbm4b:s4+s13], $0x80, s9, s13, $0xb8;
	[tilespmem:$0x1E400] =	vst v63  }
0x219: {  	_ =	swait.ge [sflag:s18], $0x4000  }
0x21a: {  	[sflag:s18] =	ssyncset.done $0x0  }
0x21b: {  	s9 =	rddreg [dreg:$0x18];
	[sflag:s18] =	ssyncadd.s32 $0xFFFFC000  }
0x21c: {  	[spmem:s2] =	stream.indirect.scatter.add.f32 [tilespmem:s15], [sflag:$0x4], $0x80, s9, s13, $0xb8;
	[tilespmem:$0x1E400] =	vst v63  }
0x21d: {  	_ =	swait.ge [sflag:s19], $0x4000  }
0x21e: {  	[sflag:s19] =	ssyncset.done $0x0  }
0x21f: {  	s9 =	rddreg [dreg:$0x19];
	[sflag:s19] =	ssyncadd.s32 $0xFFFFC000  }
0x220: {  	[tilespmem:s15], [sflag:$0x2] =	stream.indirect.gather [hbm4b:s4+s13], $0x80, s9, s13, $0xb8;
	[tilespmem:$0x1E400] =	vst v63  }
0x221: {  	_ =	swait.ge [sflag:s16], $0x4000  }
0x222: {  	[sflag:s16] =	ssyncset.done $0x0  }
0x223: {  	s9 =	rddreg [dreg:$0x1a];
	[sflag:s16] =	ssyncadd.s32 $0xFFFFC000  }
0x224: {  	[spmem:s2] =	stream.indirect.scatter.add.f32 [tilespmem:s14], [sflag:$0x3], $0x80, s9, s13, $0xb8;
	[tilespmem:$0x1E400] =	vst v63  }
0x225: {  	_ =	swait.ge [sflag:s17], $0x4000  }
0x226: {  	[sflag:s17] =	ssyncset.done $0x0  }
0x227: {  	s9 =	rddreg [dreg:$0x1b];
	[sflag:s17] =	ssyncadd.s32 $0xFFFFC000  }
0x228: {  	[tilespmem:s14], [sflag:$0x1] =	stream.indirect.gather [hbm4b:s4+s13], $0x80, s9, s13, $0xb8;
	[tilespmem:$0x1E400] =	vst v63  }
0x229: {  	_ =	swait.ge [sflag:s18], $0x4000  }
0x22a: {  	[sflag:s18] =	ssyncset.done $0x0  }
0x22b: {  	s9 =	rddreg [dreg:$0x1c];
	[sflag:s18] =	ssyncadd.s32 $0xFFFFC000  }
0x22c: {  	[spmem:s2] =	stream.indirect.scatter.add.f32 [tilespmem:s15], [sflag:$0x4], $0x80, s9, s13, $0xb8;
	[tilespmem:$0x1E400] =	vst v63  }
0x22d: {  	_ =	swait.ge [sflag:s19], $0x4000  }
0x22e: {  	[sflag:s19] =	ssyncset.done $0x0  }
0x22f: {  	s9 =	rddreg [dreg:$0x1d];
	[sflag:s19] =	ssyncadd.s32 $0xFFFFC000  }
0x230: {  	[tilespmem:s15], [sflag:$0x2] =	stream.indirect.gather [hbm4b:s4+s13], $0x80, s9, s13, $0xb8;
	[tilespmem:$0x1E400] =	vst v63  }
0x231: {  	_ =	swait.ge [sflag:s16], $0x4000  }
0x232: {  	[sflag:s16] =	ssyncset.done $0x0  }
0x233: {  	s9 =	rddreg [dreg:$0x1e];
	[sflag:s16] =	ssyncadd.s32 $0xFFFFC000  }
0x234: {  	[spmem:s2] =	stream.indirect.scatter.add.f32 [tilespmem:s14], [sflag:$0x3], $0x80, s9, s13, $0xb8;
	[tilespmem:$0x1E400] =	vst v63  }
0x235: {  	_ =	swait.ge [sflag:s17], $0x4000  }
0x236: {  	[sflag:s17] =	ssyncset.done $0x0  }
0x237: {  	s9 =	rddreg [dreg:$0x1f];
	[sflag:s17] =	ssyncadd.s32 $0xFFFFC000  }
0x238: {  	[tilespmem:s14], [sflag:$0x1] =	stream.indirect.gather [hbm4b:s4+s13], $0x80, s9, s13, $0xb8;
	[tilespmem:$0x1E400] =	vst v63  }
0x239: {  	_ =	swait.ge [sflag:s18], $0x4000  }
0x23a: {  	s9 =	sld [smem:$0x7D3]  }
0x23b: {  	[sflag:s18] =	ssyncset.done $0x0  }
0x23c: {  	[sflag:s18] =	ssyncadd.s32 $0xFFFFC000  }
0x23d: {  	[spmem:s2] =	stream.indirect.scatter.add.f32 [tilespmem:s15], [sflag:$0x4], $0x80, s9, s13, $0xb8;
	[tilespmem:$0x1E400] =	vst v63  }
0x23e: {  	_ =	swait.ge [sflag:s19], $0x4000  }
0x23f: {  	s9 =	sld [smem:$0x7D4]  }
0x240: {  	[sflag:s19] =	ssyncset.done $0x0  }
0x241: {  	[sflag:s19] =	ssyncadd.s32 $0xFFFFC000  }
0x242: {  	[tilespmem:s15], [sflag:$0x2] =	stream.indirect.gather [hbm4b:s4+s13], $0x80, s9, s13, $0xb8;
	[tilespmem:$0x1E400] =	vst v63  }
0x243: {  	_ =	swait.ge [sflag:s16], $0x4000  }
0x244: {  	s9 =	sld [smem:$0x7D5]  }
0x245: {  	[sflag:s16] =	ssyncset.done $0x0  }
0x246: {  	[sflag:s16] =	ssyncadd.s32 $0xFFFFC000  }
0x247: {  	[spmem:s2] =	stream.indirect.scatter.add.f32 [tilespmem:s14], [sflag:$0x3], $0x80, s9, s13, $0xb8;
	[tilespmem:$0x1E400] =	vst v63  }
0x248: {  	_ =	swait.ge [sflag:s17], $0x4000  }
0x249: {  	s9 =	sld [smem:$0x7D6]  }
0x24a: {  	[sflag:s17] =	ssyncset.done $0x0  }
0x24b: {  	[sflag:s17] =	ssyncadd.s32 $0xFFFFC000  }
0x24c: {  	[tilespmem:s14], [sflag:$0x1] =	stream.indirect.gather [hbm4b:s4+s13], $0x80, s9, s13, $0xb8;
	[tilespmem:$0x1E400] =	vst v63  }
0x24d: {  	_ =	swait.ge [sflag:s18], $0x4000  }
0x24e: {  	s9 =	sld [smem:$0x7D7]  }
0x24f: {  	[sflag:s18] =	ssyncset.done $0x0  }
0x250: {  	[sflag:s18] =	ssyncadd.s32 $0xFFFFC000  }
0x251: {  	[spmem:s2] =	stream.indirect.scatter.add.f32 [tilespmem:s15], [sflag:$0x4], $0x80, s9, s13, $0xb8;
	[tilespmem:$0x1E400] =	vst v63  }
0x252: {  	_ =	swait.ge [sflag:s19], $0x4000  }
0x253: {  	s9 =	sld [smem:$0x7D8]  }
0x254: {  	[sflag:s19] =	ssyncset.done $0x0  }
0x255: {  	[sflag:s19] =	ssyncadd.s32 $0xFFFFC000  }
0x256: {  	[tilespmem:s15], [sflag:$0x2] =	stream.indirect.gather [hbm4b:s4+s13], $0x80, s9, s13, $0xb8;
	[tilespmem:$0x1E400] =	vst v63  }
0x257: {  	_ =	swait.ge [sflag:s16], $0x4000  }
0x258: {  	s9 =	sld [smem:$0x7D9]  }
0x259: {  	[sflag:s16] =	ssyncset.done $0x0  }
0x25a: {  	[sflag:s16] =	ssyncadd.s32 $0xFFFFC000  }
0x25b: {  	[spmem:s2] =	stream.indirect.scatter.add.f32 [tilespmem:s14], [sflag:$0x3], $0x80, s9, s13, $0xb8;
	[tilespmem:$0x1E400] =	vst v63  }
0x25c: {  	_ =	swait.ge [sflag:s17], $0x4000  }
0x25d: {  	s9 =	sld [smem:$0x7DA]  }
0x25e: {  	[sflag:s17] =	ssyncset.done $0x0  }
0x25f: {  	[sflag:s17] =	ssyncadd.s32 $0xFFFFC000  }
0x260: {  	[tilespmem:s14], [sflag:$0x1] =	stream.indirect.gather [hbm4b:s4+s13], $0x80, s9, s13, $0xb8;
	[tilespmem:$0x1E400] =	vst v63  }
0x261: {  	_ =	swait.ge [sflag:s18], $0x4000  }
0x262: {  	s9 =	sld [smem:$0x7DB]  }
0x263: {  	[sflag:s18] =	ssyncset.done $0x0  }
0x264: {  	[sflag:s18] =	ssyncadd.s32 $0xFFFFC000  }
0x265: {  	[spmem:s2] =	stream.indirect.scatter.add.f32 [tilespmem:s15], [sflag:$0x4], $0x80, s9, s13, $0xb8;
	[tilespmem:$0x1E400] =	vst v63  }
0x266: {  	_ =	swait.ge [sflag:s19], $0x4000  }
0x267: {  	s9 =	sld [smem:$0x7DC]  }
0x268: {  	[sflag:s19] =	ssyncset.done $0x0  }
0x269: {  	[sflag:s19] =	ssyncadd.s32 $0xFFFFC000  }
0x26a: {  	[tilespmem:s15], [sflag:$0x2] =	stream.indirect.gather [hbm4b:s4+s13], $0x80, s9, s13, $0xb8;
	[tilespmem:$0x1E400] =	vst v63  }
0x26b: {  	_ =	swait.ge [sflag:s16], $0x4000  }
0x26c: {  	s9 =	sld [smem:$0x7DD]  }
0x26d: {  	[sflag:s16] =	ssyncset.done $0x0  }
0x26e: {  	[sflag:s16] =	ssyncadd.s32 $0xFFFFC000  }
0x26f: {  	[spmem:s2] =	stream.indirect.scatter.add.f32 [tilespmem:s14], [sflag:$0x3], $0x80, s9, s13, $0xb8;
	[tilespmem:$0x1E400] =	vst v63  }
0x270: {  	_ =	swait.ge [sflag:s17], $0x4000  }
0x271: {  	s9 =	sld [smem:$0x7DE]  }
0x272: {  	[sflag:s17] =	ssyncset.done $0x0  }
0x273: {  	[sflag:s17] =	ssyncadd.s32 $0xFFFFC000  }
0x274: {  	[tilespmem:s14], [sflag:$0x1] =	stream.indirect.gather [hbm4b:s4+s13], $0x80, s9, s13, $0xb8;
	[tilespmem:$0x1E400] =	vst v63  }
0x275: {  	_ =	swait.ge [sflag:s18], $0x4000  }
0x276: {  	s9 =	sld [smem:$0x7DF]  }
0x277: {  	[sflag:s18] =	ssyncset.done $0x0  }
0x278: {  	[sflag:s18] =	ssyncadd.s32 $0xFFFFC000  }
0x279: {  	[spmem:s2] =	stream.indirect.scatter.add.f32 [tilespmem:s15], [sflag:$0x4], $0x80, s9, s13, $0xb8;
	[tilespmem:$0x1E400] =	vst v63  }
0x27a: {  	_ =	swait.ge [sflag:s19], $0x4000  }
0x27b: {  	s9 =	sld [smem:$0x7E0]  }
0x27c: {  	[sflag:s19] =	ssyncset.done $0x0  }
0x27d: {  	[sflag:s19] =	ssyncadd.s32 $0xFFFFC000  }
0x27e: {  	[tilespmem:s15], [sflag:$0x2] =	stream.indirect.gather [hbm4b:s4+s13], $0x80, s9, s13, $0xb8;
	[tilespmem:$0x1E400] =	vst v63  }
0x27f: {  	_ =	swait.ge [sflag:s16], $0x4000  }
0x280: {  	s9 =	sld [smem:$0x7E1]  }
0x281: {  	[sflag:s16] =	ssyncset.done $0x0  }
0x282: {  	[sflag:s16] =	ssyncadd.s32 $0xFFFFC000  }
0x283: {  	[spmem:s2] =	stream.indirect.scatter.add.f32 [tilespmem:s14], [sflag:$0x3], $0x80, s9, s13, $0xb8;
	[tilespmem:$0x1E400] =	vst v63  }
0x284: {  	_ =	swait.ge [sflag:s17], $0x4000  }
0x285: {  	s9 =	sld [smem:$0x7E2]  }
0x286: {  	[sflag:s17] =	ssyncset.done $0x0  }
0x287: {  	[sflag:s17] =	ssyncadd.s32 $0xFFFFC000  }
0x288: {  	[tilespmem:s14], [sflag:$0x1] =	stream.indirect.gather [hbm4b:s4+s13], $0x80, s9, s13, $0xb8;
	[tilespmem:$0x1E400] =	vst v63  }
0x289: {  	_ =	swait.ge [sflag:s18], $0x4000  }
0x28a: {  	s9 =	sld [smem:$0x7E3]  }
0x28b: {  	[sflag:s18] =	ssyncset.done $0x0  }
0x28c: {  	[sflag:s18] =	ssyncadd.s32 $0xFFFFC000  }
0x28d: {  	[spmem:s2] =	stream.indirect.scatter.add.f32 [tilespmem:s15], [sflag:$0x4], $0x80, s9, s13, $0xb8;
	[tilespmem:$0x1E400] =	vst v63  }
0x28e: {  	_ =	swait.ge [sflag:s19], $0x4000  }
0x28f: {  	s9 =	sld [smem:$0x7E4]  }
0x290: {  	[sflag:s19] =	ssyncset.done $0x0  }
0x291: {  	[sflag:s19] =	ssyncadd.s32 $0xFFFFC000  }
0x292: {  	[tilespmem:s15], [sflag:$0x2] =	stream.indirect.gather [hbm4b:s4+s13], $0x80, s9, s13, $0xb8;
	[tilespmem:$0x1E400] =	vst v63  }
0x293: {  	_ =	swait.ge [sflag:s16], $0x4000  }
0x294: {  	s9 =	sld [smem:$0x7E5]  }
0x295: {  	[sflag:s16] =	ssyncset.done $0x0  }
0x296: {  	[sflag:s16] =	ssyncadd.s32 $0xFFFFC000  }
0x297: {  	[spmem:s2] =	stream.indirect.scatter.add.f32 [tilespmem:s14], [sflag:$0x3], $0x80, s9, s13, $0xb8;
	[tilespmem:$0x1E400] =	vst v63  }
0x298: {  	_ =	swait.ge [sflag:s17], $0x4000  }
0x299: {  	s9 =	sld [smem:$0x7E6]  }
0x29a: {  	[sflag:s17] =	ssyncset.done $0x0  }
0x29b: {  	[sflag:s17] =	ssyncadd.s32 $0xFFFFC000  }
0x29c: {  	[tilespmem:s14], [sflag:$0x1] =	stream.indirect.gather [hbm4b:s4+s13], $0x80, s9, s13, $0xb8;
	[tilespmem:$0x1E400] =	vst v63  }
0x29d: {  	_ =	swait.ge [sflag:s18], $0x4000  }
0x29e: {  	s9 =	sld [smem:$0x7E7]  }
0x29f: {  	[sflag:s18] =	ssyncset.done $0x0  }
0x2a0: {  	[sflag:s18] =	ssyncadd.s32 $0xFFFFC000  }
0x2a1: {  	[spmem:s2] =	stream.indirect.scatter.add.f32 [tilespmem:s15], [sflag:$0x4], $0x80, s9, s13, $0xb8;
	[tilespmem:$0x1E400] =	vst v63  }
0x2a2: {  	_ =	swait.ge [sflag:s19], $0x4000  }
0x2a3: {  	s9 =	sld [smem:$0x7E8]  }
0x2a4: {  	[sflag:s19] =	ssyncset.done $0x0  }
0x2a5: {  	[sflag:s19] =	ssyncadd.s32 $0xFFFFC000  }
0x2a6: {  	[tilespmem:s15], [sflag:$0x2] =	stream.indirect.gather [hbm4b:s4+s13], $0x80, s9, s13, $0xb8;
	[tilespmem:$0x1E400] =	vst v63  }
0x2a7: {  	_ =	swait.ge [sflag:s16], $0x4000  }
0x2a8: {  	s9 =	sld [smem:$0x7E9]  }
0x2a9: {  	[sflag:s16] =	ssyncset.done $0x0  }
0x2aa: {  	[sflag:s16] =	ssyncadd.s32 $0xFFFFC000  }
0x2ab: {  	[spmem:s2] =	stream.indirect.scatter.add.f32 [tilespmem:s14], [sflag:$0x3], $0x80, s9, s13, $0xb8;
	[tilespmem:$0x1E400] =	vst v63  }
0x2ac: {  	_ =	swait.ge [sflag:s17], $0x4000  }
0x2ad: {  	s9 =	sld [smem:$0x7EB]  }
0x2ae: {  	[sflag:s17] =	ssyncset.done $0x0  }
0x2af: {  	[sflag:s17] =	ssyncadd.s32 $0xFFFFC000  }
0x2b0: {  	[tilespmem:s14], [sflag:$0x1] =	stream.indirect.gather [hbm4b:s4+s13], $0x80, s9, s13, $0xb8;
	[tilespmem:$0x1E400] =	vst v63  }
0x2b1: {  	_ =	swait.ge [sflag:s18], $0x4000  }
0x2b2: {  	s9 =	sld [smem:$0x7EC]  }
0x2b3: {  	[sflag:s18] =	ssyncset.done $0x0  }
0x2b4: {  	[sflag:s18] =	ssyncadd.s32 $0xFFFFC000  }
0x2b5: {  	[spmem:s2] =	stream.indirect.scatter.add.f32 [tilespmem:s15], [sflag:$0x4], $0x80, s9, s13, $0xb8;
	[tilespmem:$0x1E400] =	vst v63  }
0x2b6: {  	_ =	swait.ge [sflag:s19], $0x4000  }
0x2b7: {  	s9 =	sld [smem:$0x7ED]  }
0x2b8: {  	[sflag:s19] =	ssyncset.done $0x0  }
0x2b9: {  	[sflag:s19] =	ssyncadd.s32 $0xFFFFC000  }
0x2ba: {  	[tilespmem:s15], [sflag:$0x2] =	stream.indirect.gather [hbm4b:s4+s13], $0x80, s9, s13, $0xb8;
	[tilespmem:$0x1E400] =	vst v63  }
0x2bb: {  	_ =	swait.ge [sflag:s16], $0x4000  }
0x2bc: {  	s9 =	sld [smem:$0x7EF]  }
0x2bd: {  	[sflag:s16] =	ssyncset.done $0x0  }
0x2be: {  	[sflag:s16] =	ssyncadd.s32 $0xFFFFC000  }
0x2bf: {  	[spmem:s2] =	stream.indirect.scatter.add.f32 [tilespmem:s14], [sflag:$0x3], $0x80, s9, s13, $0xb8;
	[tilespmem:$0x1E400] =	vst v63  }
0x2c0: {  	_ =	swait.ge [sflag:s17], $0x4000  }
0x2c1: {  	s9 =	sld [smem:$0x7F1]  }
0x2c2: {  	[sflag:s17] =	ssyncset.done $0x0  }
0x2c3: {  	[sflag:s17] =	ssyncadd.s32 $0xFFFFC000  }
0x2c4: {  	[tilespmem:s14], [sflag:$0x1] =	stream.indirect.gather [hbm4b:s4+s13], $0x80, s9, s13, $0xb8;
	[tilespmem:$0x1E400] =	vst v63  }
0x2c5: {  	_ =	swait.ge [sflag:s18], $0x4000  }
0x2c6: {  	s9 =	sld [smem:$0x7F2]  }
0x2c7: {  	[sflag:s18] =	ssyncset.done $0x0  }
0x2c8: {  	[sflag:s18] =	ssyncadd.s32 $0xFFFFC000  }
0x2c9: {  	[spmem:s2] =	stream.indirect.scatter.add.f32 [tilespmem:s15], [sflag:$0x4], $0x80, s9, s13, $0xb8;
	[tilespmem:$0x1E400] =	vst v63  }
0x2ca: {  	_ =	swait.ge [sflag:s19], $0x4000  }
0x2cb: {  	s9 =	sld [smem:$0x7F3]  }
0x2cc: {  	[sflag:s19] =	ssyncset.done $0x0  }
0x2cd: {  	[sflag:s19] =	ssyncadd.s32 $0xFFFFC000  }
0x2ce: {  	[tilespmem:s15], [sflag:$0x2] =	stream.indirect.gather [hbm4b:s4+s13], $0x80, s9, s13, $0xb8;
	[tilespmem:$0x1E400] =	vst v63  }
0x2cf: {  	_ =	swait.ge [sflag:s16], $0x4000  }
0x2d0: {  	s9 =	sld [smem:$0x7F4]  }
0x2d1: {  	[sflag:s16] =	ssyncset.done $0x0  }
0x2d2: {  	[sflag:s16] =	ssyncadd.s32 $0xFFFFC000  }
0x2d3: {  	[spmem:s2] =	stream.indirect.scatter.add.f32 [tilespmem:s14], [sflag:$0x3], $0x80, s9, s13, $0xb8;
	[tilespmem:$0x1E400] =	vst v63  }
0x2d4: {  	_ =	swait.ge [sflag:s17], $0x4000  }
0x2d5: {  	s9 =	sld [smem:$0x7F5]  }
0x2d6: {  	[sflag:s17] =	ssyncset.done $0x0  }
0x2d7: {  	[sflag:s17] =	ssyncadd.s32 $0xFFFFC000  }
0x2d8: {  	[tilespmem:s14], [sflag:$0x1] =	stream.indirect.gather [hbm4b:s4+s13], $0x80, s9, s13, $0xb8;
	[tilespmem:$0x1E400] =	vst v63  }
0x2d9: {  	_ =	swait.ge [sflag:s18], $0x4000  }
0x2da: {  	s9 =	sld [smem:$0x7F6]  }
0x2db: {  	[sflag:s18] =	ssyncset.done $0x0  }
0x2dc: {  	[sflag:s18] =	ssyncadd.s32 $0xFFFFC000  }
0x2dd: {  	[spmem:s2] =	stream.indirect.scatter.add.f32 [tilespmem:s15], [sflag:$0x4], $0x80, s9, s13, $0xb8;
	[tilespmem:$0x1E400] =	vst v63  }
0x2de: {  	_ =	swait.ge [sflag:s19], $0x4000  }
0x2df: {  	s9 =	sld [smem:$0x7F7]  }
0x2e0: {  	[sflag:s19] =	ssyncset.done $0x0  }
0x2e1: {  	[sflag:s19] =	ssyncadd.s32 $0xFFFFC000  }
0x2e2: {  	[tilespmem:s15], [sflag:$0x2] =	stream.indirect.gather [hbm4b:s4+s13], $0x80, s9, s13, $0xb8;
	[tilespmem:$0x1E400] =	vst v63  }
0x2e3: {  	_ =	swait.ge [sflag:s16], $0x4000  }
0x2e4: {  	s9 =	sld [smem:$0x7F8]  }
0x2e5: {  	[sflag:s16] =	ssyncset.done $0x0  }
0x2e6: {  	[sflag:s16] =	ssyncadd.s32 $0xFFFFC000  }
0x2e7: {  	[spmem:s2] =	stream.indirect.scatter.add.f32 [tilespmem:s14], [sflag:$0x3], $0x80, s9, s13, $0xb8;
	[tilespmem:$0x1E400] =	vst v63  }
0x2e8: {  	_ =	swait.ge [sflag:s17], $0x4000  }
0x2e9: {  	s9 =	sld [smem:$0x7F9]  }
0x2ea: {  	[sflag:s17] =	ssyncset.done $0x0  }
0x2eb: {  	[sflag:s17] =	ssyncadd.s32 $0xFFFFC000  }
0x2ec: {  	[tilespmem:s14], [sflag:$0x1] =	stream.indirect.gather [hbm4b:s4+s13], $0x80, s9, s13, $0xb8;
	[tilespmem:$0x1E400] =	vst v63  }
0x2ed: {  	_ =	swait.ge [sflag:s18], $0x4000  }
0x2ee: {  	s9 =	sld [smem:$0x7FA]  }
0x2ef: {  	[sflag:s18] =	ssyncset.done $0x0  }
0x2f0: {  	[sflag:s18] =	ssyncadd.s32 $0xFFFFC000  }
0x2f1: {  	[spmem:s2] =	stream.indirect.scatter.add.f32 [tilespmem:s15], [sflag:$0x4], $0x80, s9, s13, $0xb8;
	[tilespmem:$0x1E400] =	vst v63  }
0x2f2: {  	_ =	swait.ge [sflag:s19], $0x4000  }
0x2f3: {  	s9 =	sld [smem:$0x7FB]  }
0x2f4: {  	[sflag:s19] =	ssyncset.done $0x0  }
0x2f5: {  	[sflag:s19] =	ssyncadd.s32 $0xFFFFC000  }
0x2f6: {  	[tilespmem:s15], [sflag:$0x2] =	stream.indirect.gather [hbm4b:s4+s13], $0x80, s9, s13, $0xb8;
	[tilespmem:$0x1E400] =	vst v63  }
0x2f7: {  	_ =	swait.ge [sflag:s16], $0x4000  }
0x2f8: {  	[sflag:s16] =	ssyncset.done $0x0  }
0x2f9: {  	[sflag:s16] =	ssyncadd.s32 $0xFFFFC000  }
0x2fa: {  	[spmem:s2] =	stream.indirect.scatter.add.f32 [tilespmem:s14], [sflag:$0x3], $0x80, s20, s13, $0xb8;
	[tilespmem:$0x1E400] =	vst v63  }
0x2fb: {  	_ =	swait.ge [sflag:s17], $0x4000  }
0x2fc: {  	[sflag:s17] =	ssyncset.done $0x0  }
0x2fd: {  	[sflag:s17] =	ssyncadd.s32 $0xFFFFC000  }
0x2fe: {  	[tilespmem:s14], [sflag:$0x1] =	stream.indirect.gather [hbm4b:s4+s13], $0x80, s21, s13, $0xb8;
	[tilespmem:$0x1E400] =	vst v63  }
0x2ff: {  	_ =	swait.ge [sflag:s18], $0x4000  }
0x300: {  	[sflag:s18] =	ssyncset.done $0x0  }
0x301: {  	[sflag:s18] =	ssyncadd.s32 $0xFFFFC000  }
0x302: {  	[spmem:s2] =	stream.indirect.scatter.add.f32 [tilespmem:s15], [sflag:$0x4], $0x80, s22, s13, $0xb8;
	[tilespmem:$0x1E400] =	vst v63  }
0x303: {  	_ =	swait.ge [sflag:s19], $0x4000  }
0x304: {  	[sflag:s19] =	ssyncset.done $0x0  }
0x305: {  	[sflag:s19] =	ssyncadd.s32 $0xFFFFC000  }
0x306: {  	[tilespmem:s15], [sflag:$0x2] =	stream.indirect.gather [hbm4b:s4+s13], $0x80, s23, s13, $0xb8;
	[tilespmem:$0x1E400] =	vst v63  }
0x307: {  	_ =	swait.ge [sflag:s16], $0x4000  }
0x308: {  	[sflag:s16] =	ssyncset.done $0x0  }
0x309: {  	[sflag:s16] =	ssyncadd.s32 $0xFFFFC000  }
0x30a: {  	[spmem:s2] =	stream.indirect.scatter.add.f32 [tilespmem:s14], [sflag:$0x3], $0x80, s24, s13, $0xb8;
	[tilespmem:$0x1E400] =	vst v63  }
0x30b: {  	_ =	swait.ge [sflag:s17], $0x4000  }
0x30c: {  	[sflag:s17] =	ssyncset.done $0x0  }
0x30d: {  	[sflag:s17] =	ssyncadd.s32 $0xFFFFC000  }
0x30e: {  	[tilespmem:s14], [sflag:$0x1] =	stream.indirect.gather [hbm4b:s4+s13], $0x80, s25, s13, $0xb8;
	[tilespmem:$0x1E400] =	vst v63  }
0x30f: {  	_ =	swait.ge [sflag:s18], $0x4000  }
0x310: {  	[sflag:s18] =	ssyncset.done $0x0  }
0x311: {  	[sflag:s18] =	ssyncadd.s32 $0xFFFFC000  }
0x312: {  	[spmem:s2] =	stream.indirect.scatter.add.f32 [tilespmem:s15], [sflag:$0x4], $0x80, s26, s13, $0xb8;
	[tilespmem:$0x1E400] =	vst v63  }
0x313: {  	_ =	swait.ge [sflag:s19], $0x4000  }
0x314: {  	[sflag:s19] =	ssyncset.done $0x0  }
0x315: {  	[sflag:s19] =	ssyncadd.s32 $0xFFFFC000  }
0x316: {  	[tilespmem:s15], [sflag:$0x2] =	stream.indirect.gather [hbm4b:s4+s13], $0x80, s28, s13, $0xb8;
	[tilespmem:$0x1E400] =	vst v63  }
0x317: {  	_ =	swait.ge [sflag:s16], $0x4000  }
0x318: {  	[sflag:s16] =	ssyncset.done $0x0  }
0x319: {  	[sflag:s16] =	ssyncadd.s32 $0xFFFFC000  }
0x31a: {  	[spmem:s2] =	stream.indirect.scatter.add.f32 [tilespmem:s14], [sflag:$0x3], $0x80, s29, s13, $0xb8;
	[tilespmem:$0x1E400] =	vst v63  }
0x31b: {  	_ =	swait.ge [sflag:s17], $0x4000  }
0x31c: {  	[sflag:s17] =	ssyncset.done $0x0  }
0x31d: {  	[sflag:s17] =	ssyncadd.s32 $0xFFFFC000  }
0x31e: {  	[tilespmem:s14], [sflag:$0x1] =	stream.indirect.gather [hbm4b:s4+s13], $0x80, s30, s13, $0xb8;
	[tilespmem:$0x1E400] =	vst v63  }
0x31f: {  	_ =	swait.ge [sflag:s18], $0x4000  }
0x320: {  	[sflag:s18] =	ssyncset.done $0x0  }
0x321: {  	[sflag:s18] =	ssyncadd.s32 $0xFFFFC000  }
0x322: {  	[spmem:s2] =	stream.indirect.scatter.add.f32 [tilespmem:s15], [sflag:$0x4], $0x80, s31, s13, $0xb8;
	[tilespmem:$0x1E400] =	vst v63  }
0x323: {  	_ =	swait.ge [sflag:s19], $0x4000  }
0x324: {  	[sflag:s19] =	ssyncset.done $0x0  }
0x325: {  	[sflag:s19] =	ssyncadd.s32 $0xFFFFC000  }
0x326: {  	[tilespmem:s15], [sflag:$0x2] =	stream.indirect.gather [hbm4b:s4+s13], $0x80, s1, s13, $0xb8;
	[tilespmem:$0x1E400] =	vst v63  }
0x327: {  	_ =	swait.ge [sflag:s16], $0x4000  }
0x328: {  	[sflag:s16] =	ssyncset.done $0x0  }
0x329: {  	[sflag:s16] =	ssyncadd.s32 $0xFFFFC000  }
0x32a: {  	[spmem:s2] =	stream.indirect.scatter.add.f32 [tilespmem:s14], [sflag:$0x3], $0x80, s0, s13, $0xb8;
	[tilespmem:$0x1E400] =	vst v63  }
0x32b: {  	_ =	swait.ge [sflag:s18], $0x4000  }
0x32c: {  	[sflag:s18] =	ssyncset.done $0x0  }
0x32d: {  	p0 =	sne.s32 s6, $0x780;
	[sflag:s18] =	ssyncadd.s32 $0xFFFFC000  }
0x32e: {  	[spmem:s2] =	stream.indirect.scatter.add.f32 [tilespmem:s15], [sflag:$0x4], $0x80, s5, s13, $0xb8;
	[tilespmem:$0x1E400] =	vst v63  }
.Ltmp0:
0x32f: {  	_ =	swait.ge [sflag:s17], $0x4000;
	(pc) =	sbr.rel @p0 .LBB2_2-.Ltmp0, $4  }
0x330: {  	[sflag:s17] =	ssyncset.done $0x0  }
0x331: {  	[sflag:s17] =	ssyncadd.s32 $0xFFFFC000  }
0x332: {  	s7 =	smov.u32 s6;
	s6 =	sadd.s32 $0x280, s6;
	_ =	swait.ge [sflag:s19], $0x4000  }
0x333: {  	s8 =	smov.u32 s7;
	s9 =	rddreg [dreg:$0x5];
	[sflag:s19] =	ssyncset.done $0x0  }
0x334: {  	[sflag:s19] =	ssyncadd.s32 $0xFFFFC000;
	s6 =	sadd.s32 s8, s9  }
0x335: {  	[tilespmem:s11], [sflag:$0x5] =	stream.linear.gather [hbm4b:s6+s3], $0x1400, $0x38;
	[tilespmem:$0x1E400] =	vst v63  }
0x336: {  	_ =	swait.ge [sflag:s10], $0x1400  }
0x337: {  	s7 =	rddreg [dreg:$0x4];
	[sflag:s10] =	ssyncset.done $0x0  }
0x338: {  	s6 =	sadd.s32 s8, s7;
	[sflag:s10] =	ssyncadd.s32 $0xFFFFEC00  }
0x339: {  	[tilespmem:s12], [sflag:$0x5] =	stream.linear.gather [hbm4b:s6+s3], $0x1400, $0x38;
	[tilespmem:$0x1E400] =	vst v63  }
0x33a: {  	_ =	swait.ge [sflag:s10], $0x1400  }
0x33b: {  	[sflag:s10] =	ssyncset.done $0x0  }
0x33c: {  	[sflag:s10] =	ssyncadd.s32 $0xFFFFEC00  }
0x33d: {  	[tilespmem:s14], [sflag:$0x1] =	stream.indirect.gather [hbm4b:s4+s13], $0x80, s12, s13, $0xb8;
	[tilespmem:$0x1E400] =	vst v63  }
0x33e: {  	s8 =	rddreg [dreg:$0x6]  }
0x33f: {  	[tilespmem:s15], [sflag:$0x2] =	stream.indirect.gather [hbm4b:s4+s13], $0x80, s8, s13, $0xb8;
	[tilespmem:$0x1E400] =	vst v63  }
0x340: {  	_ =	swait.ge [sflag:s16], $0x4000  }
0x341: {  	[sflag:s16] =	ssyncset.done $0x0  }
0x342: {  	[sflag:s16] =	ssyncadd.s32 $0xFFFFC000  }
0x343: {  	[spmem:s2] =	stream.indirect.scatter.add.f32 [tilespmem:s14], [sflag:$0x3], $0x80, s11, s13, $0xb8;
	[tilespmem:$0x1E400] =	vst v63  }
0x344: {  	_ =	swait.ge [sflag:s17], $0x4000  }
0x345: {  	[sflag:s17] =	ssyncset.done $0x0  }
0x346: {  	s9 =	rddreg [dreg:$0x7];
	[sflag:s17] =	ssyncadd.s32 $0xFFFFC000  }
0x347: {  	[tilespmem:s14], [sflag:$0x1] =	stream.indirect.gather [hbm4b:s4+s13], $0x80, s9, s13, $0xb8;
	[tilespmem:$0x1E400] =	vst v63  }
0x348: {  	_ =	swait.ge [sflag:s18], $0x4000  }
0x349: {  	[sflag:s18] =	ssyncset.done $0x0  }
0x34a: {  	s7 =	rddreg [dreg:$0x8];
	[sflag:s18] =	ssyncadd.s32 $0xFFFFC000  }
0x34b: {  	[spmem:s2] =	stream.indirect.scatter.add.f32 [tilespmem:s15], [sflag:$0x4], $0x80, s7, s13, $0xb8;
	[tilespmem:$0x1E400] =	vst v63  }
0x34c: {  	_ =	swait.ge [sflag:s19], $0x4000  }
0x34d: {  	[sflag:s19] =	ssyncset.done $0x0  }
0x34e: {  	s8 =	rddreg [dreg:$0x9];
	[sflag:s19] =	ssyncadd.s32 $0xFFFFC000  }
0x34f: {  	[tilespmem:s15], [sflag:$0x2] =	stream.indirect.gather [hbm4b:s4+s13], $0x80, s8, s13, $0xb8;
	[tilespmem:$0x1E400] =	vst v63  }
0x350: {  	_ =	swait.ge [sflag:s16], $0x4000  }
0x351: {  	[sflag:s16] =	ssyncset.done $0x0  }
0x352: {  	s9 =	rddreg [dreg:$0xa];
	[sflag:s16] =	ssyncadd.s32 $0xFFFFC000  }
0x353: {  	[spmem:s2] =	stream.indirect.scatter.add.f32 [tilespmem:s14], [sflag:$0x3], $0x80, s9, s13, $0xb8;
	[tilespmem:$0x1E400] =	vst v63  }
0x354: {  	_ =	swait.ge [sflag:s17], $0x4000  }
0x355: {  	[sflag:s17] =	ssyncset.done $0x0  }
0x356: {  	s7 =	rddreg [dreg:$0xb];
	[sflag:s17] =	ssyncadd.s32 $0xFFFFC000  }
0x357: {  	[tilespmem:s14], [sflag:$0x1] =	stream.indirect.gather [hbm4b:s4+s13], $0x80, s7, s13, $0xb8;
	[tilespmem:$0x1E400] =	vst v63  }
0x358: {  	_ =	swait.ge [sflag:s18], $0x4000  }
0x359: {  	[sflag:s18] =	ssyncset.done $0x0  }
0x35a: {  	s8 =	rddreg [dreg:$0xc];
	[sflag:s18] =	ssyncadd.s32 $0xFFFFC000  }
0x35b: {  	[spmem:s2] =	stream.indirect.scatter.add.f32 [tilespmem:s15], [sflag:$0x4], $0x80, s8, s13, $0xb8;
	[tilespmem:$0x1E400] =	vst v63  }
0x35c: {  	_ =	swait.ge [sflag:s19], $0x4000  }
0x35d: {  	[sflag:s19] =	ssyncset.done $0x0  }
0x35e: {  	s9 =	rddreg [dreg:$0xd];
	[sflag:s19] =	ssyncadd.s32 $0xFFFFC000  }
0x35f: {  	[tilespmem:s15], [sflag:$0x2] =	stream.indirect.gather [hbm4b:s4+s13], $0x80, s9, s13, $0xb8;
	[tilespmem:$0x1E400] =	vst v63  }
0x360: {  	_ =	swait.ge [sflag:s16], $0x4000  }
0x361: {  	[sflag:s16] =	ssyncset.done $0x0  }
0x362: {  	s7 =	rddreg [dreg:$0xe];
	[sflag:s16] =	ssyncadd.s32 $0xFFFFC000  }
0x363: {  	[spmem:s2] =	stream.indirect.scatter.add.f32 [tilespmem:s14], [sflag:$0x3], $0x80, s7, s13, $0xb8;
	[tilespmem:$0x1E400] =	vst v63  }
0x364: {  	_ =	swait.ge [sflag:s17], $0x4000  }
0x365: {  	[sflag:s17] =	ssyncset.done $0x0  }
0x366: {  	s8 =	rddreg [dreg:$0xf];
	[sflag:s17] =	ssyncadd.s32 $0xFFFFC000  }
0x367: {  	[tilespmem:s14], [sflag:$0x1] =	stream.indirect.gather [hbm4b:s4+s13], $0x80, s8, s13, $0xb8;
	[tilespmem:$0x1E400] =	vst v63  }
0x368: {  	_ =	swait.ge [sflag:s18], $0x4000  }
0x369: {  	[sflag:s18] =	ssyncset.done $0x0  }
0x36a: {  	s9 =	rddreg [dreg:$0x10];
	[sflag:s18] =	ssyncadd.s32 $0xFFFFC000  }
0x36b: {  	[spmem:s2] =	stream.indirect.scatter.add.f32 [tilespmem:s15], [sflag:$0x4], $0x80, s9, s13, $0xb8;
	[tilespmem:$0x1E400] =	vst v63  }
0x36c: {  	_ =	swait.ge [sflag:s19], $0x4000  }
0x36d: {  	[sflag:s19] =	ssyncset.done $0x0  }
0x36e: {  	s7 =	rddreg [dreg:$0x11];
	[sflag:s19] =	ssyncadd.s32 $0xFFFFC000  }
0x36f: {  	[tilespmem:s15], [sflag:$0x2] =	stream.indirect.gather [hbm4b:s4+s13], $0x80, s7, s13, $0xb8;
	[tilespmem:$0x1E400] =	vst v63  }
0x370: {  	_ =	swait.ge [sflag:s16], $0x4000  }
0x371: {  	[sflag:s16] =	ssyncset.done $0x0  }
0x372: {  	s8 =	rddreg [dreg:$0x12];
	[sflag:s16] =	ssyncadd.s32 $0xFFFFC000  }
0x373: {  	[spmem:s2] =	stream.indirect.scatter.add.f32 [tilespmem:s14], [sflag:$0x3], $0x80, s8, s13, $0xb8;
	[tilespmem:$0x1E400] =	vst v63  }
0x374: {  	_ =	swait.ge [sflag:s17], $0x4000  }
0x375: {  	[sflag:s17] =	ssyncset.done $0x0  }
0x376: {  	s9 =	rddreg [dreg:$0x13];
	[sflag:s17] =	ssyncadd.s32 $0xFFFFC000  }
0x377: {  	[tilespmem:s14], [sflag:$0x1] =	stream.indirect.gather [hbm4b:s4+s13], $0x80, s9, s13, $0xb8;
	[tilespmem:$0x1E400] =	vst v63  }
0x378: {  	_ =	swait.ge [sflag:s18], $0x4000  }
0x379: {  	[sflag:s18] =	ssyncset.done $0x0  }
0x37a: {  	s7 =	rddreg [dreg:$0x14];
	[sflag:s18] =	ssyncadd.s32 $0xFFFFC000  }
0x37b: {  	[spmem:s2] =	stream.indirect.scatter.add.f32 [tilespmem:s15], [sflag:$0x4], $0x80, s7, s13, $0xb8;
	[tilespmem:$0x1E400] =	vst v63  }
0x37c: {  	_ =	swait.ge [sflag:s19], $0x4000  }
0x37d: {  	[sflag:s19] =	ssyncset.done $0x0  }
0x37e: {  	s8 =	rddreg [dreg:$0x15];
	[sflag:s19] =	ssyncadd.s32 $0xFFFFC000  }
0x37f: {  	[tilespmem:s15], [sflag:$0x2] =	stream.indirect.gather [hbm4b:s4+s13], $0x80, s8, s13, $0xb8;
	[tilespmem:$0x1E400] =	vst v63  }
0x380: {  	_ =	swait.ge [sflag:s16], $0x4000  }
0x381: {  	[sflag:s16] =	ssyncset.done $0x0  }
0x382: {  	s9 =	rddreg [dreg:$0x16];
	[sflag:s16] =	ssyncadd.s32 $0xFFFFC000  }
0x383: {  	[spmem:s2] =	stream.indirect.scatter.add.f32 [tilespmem:s14], [sflag:$0x3], $0x80, s9, s13, $0xb8;
	[tilespmem:$0x1E400] =	vst v63  }
0x384: {  	_ =	swait.ge [sflag:s17], $0x4000  }
0x385: {  	[sflag:s17] =	ssyncset.done $0x0  }
0x386: {  	s7 =	rddreg [dreg:$0x17];
	[sflag:s17] =	ssyncadd.s32 $0xFFFFC000  }
0x387: {  	[tilespmem:s14], [sflag:$0x1] =	stream.indirect.gather [hbm4b:s4+s13], $0x80, s7, s13, $0xb8;
	[tilespmem:$0x1E400] =	vst v63  }
0x388: {  	_ =	swait.ge [sflag:s18], $0x4000  }
0x389: {  	[sflag:s18] =	ssyncset.done $0x0  }
0x38a: {  	s8 =	rddreg [dreg:$0x18];
	[sflag:s18] =	ssyncadd.s32 $0xFFFFC000  }
0x38b: {  	[spmem:s2] =	stream.indirect.scatter.add.f32 [tilespmem:s15], [sflag:$0x4], $0x80, s8, s13, $0xb8;
	[tilespmem:$0x1E400] =	vst v63  }
0x38c: {  	_ =	swait.ge [sflag:s19], $0x4000  }
0x38d: {  	[sflag:s19] =	ssyncset.done $0x0  }
0x38e: {  	s9 =	rddreg [dreg:$0x19];
	[sflag:s19] =	ssyncadd.s32 $0xFFFFC000  }
0x38f: {  	[tilespmem:s15], [sflag:$0x2] =	stream.indirect.gather [hbm4b:s4+s13], $0x80, s9, s13, $0xb8;
	[tilespmem:$0x1E400] =	vst v63  }
0x390: {  	_ =	swait.ge [sflag:s16], $0x4000  }
0x391: {  	[sflag:s16] =	ssyncset.done $0x0  }
0x392: {  	s7 =	rddreg [dreg:$0x1a];
	[sflag:s16] =	ssyncadd.s32 $0xFFFFC000  }
0x393: {  	[spmem:s2] =	stream.indirect.scatter.add.f32 [tilespmem:s14], [sflag:$0x3], $0x80, s7, s13, $0xb8;
	[tilespmem:$0x1E400] =	vst v63  }
0x394: {  	_ =	swait.ge [sflag:s17], $0x4000  }
0x395: {  	[sflag:s17] =	ssyncset.done $0x0  }
0x396: {  	s8 =	rddreg [dreg:$0x1b];
	[sflag:s17] =	ssyncadd.s32 $0xFFFFC000  }
0x397: {  	[tilespmem:s14], [sflag:$0x1] =	stream.indirect.gather [hbm4b:s4+s13], $0x80, s8, s13, $0xb8;
	[tilespmem:$0x1E400] =	vst v63  }
0x398: {  	_ =	swait.ge [sflag:s18], $0x4000  }
0x399: {  	[sflag:s18] =	ssyncset.done $0x0  }
0x39a: {  	s9 =	rddreg [dreg:$0x1c];
	[sflag:s18] =	ssyncadd.s32 $0xFFFFC000  }
0x39b: {  	[spmem:s2] =	stream.indirect.scatter.add.f32 [tilespmem:s15], [sflag:$0x4], $0x80, s9, s13, $0xb8;
	[tilespmem:$0x1E400] =	vst v63  }
0x39c: {  	_ =	swait.ge [sflag:s19], $0x4000  }
0x39d: {  	[sflag:s19] =	ssyncset.done $0x0  }
0x39e: {  	s7 =	rddreg [dreg:$0x1d];
	[sflag:s19] =	ssyncadd.s32 $0xFFFFC000  }
0x39f: {  	[tilespmem:s15], [sflag:$0x2] =	stream.indirect.gather [hbm4b:s4+s13], $0x80, s7, s13, $0xb8;
	[tilespmem:$0x1E400] =	vst v63  }
0x3a0: {  	_ =	swait.ge [sflag:s16], $0x4000  }
0x3a1: {  	[sflag:s16] =	ssyncset.done $0x0  }
0x3a2: {  	s8 =	rddreg [dreg:$0x1e];
	[sflag:s16] =	ssyncadd.s32 $0xFFFFC000  }
0x3a3: {  	[spmem:s2] =	stream.indirect.scatter.add.f32 [tilespmem:s14], [sflag:$0x3], $0x80, s8, s13, $0xb8;
	[tilespmem:$0x1E400] =	vst v63  }
0x3a4: {  	_ =	swait.ge [sflag:s17], $0x4000  }
0x3a5: {  	[sflag:s17] =	ssyncset.done $0x0  }
0x3a6: {  	s9 =	rddreg [dreg:$0x1f];
	[sflag:s17] =	ssyncadd.s32 $0xFFFFC000  }
0x3a7: {  	[tilespmem:s14], [sflag:$0x1] =	stream.indirect.gather [hbm4b:s4+s13], $0x80, s9, s13, $0xb8;
	[tilespmem:$0x1E400] =	vst v63  }
0x3a8: {  	_ =	swait.ge [sflag:s18], $0x4000  }
0x3a9: {  	s7 =	sld [smem:$0x7D3]  }
0x3aa: {  	[sflag:s18] =	ssyncset.done $0x0  }
0x3ab: {  	[sflag:s18] =	ssyncadd.s32 $0xFFFFC000  }
0x3ac: {  	[spmem:s2] =	stream.indirect.scatter.add.f32 [tilespmem:s15], [sflag:$0x4], $0x80, s7, s13, $0xb8;
	[tilespmem:$0x1E400] =	vst v63  }
0x3ad: {  	_ =	swait.ge [sflag:s19], $0x4000  }
0x3ae: {  	s8 =	sld [smem:$0x7D4]  }
0x3af: {  	[sflag:s19] =	ssyncset.done $0x0  }
0x3b0: {  	[sflag:s19] =	ssyncadd.s32 $0xFFFFC000  }
0x3b1: {  	[tilespmem:s15], [sflag:$0x2] =	stream.indirect.gather [hbm4b:s4+s13], $0x80, s8, s13, $0xb8;
	[tilespmem:$0x1E400] =	vst v63  }
0x3b2: {  	_ =	swait.ge [sflag:s16], $0x4000  }
0x3b3: {  	s9 =	sld [smem:$0x7D5]  }
0x3b4: {  	[sflag:s16] =	ssyncset.done $0x0  }
0x3b5: {  	[sflag:s16] =	ssyncadd.s32 $0xFFFFC000  }
0x3b6: {  	[spmem:s2] =	stream.indirect.scatter.add.f32 [tilespmem:s14], [sflag:$0x3], $0x80, s9, s13, $0xb8;
	[tilespmem:$0x1E400] =	vst v63  }
0x3b7: {  	_ =	swait.ge [sflag:s17], $0x4000  }
0x3b8: {  	s7 =	sld [smem:$0x7D6]  }
0x3b9: {  	[sflag:s17] =	ssyncset.done $0x0  }
0x3ba: {  	[sflag:s17] =	ssyncadd.s32 $0xFFFFC000  }
0x3bb: {  	[tilespmem:s14], [sflag:$0x1] =	stream.indirect.gather [hbm4b:s4+s13], $0x80, s7, s13, $0xb8;
	[tilespmem:$0x1E400] =	vst v63  }
0x3bc: {  	_ =	swait.ge [sflag:s18], $0x4000  }
0x3bd: {  	s8 =	sld [smem:$0x7D7]  }
0x3be: {  	[sflag:s18] =	ssyncset.done $0x0  }
0x3bf: {  	[sflag:s18] =	ssyncadd.s32 $0xFFFFC000  }
0x3c0: {  	[spmem:s2] =	stream.indirect.scatter.add.f32 [tilespmem:s15], [sflag:$0x4], $0x80, s8, s13, $0xb8;
	[tilespmem:$0x1E400] =	vst v63  }
0x3c1: {  	_ =	swait.ge [sflag:s19], $0x4000  }
0x3c2: {  	s9 =	sld [smem:$0x7D8]  }
0x3c3: {  	[sflag:s19] =	ssyncset.done $0x0  }
0x3c4: {  	[sflag:s19] =	ssyncadd.s32 $0xFFFFC000  }
0x3c5: {  	[tilespmem:s15], [sflag:$0x2] =	stream.indirect.gather [hbm4b:s4+s13], $0x80, s9, s13, $0xb8;
	[tilespmem:$0x1E400] =	vst v63  }
0x3c6: {  	_ =	swait.ge [sflag:s16], $0x4000  }
0x3c7: {  	s7 =	sld [smem:$0x7D9]  }
0x3c8: {  	[sflag:s16] =	ssyncset.done $0x0  }
0x3c9: {  	[sflag:s16] =	ssyncadd.s32 $0xFFFFC000  }
0x3ca: {  	[spmem:s2] =	stream.indirect.scatter.add.f32 [tilespmem:s14], [sflag:$0x3], $0x80, s7, s13, $0xb8;
	[tilespmem:$0x1E400] =	vst v63  }
0x3cb: {  	_ =	swait.ge [sflag:s17], $0x4000  }
0x3cc: {  	s8 =	sld [smem:$0x7DA]  }
0x3cd: {  	[sflag:s17] =	ssyncset.done $0x0  }
0x3ce: {  	[sflag:s17] =	ssyncadd.s32 $0xFFFFC000  }
0x3cf: {  	[tilespmem:s14], [sflag:$0x1] =	stream.indirect.gather [hbm4b:s4+s13], $0x80, s8, s13, $0xb8;
	[tilespmem:$0x1E400] =	vst v63  }
0x3d0: {  	_ =	swait.ge [sflag:s18], $0x4000  }
0x3d1: {  	s9 =	sld [smem:$0x7DB]  }
0x3d2: {  	[sflag:s18] =	ssyncset.done $0x0  }
0x3d3: {  	[sflag:s18] =	ssyncadd.s32 $0xFFFFC000  }
0x3d4: {  	[spmem:s2] =	stream.indirect.scatter.add.f32 [tilespmem:s15], [sflag:$0x4], $0x80, s9, s13, $0xb8;
	[tilespmem:$0x1E400] =	vst v63  }
0x3d5: {  	_ =	swait.ge [sflag:s19], $0x4000  }
0x3d6: {  	s7 =	sld [smem:$0x7DC]  }
0x3d7: {  	[sflag:s19] =	ssyncset.done $0x0  }
0x3d8: {  	[sflag:s19] =	ssyncadd.s32 $0xFFFFC000  }
0x3d9: {  	[tilespmem:s15], [sflag:$0x2] =	stream.indirect.gather [hbm4b:s4+s13], $0x80, s7, s13, $0xb8;
	[tilespmem:$0x1E400] =	vst v63  }
0x3da: {  	_ =	swait.ge [sflag:s16], $0x4000  }
0x3db: {  	s8 =	sld [smem:$0x7DD]  }
0x3dc: {  	[sflag:s16] =	ssyncset.done $0x0  }
0x3dd: {  	[sflag:s16] =	ssyncadd.s32 $0xFFFFC000  }
0x3de: {  	[spmem:s2] =	stream.indirect.scatter.add.f32 [tilespmem:s14], [sflag:$0x3], $0x80, s8, s13, $0xb8;
	[tilespmem:$0x1E400] =	vst v63  }
0x3df: {  	_ =	swait.ge [sflag:s17], $0x4000  }
0x3e0: {  	s9 =	sld [smem:$0x7DE]  }
0x3e1: {  	[sflag:s17] =	ssyncset.done $0x0  }
0x3e2: {  	[sflag:s17] =	ssyncadd.s32 $0xFFFFC000  }
0x3e3: {  	[tilespmem:s14], [sflag:$0x1] =	stream.indirect.gather [hbm4b:s4+s13], $0x80, s9, s13, $0xb8;
	[tilespmem:$0x1E400] =	vst v63  }
0x3e4: {  	_ =	swait.ge [sflag:s18], $0x4000  }
0x3e5: {  	s7 =	sld [smem:$0x7DF]  }
0x3e6: {  	[sflag:s18] =	ssyncset.done $0x0  }
0x3e7: {  	[sflag:s18] =	ssyncadd.s32 $0xFFFFC000  }
0x3e8: {  	[spmem:s2] =	stream.indirect.scatter.add.f32 [tilespmem:s15], [sflag:$0x4], $0x80, s7, s13, $0xb8;
	[tilespmem:$0x1E400] =	vst v63  }
0x3e9: {  	_ =	swait.ge [sflag:s19], $0x4000  }
0x3ea: {  	s8 =	sld [smem:$0x7E0]  }
0x3eb: {  	[sflag:s19] =	ssyncset.done $0x0  }
0x3ec: {  	[sflag:s19] =	ssyncadd.s32 $0xFFFFC000  }
0x3ed: {  	[tilespmem:s15], [sflag:$0x2] =	stream.indirect.gather [hbm4b:s4+s13], $0x80, s8, s13, $0xb8;
	[tilespmem:$0x1E400] =	vst v63  }
0x3ee: {  	_ =	swait.ge [sflag:s16], $0x4000  }
0x3ef: {  	s9 =	sld [smem:$0x7E1]  }
0x3f0: {  	[sflag:s16] =	ssyncset.done $0x0  }
0x3f1: {  	[sflag:s16] =	ssyncadd.s32 $0xFFFFC000  }
0x3f2: {  	[spmem:s2] =	stream.indirect.scatter.add.f32 [tilespmem:s14], [sflag:$0x3], $0x80, s9, s13, $0xb8;
	[tilespmem:$0x1E400] =	vst v63  }
0x3f3: {  	_ =	swait.ge [sflag:s17], $0x4000  }
0x3f4: {  	s7 =	sld [smem:$0x7E2]  }
0x3f5: {  	[sflag:s17] =	ssyncset.done $0x0  }
0x3f6: {  	[sflag:s17] =	ssyncadd.s32 $0xFFFFC000  }
0x3f7: {  	[tilespmem:s14], [sflag:$0x1] =	stream.indirect.gather [hbm4b:s4+s13], $0x80, s7, s13, $0xb8;
	[tilespmem:$0x1E400] =	vst v63  }
0x3f8: {  	_ =	swait.ge [sflag:s18], $0x4000  }
0x3f9: {  	s8 =	sld [smem:$0x7E3]  }
0x3fa: {  	[sflag:s18] =	ssyncset.done $0x0  }
0x3fb: {  	[sflag:s18] =	ssyncadd.s32 $0xFFFFC000  }
0x3fc: {  	[spmem:s2] =	stream.indirect.scatter.add.f32 [tilespmem:s15], [sflag:$0x4], $0x80, s8, s13, $0xb8;
	[tilespmem:$0x1E400] =	vst v63  }
0x3fd: {  	_ =	swait.ge [sflag:s19], $0x4000  }
0x3fe: {  	s9 =	sld [smem:$0x7E4]  }
0x3ff: {  	[sflag:s19] =	ssyncset.done $0x0  }
0x400: {  	[sflag:s19] =	ssyncadd.s32 $0xFFFFC000  }
0x401: {  	[tilespmem:s15], [sflag:$0x2] =	stream.indirect.gather [hbm4b:s4+s13], $0x80, s9, s13, $0xb8;
	[tilespmem:$0x1E400] =	vst v63  }
0x402: {  	_ =	swait.ge [sflag:s16], $0x4000  }
0x403: {  	s7 =	sld [smem:$0x7E5]  }
0x404: {  	[sflag:s16] =	ssyncset.done $0x0  }
0x405: {  	[sflag:s16] =	ssyncadd.s32 $0xFFFFC000  }
0x406: {  	[spmem:s2] =	stream.indirect.scatter.add.f32 [tilespmem:s14], [sflag:$0x3], $0x80, s7, s13, $0xb8;
	[tilespmem:$0x1E400] =	vst v63  }
0x407: {  	_ =	swait.ge [sflag:s17], $0x4000  }
0x408: {  	s8 =	sld [smem:$0x7E6]  }
0x409: {  	[sflag:s17] =	ssyncset.done $0x0  }
0x40a: {  	[sflag:s17] =	ssyncadd.s32 $0xFFFFC000  }
0x40b: {  	[tilespmem:s14], [sflag:$0x1] =	stream.indirect.gather [hbm4b:s4+s13], $0x80, s8, s13, $0xb8;
	[tilespmem:$0x1E400] =	vst v63  }
0x40c: {  	_ =	swait.ge [sflag:s18], $0x4000  }
0x40d: {  	s9 =	sld [smem:$0x7E7]  }
0x40e: {  	[sflag:s18] =	ssyncset.done $0x0  }
0x40f: {  	[sflag:s18] =	ssyncadd.s32 $0xFFFFC000  }
0x410: {  	[spmem:s2] =	stream.indirect.scatter.add.f32 [tilespmem:s15], [sflag:$0x4], $0x80, s9, s13, $0xb8;
	[tilespmem:$0x1E400] =	vst v63  }
0x411: {  	_ =	swait.ge [sflag:s19], $0x4000  }
0x412: {  	s7 =	sld [smem:$0x7E8]  }
0x413: {  	[sflag:s19] =	ssyncset.done $0x0  }
0x414: {  	[sflag:s19] =	ssyncadd.s32 $0xFFFFC000  }
0x415: {  	[tilespmem:s15], [sflag:$0x2] =	stream.indirect.gather [hbm4b:s4+s13], $0x80, s7, s13, $0xb8;
	[tilespmem:$0x1E400] =	vst v63  }
0x416: {  	_ =	swait.ge [sflag:s16], $0x4000  }
0x417: {  	s8 =	sld [smem:$0x7E9]  }
0x418: {  	[sflag:s16] =	ssyncset.done $0x0  }
0x419: {  	[sflag:s16] =	ssyncadd.s32 $0xFFFFC000  }
0x41a: {  	[spmem:s2] =	stream.indirect.scatter.add.f32 [tilespmem:s14], [sflag:$0x3], $0x80, s8, s13, $0xb8;
	[tilespmem:$0x1E400] =	vst v63  }
0x41b: {  	_ =	swait.ge [sflag:s17], $0x4000  }
0x41c: {  	s9 =	sld [smem:$0x7EB]  }
0x41d: {  	[sflag:s17] =	ssyncset.done $0x0  }
0x41e: {  	[sflag:s17] =	ssyncadd.s32 $0xFFFFC000  }
0x41f: {  	[tilespmem:s14], [sflag:$0x1] =	stream.indirect.gather [hbm4b:s4+s13], $0x80, s9, s13, $0xb8;
	[tilespmem:$0x1E400] =	vst v63  }
0x420: {  	_ =	swait.ge [sflag:s18], $0x4000  }
0x421: {  	s7 =	sld [smem:$0x7EC]  }
0x422: {  	[sflag:s18] =	ssyncset.done $0x0  }
0x423: {  	[sflag:s18] =	ssyncadd.s32 $0xFFFFC000  }
0x424: {  	[spmem:s2] =	stream.indirect.scatter.add.f32 [tilespmem:s15], [sflag:$0x4], $0x80, s7, s13, $0xb8;
	[tilespmem:$0x1E400] =	vst v63  }
0x425: {  	_ =	swait.ge [sflag:s19], $0x4000  }
0x426: {  	s8 =	sld [smem:$0x7ED]  }
0x427: {  	[sflag:s19] =	ssyncset.done $0x0  }
0x428: {  	[sflag:s19] =	ssyncadd.s32 $0xFFFFC000  }
0x429: {  	[tilespmem:s15], [sflag:$0x2] =	stream.indirect.gather [hbm4b:s4+s13], $0x80, s8, s13, $0xb8;
	[tilespmem:$0x1E400] =	vst v63  }
0x42a: {  	_ =	swait.ge [sflag:s16], $0x4000  }
0x42b: {  	s9 =	sld [smem:$0x7EF]  }
0x42c: {  	[sflag:s16] =	ssyncset.done $0x0  }
0x42d: {  	[sflag:s16] =	ssyncadd.s32 $0xFFFFC000  }
0x42e: {  	[spmem:s2] =	stream.indirect.scatter.add.f32 [tilespmem:s14], [sflag:$0x3], $0x80, s9, s13, $0xb8;
	[tilespmem:$0x1E400] =	vst v63  }
0x42f: {  	_ =	swait.ge [sflag:s17], $0x4000  }
0x430: {  	s7 =	sld [smem:$0x7F1]  }
0x431: {  	[sflag:s17] =	ssyncset.done $0x0  }
0x432: {  	[sflag:s17] =	ssyncadd.s32 $0xFFFFC000  }
0x433: {  	[tilespmem:s14], [sflag:$0x1] =	stream.indirect.gather [hbm4b:s4+s13], $0x80, s7, s13, $0xb8;
	[tilespmem:$0x1E400] =	vst v63  }
0x434: {  	_ =	swait.ge [sflag:s18], $0x4000  }
0x435: {  	s8 =	sld [smem:$0x7F2]  }
0x436: {  	[sflag:s18] =	ssyncset.done $0x0  }
0x437: {  	[sflag:s18] =	ssyncadd.s32 $0xFFFFC000  }
0x438: {  	[spmem:s2] =	stream.indirect.scatter.add.f32 [tilespmem:s15], [sflag:$0x4], $0x80, s8, s13, $0xb8;
	[tilespmem:$0x1E400] =	vst v63  }
0x439: {  	_ =	swait.ge [sflag:s19], $0x4000  }
0x43a: {  	s9 =	sld [smem:$0x7F3]  }
0x43b: {  	[sflag:s19] =	ssyncset.done $0x0  }
0x43c: {  	[sflag:s19] =	ssyncadd.s32 $0xFFFFC000  }
0x43d: {  	[tilespmem:s15], [sflag:$0x2] =	stream.indirect.gather [hbm4b:s4+s13], $0x80, s9, s13, $0xb8;
	[tilespmem:$0x1E400] =	vst v63  }
0x43e: {  	_ =	swait.ge [sflag:s16], $0x4000  }
0x43f: {  	s7 =	sld [smem:$0x7F4]  }
0x440: {  	[sflag:s16] =	ssyncset.done $0x0  }
0x441: {  	[sflag:s16] =	ssyncadd.s32 $0xFFFFC000  }
0x442: {  	[spmem:s2] =	stream.indirect.scatter.add.f32 [tilespmem:s14], [sflag:$0x3], $0x80, s7, s13, $0xb8;
	[tilespmem:$0x1E400] =	vst v63  }
0x443: {  	_ =	swait.ge [sflag:s17], $0x4000  }
0x444: {  	s8 =	sld [smem:$0x7F5]  }
0x445: {  	[sflag:s17] =	ssyncset.done $0x0  }
0x446: {  	[sflag:s17] =	ssyncadd.s32 $0xFFFFC000  }
0x447: {  	[tilespmem:s14], [sflag:$0x1] =	stream.indirect.gather [hbm4b:s4+s13], $0x80, s8, s13, $0xb8;
	[tilespmem:$0x1E400] =	vst v63  }
0x448: {  	_ =	swait.ge [sflag:s18], $0x4000  }
0x449: {  	s9 =	sld [smem:$0x7F6]  }
0x44a: {  	[sflag:s18] =	ssyncset.done $0x0  }
0x44b: {  	[sflag:s18] =	ssyncadd.s32 $0xFFFFC000  }
0x44c: {  	[spmem:s2] =	stream.indirect.scatter.add.f32 [tilespmem:s15], [sflag:$0x4], $0x80, s9, s13, $0xb8;
	[tilespmem:$0x1E400] =	vst v63  }
0x44d: {  	_ =	swait.ge [sflag:s19], $0x4000  }
0x44e: {  	s7 =	sld [smem:$0x7F7]  }
0x44f: {  	[sflag:s19] =	ssyncset.done $0x0  }
0x450: {  	[sflag:s19] =	ssyncadd.s32 $0xFFFFC000  }
0x451: {  	[tilespmem:s15], [sflag:$0x2] =	stream.indirect.gather [hbm4b:s4+s13], $0x80, s7, s13, $0xb8;
	[tilespmem:$0x1E400] =	vst v63  }
0x452: {  	_ =	swait.ge [sflag:s16], $0x4000  }
0x453: {  	s8 =	sld [smem:$0x7F8]  }
0x454: {  	[sflag:s16] =	ssyncset.done $0x0  }
0x455: {  	[sflag:s16] =	ssyncadd.s32 $0xFFFFC000  }
0x456: {  	[spmem:s2] =	stream.indirect.scatter.add.f32 [tilespmem:s14], [sflag:$0x3], $0x80, s8, s13, $0xb8;
	[tilespmem:$0x1E400] =	vst v63  }
0x457: {  	_ =	swait.ge [sflag:s17], $0x4000  }
0x458: {  	s9 =	sld [smem:$0x7F9]  }
0x459: {  	[sflag:s17] =	ssyncset.done $0x0  }
0x45a: {  	[sflag:s17] =	ssyncadd.s32 $0xFFFFC000  }
0x45b: {  	[tilespmem:s14], [sflag:$0x1] =	stream.indirect.gather [hbm4b:s4+s13], $0x80, s9, s13, $0xb8;
	[tilespmem:$0x1E400] =	vst v63  }
0x45c: {  	_ =	swait.ge [sflag:s18], $0x4000  }
0x45d: {  	s7 =	sld [smem:$0x7FA]  }
0x45e: {  	[sflag:s18] =	ssyncset.done $0x0  }
0x45f: {  	[sflag:s18] =	ssyncadd.s32 $0xFFFFC000  }
0x460: {  	[spmem:s2] =	stream.indirect.scatter.add.f32 [tilespmem:s15], [sflag:$0x4], $0x80, s7, s13, $0xb8;
	[tilespmem:$0x1E400] =	vst v63  }
0x461: {  	_ =	swait.ge [sflag:s19], $0x4000  }
0x462: {  	s8 =	sld [smem:$0x7FB]  }
0x463: {  	[sflag:s19] =	ssyncset.done $0x0  }
0x464: {  	[sflag:s19] =	ssyncadd.s32 $0xFFFFC000  }
0x465: {  	[tilespmem:s15], [sflag:$0x2] =	stream.indirect.gather [hbm4b:s4+s13], $0x80, s8, s13, $0xb8;
	[tilespmem:$0x1E400] =	vst v63  }
0x466: {  	_ =	swait.ge [sflag:s16], $0x4000  }
0x467: {  	[sflag:s16] =	ssyncset.done $0x0  }
0x468: {  	[sflag:s16] =	ssyncadd.s32 $0xFFFFC000  }
0x469: {  	[spmem:s2] =	stream.indirect.scatter.add.f32 [tilespmem:s14], [sflag:$0x3], $0x80, s20, s13, $0xb8;
	[tilespmem:$0x1E400] =	vst v63  }
0x46a: {  	_ =	swait.ge [sflag:s17], $0x4000  }
0x46b: {  	[sflag:s17] =	ssyncset.done $0x0  }
0x46c: {  	[sflag:s17] =	ssyncadd.s32 $0xFFFFC000  }
0x46d: {  	[tilespmem:s14], [sflag:$0x1] =	stream.indirect.gather [hbm4b:s4+s13], $0x80, s21, s13, $0xb8;
	[tilespmem:$0x1E400] =	vst v63  }
0x46e: {  	_ =	swait.ge [sflag:s18], $0x4000  }
0x46f: {  	[sflag:s18] =	ssyncset.done $0x0  }
0x470: {  	[sflag:s18] =	ssyncadd.s32 $0xFFFFC000  }
0x471: {  	[spmem:s2] =	stream.indirect.scatter.add.f32 [tilespmem:s15], [sflag:$0x4], $0x80, s22, s13, $0xb8;
	[tilespmem:$0x1E400] =	vst v63  }
0x472: {  	_ =	swait.ge [sflag:s19], $0x4000  }
0x473: {  	[sflag:s19] =	ssyncset.done $0x0  }
0x474: {  	[sflag:s19] =	ssyncadd.s32 $0xFFFFC000  }
0x475: {  	[tilespmem:s15], [sflag:$0x2] =	stream.indirect.gather [hbm4b:s4+s13], $0x80, s23, s13, $0xb8;
	[tilespmem:$0x1E400] =	vst v63  }
0x476: {  	_ =	swait.ge [sflag:s16], $0x4000  }
0x477: {  	[sflag:s16] =	ssyncset.done $0x0  }
0x478: {  	[sflag:s16] =	ssyncadd.s32 $0xFFFFC000  }
0x479: {  	[spmem:s2] =	stream.indirect.scatter.add.f32 [tilespmem:s14], [sflag:$0x3], $0x80, s24, s13, $0xb8;
	[tilespmem:$0x1E400] =	vst v63  }
0x47a: {  	_ =	swait.ge [sflag:s17], $0x4000  }
0x47b: {  	[sflag:s17] =	ssyncset.done $0x0  }
0x47c: {  	[sflag:s17] =	ssyncadd.s32 $0xFFFFC000  }
0x47d: {  	[tilespmem:s14], [sflag:$0x1] =	stream.indirect.gather [hbm4b:s4+s13], $0x80, s25, s13, $0xb8;
	[tilespmem:$0x1E400] =	vst v63  }
0x47e: {  	_ =	swait.ge [sflag:s18], $0x4000  }
0x47f: {  	[sflag:s18] =	ssyncset.done $0x0  }
0x480: {  	[sflag:s18] =	ssyncadd.s32 $0xFFFFC000  }
0x481: {  	[spmem:s2] =	stream.indirect.scatter.add.f32 [tilespmem:s15], [sflag:$0x4], $0x80, s26, s13, $0xb8;
	[tilespmem:$0x1E400] =	vst v63  }
0x482: {  	_ =	swait.ge [sflag:s19], $0x4000  }
0x483: {  	[sflag:s19] =	ssyncset.done $0x0  }
0x484: {  	[sflag:s19] =	ssyncadd.s32 $0xFFFFC000  }
0x485: {  	[tilespmem:s15], [sflag:$0x2] =	stream.indirect.gather [hbm4b:s4+s13], $0x80, s28, s13, $0xb8;
	[tilespmem:$0x1E400] =	vst v63  }
0x486: {  	_ =	swait.ge [sflag:s16], $0x4000  }
0x487: {  	[sflag:s16] =	ssyncset.done $0x0  }
0x488: {  	[sflag:s16] =	ssyncadd.s32 $0xFFFFC000  }
0x489: {  	[spmem:s2] =	stream.indirect.scatter.add.f32 [tilespmem:s14], [sflag:$0x3], $0x80, s29, s13, $0xb8;
	[tilespmem:$0x1E400] =	vst v63  }
0x48a: {  	_ =	swait.ge [sflag:s17], $0x4000  }
0x48b: {  	[sflag:s17] =	ssyncset.done $0x0  }
0x48c: {  	[sflag:s17] =	ssyncadd.s32 $0xFFFFC000  }
0x48d: {  	[tilespmem:s14], [sflag:$0x1] =	stream.indirect.gather [hbm4b:s4+s13], $0x80, s30, s13, $0xb8;
	[tilespmem:$0x1E400] =	vst v63  }
0x48e: {  	_ =	swait.ge [sflag:s18], $0x4000  }
0x48f: {  	[sflag:s18] =	ssyncset.done $0x0  }
0x490: {  	[sflag:s18] =	ssyncadd.s32 $0xFFFFC000  }
0x491: {  	[spmem:s2] =	stream.indirect.scatter.add.f32 [tilespmem:s15], [sflag:$0x4], $0x80, s31, s13, $0xb8;
	[tilespmem:$0x1E400] =	vst v63  }
0x492: {  	_ =	swait.ge [sflag:s19], $0x4000  }
0x493: {  	[sflag:s19] =	ssyncset.done $0x0  }
0x494: {  	[sflag:s19] =	ssyncadd.s32 $0xFFFFC000  }
0x495: {  	[tilespmem:s15], [sflag:$0x2] =	stream.indirect.gather [hbm4b:s4+s13], $0x80, s1, s13, $0xb8;
	[tilespmem:$0x1E400] =	vst v63  }
0x496: {  	_ =	swait.ge [sflag:s16], $0x4000  }
0x497: {  	[sflag:s16] =	ssyncset.done $0x0  }
0x498: {  	[sflag:s16] =	ssyncadd.s32 $0xFFFFC000  }
0x499: {  	[spmem:s2] =	stream.indirect.scatter.add.f32 [tilespmem:s14], [sflag:$0x3], $0x80, s0, s13, $0xb8;
	[tilespmem:$0x1E400] =	vst v63  }
0x49a: {  	_ =	swait.ge [sflag:s18], $0x4000  }
0x49b: {  	[sflag:s18] =	ssyncset.done $0x0  }
0x49c: {  	[sflag:s18] =	ssyncadd.s32 $0xFFFFC000  }
0x49d: {  	[spmem:s2] =	stream.indirect.scatter.add.f32 [tilespmem:s15], [sflag:$0x4], $0x80, s5, s13, $0xb8;
	[tilespmem:$0x1E400] =	vst v63  }
0x49e: {  	_ =	swait.ge [sflag:s17], $0x4000  }
0x49f: {  	[sflag:s17] =	ssyncset.done $0x0  }
0x4a0: {  	[sflag:s17] =	ssyncadd.s32 $0xFFFFC000  }
0x4a1: {  	_ =	swait.ge [sflag:s19], $0x4000  }
0x4a2: {  	[sflag:s19] =	ssyncset.done $0x0  }
0x4a3: {  	[sflag:s19] =	ssyncadd.s32 $0xFFFFC000  }
0x4a4: {  	[bflag:$0x0] =	sbarrier.arrive $0xFFFF  }
0x4a5: {  	s8 =	sld [smem:$0x7FC]  }
0x4a6: {  	s9 =	sld [smem:$0x7EE]  }
0x4a7: {  	s7 =	sld [smem:$0x7FD];
	_ =	sdelay $0x2  }
0x4a8: {  	[hbm:s9], [sflag:s8] =	dma.local [spmem:s7], $0x2780  }
0x4a9: {  	_ =	swait.ge [sflag:s10], $0x2780  }
0x4aa: {  	s6 =	sld [smem:$0x7D2];
	_ =	sdelay $0x2  }
0x4ab: {  	s9 =	sadd.s32 $0x1, s6;
	s6 =	sld [smem:$0x7F0];
	_ =	sdelay $0x2  }
0x4ac: {  	p0 =	sne.s32 s9, s6  }
.Ltmp1:
0x4ad: {  	_ = 	snop;
	(pc) =	sbr.rel @p0 .LBB2_1-.Ltmp1, $3  }
0x4ae: {  	_ =	sdelay $0x1  }
0x4af: {  	[sflag:s10] =	ssyncset.done $0x0  }
0x4b0: {  	[sflag:s10] =	ssyncadd.s32 $0xFFFFD880  }
0x4b1: {  	_ =	sfence.sel $0x180000  }
0x4b2: {  	[bflag:$0x0] =	sbarrier.arrive $0xFFFF  }
0x4b3: {  	_ =	strace $0x90000047  }
0x4b4: {  	s0 =	stileid.u32;
	[bflag:$0x2] =	sbarrier.arrive $0xFFFF  }
0x4b5: {  	p0 =	sne.s32 s0, $0x0;
	s0 =	rddreg [dreg:$0x3]  }
0x4b6: {  	s0 =	sadd.s32 @!p0 $0x100000, s0  }
0x4b7: {  	[sflag:s0] =	ssyncadd.tile.s32 @!p0 $0x1;
	_ =	shalt  }
.Lfunc_end2:
_tile_overlayer_lowered:
.L_overlay_start_2:
0x4b8: {  	(tag) =	ssettag $0x2  }
0x4b9: {  	s0 =	rddreg [dreg:$0x0];
	s2 =	stileid.u32  }
0x4ba: {  	s1 =	rddreg [dreg:$0x1];
	p0 =	sne.s32 s2, $0x0  }
0x4bb: {  	s3 =	rddreg [dreg:$0x2];
	[bflag:$0x3] =	sbarrier.arrive $0xFFFF;
	s2 =	simm.s32 @!p0 $0x1C05  }
0x4bc: {  	[timem:s3], [sflag:s2] =	dma.local @!p0 [hbm:s0], s1  }
0x4bd: {  	s0 =	simm.s32 @!p0 $0x5  }
0x4be: {  	_ =	swait.ge @!p0 [sflag:s0], s1  }
0x4bf: {  	s1 =	ssub.s32 @!p0 $0x0, s1;
	[sflag:s0] =	ssyncset.done @!p0 $0x0  }
0x4c0: {  	[sflag:s0] =	ssyncadd.s32 @!p0 s1  }
0x4c1: {  	[bflag:$0x3] =	sbarrier.arrive $0xFFFF  }
0x4c2: {  	_ =	shalt  }

</sc_bundles>
